<compile_context>
chip_gen: v7x
topology: tpu7x:2x2x1
jax: 0.10.2.dev20260603
libtpu: 0.0.44.dev20260713+nightly
codegen_flags: <defaults>
</compile_context>

<pallas_src>
import functools

import jax
import jax.numpy as jnp
from jax import lax
from jax.experimental import pallas as pl
from jax.experimental.pallas import tpu as pltpu
from jax.experimental.pallas import tpu_sc as plsc

N = 10000
L = 2
F = 128
H = 64
M = L * N
E2 = 640000
MP = 20480
NTILES = 16
CH = 80


_NCKH = E2 // (2 * NTILES) // CH
_KH = 8


def _sc_hist(src_h, trg_h, zeros_m):
    ms = MP // NTILES
    mesh = plsc.VectorSubcoreMesh(core_axis_name="c", subcore_axis_name="s")

    @functools.partial(
        pl.kernel,
        out_type=jax.ShapeDtypeStruct((2, 2, MP), jnp.float32),
        mesh=mesh,
        scratch_types=[
            pltpu.VMEM((_NCKH, CH), jnp.int32),
            pltpu.VMEM((_NCKH, CH), jnp.int32),
            pltpu.VMEM((CH,), jnp.float32),
            pltpu.VMEM_SHARED((MP,), jnp.float32),
            pltpu.VMEM_SHARED((MP,), jnp.float32),
            pltpu.SemaphoreType.DMA,
            pltpu.SemaphoreType.DMA,
            pltpu.SemaphoreType.DMA,
        ],
    )
    def hist_kernel(src_hbm, trg_hbm, zeros_hbm, out_hbm,
                    idx_s, idx_t, ones_v, acc_s, acc_t, sem_i, sem_a, sem_b):
        c = lax.axis_index("c")
        s = lax.axis_index("s")
        for j in range(CH // 16):
            ones_v[pl.ds(j * 16, 16)] = jnp.full((16,), 1.0, jnp.float32)
        d1 = pltpu.make_async_copy(src_hbm.at[s, c], idx_s, sem_i)
        d2 = pltpu.make_async_copy(trg_hbm.at[s, c], idx_t, sem_i)
        d1.start()
        d2.start()
        pltpu.sync_copy(zeros_hbm.at[pl.ds(s * ms, ms)], acc_s.at[pl.ds(s * ms, ms)])
        pltpu.sync_copy(zeros_hbm.at[pl.ds(s * ms, ms)], acc_t.at[pl.ds(s * ms, ms)])
        d1.wait()
        d2.wait()
        plsc.subcore_barrier()

        def fire(g):
            pltpu.make_async_copy(ones_v, acc_s.at[idx_s.at[g]], sem_a).start(add=True)
            pltpu.make_async_copy(ones_v, acc_t.at[idx_t.at[g]], sem_b).start(add=True)

        def drain(g):
            pltpu.make_async_copy(ones_v, acc_s.at[idx_s.at[g]], sem_a).wait()
            pltpu.make_async_copy(ones_v, acc_t.at[idx_t.at[g]], sem_b).wait()

        for g in range(_KH):
            fire(g)

        def body(i, carry):
            drain(i - _KH)
            fire(i)
            return carry

        lax.fori_loop(_KH, _NCKH, body, 0)
        for g in range(_KH):
            drain(g)
        plsc.subcore_barrier()
        pltpu.sync_copy(acc_s.at[pl.ds(s * ms, ms)], out_hbm.at[c, 0, pl.ds(s * ms, ms)])
        pltpu.sync_copy(acc_t.at[pl.ds(s * ms, ms)], out_hbm.at[c, 1, pl.ds(s * ms, ms)])

    return hist_kernel(src_h, trg_h, zeros_m)


_CHM = 125
_NCK = E2 // NTILES // _CHM
_NBUF = 5
_IBLK = 10
_NBLK = _NCK // _IBLK
_NGRPB = _IBLK // _NBUF


def _sc_main(table, src_m, trg_m, zeros_blk):
    ms = M // NTILES
    mesh = plsc.VectorSubcoreMesh(core_axis_name="c", subcore_axis_name="s")

    @functools.partial(
        pl.kernel,
        out_type=jax.ShapeDtypeStruct((M, F), jnp.float32),
        mesh=mesh,
        scratch_types=[
            pltpu.VMEM((2, _IBLK, _CHM), jnp.int32),
            pltpu.VMEM((2, _IBLK, _CHM), jnp.int32),
            pltpu.VMEM((_NBUF, _CHM, H), jnp.float32),
            pltpu.VMEM_SHARED((M, H), jnp.float32),
            pltpu.SemaphoreType.DMA((2,)),
            pltpu.SemaphoreType.DMA((_NBUF,)),
            pltpu.SemaphoreType.DMA((_NBUF,)),
            pltpu.SemaphoreType.DMA,
        ],
        compiler_params=pltpu.CompilerParams(use_tc_tiling_on_sc=False),
    )
    def main_kernel(table_hbm, src_hbm, trg_hbm, zeros_hbm, out_hbm,
                    isb, itb, rows, acc, sem_ib, sem_g, sem_sc, sem_z):
        c = lax.axis_index("c")
        s = lax.axis_index("s")
        cm = c * M

        def idx_load(blk, parity):
            return (pltpu.make_async_copy(src_hbm.at[s, blk],
                                          isb.at[parity], sem_ib.at[parity]),
                    pltpu.make_async_copy(trg_hbm.at[s, blk],
                                          itb.at[parity], sem_ib.at[parity]))

        for d in idx_load(0, 0):
            d.start()
        zd = pltpu.make_async_copy(zeros_hbm, acc.at[pl.ds(s * ms, ms)], sem_z)
        zd.start()
        zd.wait()
        plsc.subcore_barrier()

        def gather(parity, k, b):
            return pltpu.make_async_copy(table_hbm.at[c].at[isb.at[parity, k]],
                                         rows.at[b], sem_g.at[b])

        def scatter(parity, k, b):
            return pltpu.make_async_copy(rows.at[b],
                                         acc.at[itb.at[parity, k]], sem_sc.at[b])

        def process_block(blk, parity):
            @pl.when(blk + 1 < _NBLK)
            def _():
                for d in idx_load(blk + 1, 1 - parity):
                    d.start()

            def group(g, carry):
                for b in range(_NBUF):
                    @pl.when(g > 0)
                    def _():
                        scatter(parity, (g - 1) * _NBUF + b, b).wait()
                    gather(parity, g * _NBUF + b, b).start()
                for b in range(_NBUF):
                    k = g * _NBUF + b
                    gather(parity, k, b).wait()
                    scatter(parity, k, b).start(add=True)
                return carry

            lax.fori_loop(0, _NGRPB, group, 0)
            for b in range(_NBUF):
                scatter(parity, (_NGRPB - 1) * _NBUF + b, b).wait()

        def pair(p, carry):
            blk0 = 2 * p
            for d in idx_load(blk0, 0):
                d.wait()
            process_block(blk0, 0)
            for d in idx_load(blk0 + 1, 1):
                d.wait()
            process_block(blk0 + 1, 1)
            return carry

        lax.fori_loop(0, _NBLK // 2, pair, 0)
        plsc.subcore_barrier()
        pltpu.sync_copy(acc.at[pl.ds(s * ms, ms)],
                        out_hbm.at[pl.ds(s * ms, ms), pl.ds(c * H, H)])

    return main_kernel(table, src_m, trg_m, zeros_blk)


_BN = 1000


def _tc_a(x, w1, degs_t):
    def body(x_ref, w1_ref, deg_ref, table_ref, d_ref, innorm_ref):
        dg = deg_ref[...]
        on0 = lax.rsqrt(dg[:, 0] + dg[:, 4] + 2.0)
        on1 = lax.rsqrt(dg[:, 1] + dg[:, 5] + 2.0)
        in0 = lax.rsqrt(dg[:, 2] + dg[:, 6] + 2.0)
        in1 = lax.rsqrt(dg[:, 3] + dg[:, 7] + 2.0)
        innorm_ref[...] = jnp.stack([in0, in1], axis=-1)
        xb = x_ref[0]
        p = lax.dot_general(xb, w1_ref[...],
                            (((1,), (1,)), ((), ())),
                            preferred_element_type=jnp.float32)
        p0 = p[:, :F] * on0[:, None]
        p1 = p[:, F:] * on1[:, None]
        d_ref[...] = p0 + p1
        table_ref[0] = p0[:, :H]
        table_ref[1] = p1[:, :H]
        table_ref[2] = p0[:, H:]
        table_ref[3] = p1[:, H:]

    return pl.pallas_call(
        body,
        grid=(N // _BN,),
        in_specs=[
            pl.BlockSpec((1, _BN, F), lambda i: (0, i, 0)),
            pl.BlockSpec((2 * F, F), lambda i: (0, 0)),
            pl.BlockSpec((_BN, 8), lambda i: (i, 0)),
        ],
        out_specs=[
            pl.BlockSpec((4, _BN, H), lambda i: (0, i, 0)),
            pl.BlockSpec((_BN, F), lambda i: (i, 0)),
            pl.BlockSpec((_BN, 2), lambda i: (i, 0)),
        ],
        out_shape=[
            jax.ShapeDtypeStruct((4, N, H), jnp.float32),
            jax.ShapeDtypeStruct((N, F), jnp.float32),
            jax.ShapeDtypeStruct((N, 2), jnp.float32),
        ],
    )(x, w1, degs_t)


def _tc_b(aggsc, d, innorm, bias, w2):
    def body(agg0_ref, agg1_ref, d_ref, innorm_ref, bias_ref, w2_ref, out_ref):
        dv = d_ref[...]
        a0 = agg0_ref[...] + dv
        a1 = agg1_ref[...] + dv
        n0 = innorm_ref[:, 0]
        n1 = innorm_ref[:, 1]
        a0 = a0 * n0[:, None] + bias_ref[0][None, :]
        a1 = a1 * n1[:, None] + bias_ref[1][None, :]
        a0 = jnp.where(a0 >= 0, a0, 0.2 * a0)
        a1 = jnp.where(a1 >= 0, a1, 0.2 * a1)
        y = jnp.concatenate([a0, a1], axis=-1)
        out_ref[0] = lax.dot_general(y, w2_ref[...],
                                     (((1,), (1,)), ((), ())),
                                     preferred_element_type=jnp.float32)

    return pl.pallas_call(
        body,
        grid=(N // _BN,),
        in_specs=[
            pl.BlockSpec((_BN, F), lambda i: (i, 0)),
            pl.BlockSpec((_BN, F), lambda i: (N // _BN + i, 0)),
            pl.BlockSpec((_BN, F), lambda i: (i, 0)),
            pl.BlockSpec((_BN, 2), lambda i: (i, 0)),
            pl.BlockSpec((2, F), lambda i: (0, 0)),
            pl.BlockSpec((F, 2 * F), lambda i: (0, 0)),
        ],
        out_specs=pl.BlockSpec((1, _BN, F), lambda i: (0, i, 0)),
        out_shape=jax.ShapeDtypeStruct((1, N, F), jnp.float32),
    )(aggsc, aggsc, d, innorm, bias, w2)


def kernel(x, edge_index_0, edge_index_1, W1, W2, bias):
    src = jnp.concatenate([edge_index_0[0], edge_index_1[0] + N])
    trg = jnp.concatenate([edge_index_0[1], edge_index_1[1] + N])
    src_h = src.reshape(NTILES, 2, _NCKH, CH)
    trg_h = trg.reshape(NTILES, 2, _NCKH, CH)
    src_m = src.reshape(NTILES, _NBLK, _IBLK, _CHM)
    trg_m = trg.reshape(NTILES, _NBLK, _IBLK, _CHM)
    zeros_m = jnp.zeros((MP,), jnp.float32)
    zeros_blk = jnp.zeros((M // NTILES, H), jnp.float32)
    degs = _sc_hist(src_h, trg_h, zeros_m)[:, :, :M]
    degs_t = degs.reshape(2, 2, 2, N).transpose(3, 0, 1, 2).reshape(N, 8)
    table4, d, innorm = _tc_a(x, W1, degs_t)
    table3 = table4.reshape(2, M, H)
    aggsc = _sc_main(table3, src_m, trg_m, zeros_blk)
    return _tc_b(aggsc, d, innorm, bias, W2)

# --- scband reference (transcript-rebuilt; emitter-appended) ---
"""Pipeline reference for scband-gcnmultiplex-73813307949744 (READ-ONLY COPY).

The authoritative reference and input builder live on the scoring server;
editing this copy changes nothing except your own understanding.
"""

import jax, jax.numpy as jnp
import numpy as np
from itertools import combinations

N = 10000
L = 2
F_IN = 128
F_OUT = 128
E = 320000

def setup_inputs(seed: int = 0):
    key = jax.random.key(seed)
    ks = jax.random.split(key, 6)
    x = jax.random.normal(ks[0], (1, N, F_IN), dtype=jnp.float32)
    edge_index_0 = jax.random.randint(ks[1], (2, E), 0, N, dtype=jnp.int32)
    edge_index_1 = jax.random.randint(ks[2], (2, E), 0, N, dtype=jnp.int32)
    W1 = jax.random.normal(ks[3], (L * F_OUT, F_IN), dtype=jnp.float32) * 0.05
    W2 = jax.random.normal(ks[4], (F_OUT, L * F_OUT), dtype=jnp.float32) * 0.05
    bias = jax.random.normal(ks[5], (L, F_OUT), dtype=jnp.float32) * 0.05
    return {"x": x, "edge_index_0": edge_index_0, "edge_index_1": edge_index_1, "W1": W1, "W2": W2, "bias": bias}

def merge_edges(edge_list, num_nodes):
    M = L * num_nodes
    all_edges = jnp.concatenate([edge_list[i] + i * num_nodes for i in range(L)], axis=1)
    sl = jnp.arange(M, dtype=all_edges.dtype)
    all_edges = jnp.concatenate([all_edges, jnp.stack([sl, sl])], axis=1)
    comb = np.array(list(combinations(range(L), 2)), dtype=np.int64)
    comb = np.concatenate([comb, comb[::-1, ::-1]], axis=0).T
    all_nodes = np.arange(M, dtype=np.int64).reshape(L, num_nodes)
    src = all_nodes[comb[0]].reshape(-1)
    trg = all_nodes[comb[1]].reshape(-1)
    inter = jnp.asarray(np.stack([src, trg]), dtype=all_edges.dtype)
    return jnp.concatenate([all_edges, inter], axis=1)

def reference(x, edge_index_0, edge_index_1, W1, W2, bias):
    num_nodes = x.shape[1]
    M = L * num_nodes
    # linear_proj: [1, N, F_IN] -> [1, N, L*F_OUT], then split+concat along nodes dim -> [1, L*N, F_OUT]
    proj = x @ W1.T
    proj = jnp.concatenate(jnp.split(proj, L, axis=-1), axis=1)
    edges = merge_edges([edge_index_0, edge_index_1], num_nodes)
    src, trg = edges[0], edges[1]
    ones = jnp.ones(src.shape[0], dtype=jnp.float32)
    out_deg = jax.ops.segment_sum(ones, src, num_segments=M)
    in_deg = jax.ops.segment_sum(ones, trg, num_segments=M)
    out_norm = jnp.where(out_deg > 0, out_deg, 1.0) ** -0.5
    in_norm = jnp.where(in_deg > 0, in_deg, 1.0) ** -0.5
    # normalize by source-side degree, lift to edges, scatter-add to targets
    proj_n = proj * out_norm[None, :, None]
    lifted = proj_n[:, src, :]
    agg = jax.ops.segment_sum(lifted[0], trg, num_segments=M)[None]
    agg = agg * in_norm[None, :, None]
    # split back per multiplex layer and stack: [1, N, L, F_OUT]
    out = jnp.stack(jnp.split(agg, L, axis=1), axis=2)
    out = out + bias
    out = jax.nn.leaky_relu(out, 0.2)
    out = out.reshape(1, num_nodes, L * F_OUT)
    return out @ W2.T

if __name__ == "__main__":
    import jax
    _d = setup_inputs()
    print(jax.jit(kernel)(*tuple(_d.values())))

</pallas_src>

<mosaic_0001>
#map = affine_map<(d0, d1) -> (0, 0, 0, 0)>
#map1 = affine_map<(d0, d1) -> (0)>
#map2 = affine_map<(d0, d1) -> (0, 0, 0)>
module attributes {stable_mosaic.version = 14 : i64} {
  func.func @hist_kernel(%arg0: i32, %arg1: i32, %arg2: memref<16x2x250x80xi32, #tpu.memory_space<hbm>>, %arg3: memref<16x2x250x80xi32, #tpu.memory_space<hbm>>, %arg4: memref<20480xf32, #tpu.memory_space<hbm>>, %arg5: memref<2x2x20480xf32, #tpu.memory_space<hbm>>, %arg6: memref<250x80xi32, #tpu.memory_space<vmem>>, %arg7: memref<250x80xi32, #tpu.memory_space<vmem>>, %arg8: memref<80xf32, #tpu.memory_space<vmem>>, %arg9: memref<20480xf32, #tpu.memory_space<vmem_shared>>, %arg10: memref<20480xf32, #tpu.memory_space<vmem_shared>>, %arg11: memref<!tpu.dma_semaphore, #tpu.memory_space<semaphore_mem>>, %arg12: memref<!tpu.dma_semaphore, #tpu.memory_space<semaphore_mem>>, %arg13: memref<!tpu.dma_semaphore, #tpu.memory_space<semaphore_mem>>) attributes {dimension_semantics = [#tpu.dimension_semantics<core_parallel>, #tpu.dimension_semantics<subcore_parallel>], iteration_bounds = array<i64: 2, 16>, scalar_prefetch = 0 : i64, scratch_operands = 8 : i64, tpu.core_type = #tpu.core_type<sc_vector_subcore>, window_params = [{transform_indices = #map}, {transform_indices = #map}, {transform_indices = #map1}, {transform_indices = #map2}]} {
    %broadcast_in_dim3A = arith.constant 1.000000e+00 : f32
    %broadcast_in_dim3A_0 = vector.broadcast %broadcast_in_dim3A : f32 to vector<16xf32>
    %swap3A = arith.constant 0 : index
    %swap3A_1 = tpu.vector_load %arg8[%swap3A] {strides = array<i32>} : memref<80xf32, #tpu.memory_space<vmem>>, vector<16xf32>,
    %swap3A_2 = vector.shape_cast %swap3A_1 : vector<16xf32> to vector<16xf32>
    %swap3A_3 = vector.shape_cast %broadcast_in_dim3A_0 : vector<16xf32> to vector<16xf32>
    tpu.vector_store %arg8[%swap3A], %swap3A_3 {strides = array<i32>} : memref<80xf32, #tpu.memory_space<vmem>>, vector<16xf32>,
    %broadcast_in_dim3A_4 = arith.constant 1.000000e+00 : f32
    %broadcast_in_dim3A_5 = vector.broadcast %broadcast_in_dim3A_4 : f32 to vector<16xf32>
    %swap3A_6 = arith.constant 16 : index
    %swap3A_7 = tpu.vector_load %arg8[%swap3A_6] {strides = array<i32>} : memref<80xf32, #tpu.memory_space<vmem>>, vector<16xf32>,
    %swap3A_8 = vector.shape_cast %swap3A_7 : vector<16xf32> to vector<16xf32>
    %swap3A_9 = vector.shape_cast %broadcast_in_dim3A_5 : vector<16xf32> to vector<16xf32>
    tpu.vector_store %arg8[%swap3A_6], %swap3A_9 {strides = array<i32>} : memref<80xf32, #tpu.memory_space<vmem>>, vector<16xf32>,
    %broadcast_in_dim3A_10 = arith.constant 1.000000e+00 : f32
    %broadcast_in_dim3A_11 = vector.broadcast %broadcast_in_dim3A_10 : f32 to vector<16xf32>
    %swap3A_12 = arith.constant 32 : index
    %swap3A_13 = tpu.vector_load %arg8[%swap3A_12] {strides = array<i32>} : memref<80xf32, #tpu.memory_space<vmem>>, vector<16xf32>,
    %swap3A_14 = vector.shape_cast %swap3A_13 : vector<16xf32> to vector<16xf32>
    %swap3A_15 = vector.shape_cast %broadcast_in_dim3A_11 : vector<16xf32> to vector<16xf32>
    tpu.vector_store %arg8[%swap3A_12], %swap3A_15 {strides = array<i32>} : memref<80xf32, #tpu.memory_space<vmem>>, vector<16xf32>,
    %broadcast_in_dim3A_16 = arith.constant 1.000000e+00 : f32
    %broadcast_in_dim3A_17 = vector.broadcast %broadcast_in_dim3A_16 : f32 to vector<16xf32>
    %swap3A_18 = arith.constant 48 : index
    %swap3A_19 = tpu.vector_load %arg8[%swap3A_18] {strides = array<i32>} : memref<80xf32, #tpu.memory_space<vmem>>, vector<16xf32>,
    %swap3A_20 = vector.shape_cast %swap3A_19 : vector<16xf32> to vector<16xf32>
    %swap3A_21 = vector.shape_cast %broadcast_in_dim3A_17 : vector<16xf32> to vector<16xf32>
    tpu.vector_store %arg8[%swap3A_18], %swap3A_21 {strides = array<i32>} : memref<80xf32, #tpu.memory_space<vmem>>, vector<16xf32>,
    %broadcast_in_dim3A_22 = arith.constant 1.000000e+00 : f32
    %broadcast_in_dim3A_23 = vector.broadcast %broadcast_in_dim3A_22 : f32 to vector<16xf32>
    %swap3A_24 = arith.constant 64 : index
    %swap3A_25 = tpu.vector_load %arg8[%swap3A_24] {strides = array<i32>} : memref<80xf32, #tpu.memory_space<vmem>>, vector<16xf32>,
    %swap3A_26 = vector.shape_cast %swap3A_25 : vector<16xf32> to vector<16xf32>
    %swap3A_27 = vector.shape_cast %broadcast_in_dim3A_23 : vector<16xf32> to vector<16xf32>
    tpu.vector_store %arg8[%swap3A_24], %swap3A_27 {strides = array<i32>} : memref<80xf32, #tpu.memory_space<vmem>>, vector<16xf32>,
    %dma_start3A = arith.constant 0 : i32
    %dma_start3A_28 = arith.constant 0 : i32
    %dma_start3A_29 = tpu.memref_slice %arg2[%arg1, %arg0, %dma_start3A, %dma_start3A_28] : memref<16x2x250x80xi32, #tpu.memory_space<hbm>> -> memref<1x1x250x80xi32, #tpu.memory_space<hbm>>
    %dma_start3A_30 = tpu.memref_squeeze %dma_start3A_29 : memref<1x1x250x80xi32, #tpu.memory_space<hbm>> -> memref<250x80xi32, #tpu.memory_space<hbm>>
    %dma_start3A_31 = arith.constant 0 : i32
    %dma_start3A_32 = arith.constant 0 : i32
    %dma_start3A_33 = tpu.memref_slice %arg2[%arg1, %arg0, %dma_start3A_31, %dma_start3A_32] : memref<16x2x250x80xi32, #tpu.memory_space<hbm>> -> memref<1x1x250x80xi32, #tpu.memory_space<hbm>>
    %dma_start3A_34 = tpu.memref_squeeze %dma_start3A_33 : memref<1x1x250x80xi32, #tpu.memory_space<hbm>> -> memref<250x80xi32, #tpu.memory_space<hbm>>
    tpu.enqueue_dma source(%dma_start3A_34 : memref<250x80xi32, #tpu.memory_space<hbm>>) target(%arg6 : memref<250x80xi32, #tpu.memory_space<vmem>>) target_semaphore(%arg11 : memref<!tpu.dma_semaphore, #tpu.memory_space<semaphore_mem>>)
    %dma_start3A_35 = arith.constant 0 : i32
    %dma_start3A_36 = arith.constant 0 : i32
    %dma_start3A_37 = tpu.memref_slice %arg3[%arg1, %arg0, %dma_start3A_35, %dma_start3A_36] : memref<16x2x250x80xi32, #tpu.memory_space<hbm>> -> memref<1x1x250x80xi32, #tpu.memory_space<hbm>>
    %dma_start3A_38 = tpu.memref_squeeze %dma_start3A_37 : memref<1x1x250x80xi32, #tpu.memory_space<hbm>> -> memref<250x80xi32, #tpu.memory_space<hbm>>
    %dma_start3A_39 = arith.constant 0 : i32
    %dma_start3A_40 = arith.constant 0 : i32
    %dma_start3A_41 = tpu.memref_slice %arg3[%arg1, %arg0, %dma_start3A_39, %dma_start3A_40] : memref<16x2x250x80xi32, #tpu.memory_space<hbm>> -> memref<1x1x250x80xi32, #tpu.memory_space<hbm>>
    %dma_start3A_42 = tpu.memref_squeeze %dma_start3A_41 : memref<1x1x250x80xi32, #tpu.memory_space<hbm>> -> memref<250x80xi32, #tpu.memory_space<hbm>>
    tpu.enqueue_dma source(%dma_start3A_42 : memref<250x80xi32, #tpu.memory_space<hbm>>) target(%arg7 : memref<250x80xi32, #tpu.memory_space<vmem>>) target_semaphore(%arg11 : memref<!tpu.dma_semaphore, #tpu.memory_space<semaphore_mem>>)
    %mul3A = arith.constant 1280 : i32
    %mul3A_43 = arith.muli %arg1, %mul3A : i32
    %mul3A_44 = arith.constant 1280 : i32
    %mul3A_45 = arith.muli %arg1, %mul3A_44 : i32
    "tpu.region"() ({
      %run_scoped3A_272 = tpu.sem_alloc : memref<!tpu.dma_semaphore, #tpu.memory_space<semaphore_mem>>
      %dma_start3A_273 = tpu.memref_slice %arg9[%mul3A_45] : memref<20480xf32, #tpu.memory_space<vmem_shared>> -> memref<1280xf32, #tpu.memory_space<vmem_shared>>
      %dma_start3A_274 = tpu.memref_slice %arg4[%mul3A_43] : memref<20480xf32, #tpu.memory_space<hbm>> -> memref<1280xf32, #tpu.memory_space<hbm>>
      tpu.enqueue_dma source(%dma_start3A_274 : memref<1280xf32, #tpu.memory_space<hbm>>) target(%dma_start3A_273 : memref<1280xf32, #tpu.memory_space<vmem_shared>>) target_semaphore(%run_scoped3A_272 : memref<!tpu.dma_semaphore, #tpu.memory_space<semaphore_mem>>)
      %dma_wait3A_275 = tpu.memref_slice %arg9[%mul3A_45] : memref<20480xf32, #tpu.memory_space<vmem_shared>> -> memref<1280xf32, #tpu.memory_space<vmem_shared>>
      %dma_wait3A_276 = tpu.memref_slice %arg4[%mul3A_43] : memref<20480xf32, #tpu.memory_space<hbm>> -> memref<1280xf32, #tpu.memory_space<hbm>>
      tpu.wait_dma2 semaphore(%run_scoped3A_272 : memref<!tpu.dma_semaphore, #tpu.memory_space<semaphore_mem>>) src(%dma_wait3A_276 : memref<1280xf32, #tpu.memory_space<hbm>>) dst(%dma_wait3A_275 : memref<1280xf32, #tpu.memory_space<vmem_shared>>)
      tpu.yield
    }) : () -> ()
    %mul3A_46 = arith.constant 1280 : i32
    %mul3A_47 = arith.muli %arg1, %mul3A_46 : i32
    %mul3A_48 = arith.constant 1280 : i32
    %mul3A_49 = arith.muli %arg1, %mul3A_48 : i32
    "tpu.region"() ({
      %run_scoped3A_272 = tpu.sem_alloc : memref<!tpu.dma_semaphore, #tpu.memory_space<semaphore_mem>>
      %dma_start3A_273 = tpu.memref_slice %arg10[%mul3A_49] : memref<20480xf32, #tpu.memory_space<vmem_shared>> -> memref<1280xf32, #tpu.memory_space<vmem_shared>>
      %dma_start3A_274 = tpu.memref_slice %arg4[%mul3A_47] : memref<20480xf32, #tpu.memory_space<hbm>> -> memref<1280xf32, #tpu.memory_space<hbm>>
      tpu.enqueue_dma source(%dma_start3A_274 : memref<1280xf32, #tpu.memory_space<hbm>>) target(%dma_start3A_273 : memref<1280xf32, #tpu.memory_space<vmem_shared>>) target_semaphore(%run_scoped3A_272 : memref<!tpu.dma_semaphore, #tpu.memory_space<semaphore_mem>>)
      %dma_wait3A_275 = tpu.memref_slice %arg10[%mul3A_49] : memref<20480xf32, #tpu.memory_space<vmem_shared>> -> memref<1280xf32, #tpu.memory_space<vmem_shared>>
      %dma_wait3A_276 = tpu.memref_slice %arg4[%mul3A_47] : memref<20480xf32, #tpu.memory_space<hbm>> -> memref<1280xf32, #tpu.memory_space<hbm>>
      tpu.wait_dma2 semaphore(%run_scoped3A_272 : memref<!tpu.dma_semaphore, #tpu.memory_space<semaphore_mem>>) src(%dma_wait3A_276 : memref<1280xf32, #tpu.memory_space<hbm>>) dst(%dma_wait3A_275 : memref<1280xf32, #tpu.memory_space<vmem_shared>>)
      tpu.yield
    }) : () -> ()
    %dma_wait3A = arith.constant 0 : i32
    %dma_wait3A_50 = arith.constant 0 : i32
    %dma_wait3A_51 = tpu.memref_slice %arg2[%arg1, %arg0, %dma_wait3A, %dma_wait3A_50] : memref<16x2x250x80xi32, #tpu.memory_space<hbm>> -> memref<1x1x250x80xi32, #tpu.memory_space<hbm>>
    %dma_wait3A_52 = tpu.memref_squeeze %dma_wait3A_51 : memref<1x1x250x80xi32, #tpu.memory_space<hbm>> -> memref<250x80xi32, #tpu.memory_space<hbm>>
    %dma_wait3A_53 = arith.constant 0 : i32
    %dma_wait3A_54 = arith.constant 0 : i32
    %dma_wait3A_55 = tpu.memref_slice %arg2[%arg1, %arg0, %dma_wait3A_53, %dma_wait3A_54] : memref<16x2x250x80xi32, #tpu.memory_space<hbm>> -> memref<1x1x250x80xi32, #tpu.memory_space<hbm>>
    %dma_wait3A_56 = tpu.memref_squeeze %dma_wait3A_55 : memref<1x1x250x80xi32, #tpu.memory_space<hbm>> -> memref<250x80xi32, #tpu.memory_space<hbm>>
    tpu.wait_dma2 semaphore(%arg11 : memref<!tpu.dma_semaphore, #tpu.memory_space<semaphore_mem>>) src(%dma_wait3A_56 : memref<250x80xi32, #tpu.memory_space<hbm>>) dst(%arg6 : memref<250x80xi32, #tpu.memory_space<vmem>>)
    %dma_wait3A_57 = arith.constant 0 : i32
    %dma_wait3A_58 = arith.constant 0 : i32
    %dma_wait3A_59 = tpu.memref_slice %arg3[%arg1, %arg0, %dma_wait3A_57, %dma_wait3A_58] : memref<16x2x250x80xi32, #tpu.memory_space<hbm>> -> memref<1x1x250x80xi32, #tpu.memory_space<hbm>>
    %dma_wait3A_60 = tpu.memref_squeeze %dma_wait3A_59 : memref<1x1x250x80xi32, #tpu.memory_space<hbm>> -> memref<250x80xi32, #tpu.memory_space<hbm>>
    %dma_wait3A_61 = arith.constant 0 : i32
    %dma_wait3A_62 = arith.constant 0 : i32
    %dma_wait3A_63 = tpu.memref_slice %arg3[%arg1, %arg0, %dma_wait3A_61, %dma_wait3A_62] : memref<16x2x250x80xi32, #tpu.memory_space<hbm>> -> memref<1x1x250x80xi32, #tpu.memory_space<hbm>>
    %dma_wait3A_64 = tpu.memref_squeeze %dma_wait3A_63 : memref<1x1x250x80xi32, #tpu.memory_space<hbm>> -> memref<250x80xi32, #tpu.memory_space<hbm>>
    tpu.wait_dma2 semaphore(%arg11 : memref<!tpu.dma_semaphore, #tpu.memory_space<semaphore_mem>>) src(%dma_wait3A_64 : memref<250x80xi32, #tpu.memory_space<hbm>>) dst(%arg7 : memref<250x80xi32, #tpu.memory_space<vmem>>)
    %barrier3A = arith.constant 0 : index
    tpu.barrier barrier_id(%barrier3A)
    %dma_start3A_65 = arith.constant 0 : i32
    %dma_start3A_66 = arith.constant 0 : i32
    %dma_start3A_67 = tpu.memref_slice %arg6[%dma_start3A_65, %dma_start3A_66] : memref<250x80xi32, #tpu.memory_space<vmem>> -> memref<1x80xi32, #tpu.memory_space<vmem>>
    %dma_start3A_68 = tpu.memref_squeeze %dma_start3A_67 : memref<1x80xi32, #tpu.memory_space<vmem>> -> memref<80xi32, #tpu.memory_space<vmem>>
    %dma_start3A_69 = arith.constant 0 : i32
    %dma_start3A_70 = tpu.memref_slice %arg9[%dma_start3A_69] : memref<20480xf32, #tpu.memory_space<vmem_shared>> -> memref<20480xf32, #tpu.memory_space<vmem_shared>>
    tpu.enqueue_indirect_dma source(%arg8 : memref<80xf32, #tpu.memory_space<vmem>>) target(%dma_start3A_70 : memref<20480xf32, #tpu.memory_space<vmem_shared>>) offsets(%dma_start3A_68 : memref<80xi32, #tpu.memory_space<vmem>>) semaphore(%arg12 : memref<!tpu.dma_semaphore, #tpu.memory_space<semaphore_mem>>) {add = true}
    %dma_start3A_71 = arith.constant 0 : i32
    %dma_start3A_72 = arith.constant 0 : i32
    %dma_start3A_73 = tpu.memref_slice %arg7[%dma_start3A_71, %dma_start3A_72] : memref<250x80xi32, #tpu.memory_space<vmem>> -> memref<1x80xi32, #tpu.memory_space<vmem>>
    %dma_start3A_74 = tpu.memref_squeeze %dma_start3A_73 : memref<1x80xi32, #tpu.memory_space<vmem>> -> memref<80xi32, #tpu.memory_space<vmem>>
    %dma_start3A_75 = arith.constant 0 : i32
    %dma_start3A_76 = tpu.memref_slice %arg10[%dma_start3A_75] : memref<20480xf32, #tpu.memory_space<vmem_shared>> -> memref<20480xf32, #tpu.memory_space<vmem_shared>>
    tpu.enqueue_indirect_dma source(%arg8 : memref<80xf32, #tpu.memory_space<vmem>>) target(%dma_start3A_76 : memref<20480xf32, #tpu.memory_space<vmem_shared>>) offsets(%dma_start3A_74 : memref<80xi32, #tpu.memory_space<vmem>>) semaphore(%arg13 : memref<!tpu.dma_semaphore, #tpu.memory_space<semaphore_mem>>) {add = true}
    %dma_start3A_77 = arith.constant 1 : i32
    %dma_start3A_78 = arith.constant 0 : i32
    %dma_start3A_79 = tpu.memref_slice %arg6[%dma_start3A_77, %dma_start3A_78] : memref<250x80xi32, #tpu.memory_space<vmem>> -> memref<1x80xi32, #tpu.memory_space<vmem>>
    %dma_start3A_80 = tpu.memref_squeeze %dma_start3A_79 : memref<1x80xi32, #tpu.memory_space<vmem>> -> memref<80xi32, #tpu.memory_space<vmem>>
    %dma_start3A_81 = arith.constant 0 : i32
    %dma_start3A_82 = tpu.memref_slice %arg9[%dma_start3A_81] : memref<20480xf32, #tpu.memory_space<vmem_shared>> -> memref<20480xf32, #tpu.memory_space<vmem_shared>>
    tpu.enqueue_indirect_dma source(%arg8 : memref<80xf32, #tpu.memory_space<vmem>>) target(%dma_start3A_82 : memref<20480xf32, #tpu.memory_space<vmem_shared>>) offsets(%dma_start3A_80 : memref<80xi32, #tpu.memory_space<vmem>>) semaphore(%arg12 : memref<!tpu.dma_semaphore, #tpu.memory_space<semaphore_mem>>) {add = true}
    %dma_start3A_83 = arith.constant 1 : i32
    %dma_start3A_84 = arith.constant 0 : i32
    %dma_start3A_85 = tpu.memref_slice %arg7[%dma_start3A_83, %dma_start3A_84] : memref<250x80xi32, #tpu.memory_space<vmem>> -> memref<1x80xi32, #tpu.memory_space<vmem>>
    %dma_start3A_86 = tpu.memref_squeeze %dma_start3A_85 : memref<1x80xi32, #tpu.memory_space<vmem>> -> memref<80xi32, #tpu.memory_space<vmem>>
    %dma_start3A_87 = arith.constant 0 : i32
    %dma_start3A_88 = tpu.memref_slice %arg10[%dma_start3A_87] : memref<20480xf32, #tpu.memory_space<vmem_shared>> -> memref<20480xf32, #tpu.memory_space<vmem_shared>>
    tpu.enqueue_indirect_dma source(%arg8 : memref<80xf32, #tpu.memory_space<vmem>>) target(%dma_start3A_88 : memref<20480xf32, #tpu.memory_space<vmem_shared>>) offsets(%dma_start3A_86 : memref<80xi32, #tpu.memory_space<vmem>>) semaphore(%arg13 : memref<!tpu.dma_semaphore, #tpu.memory_space<semaphore_mem>>) {add = true}
    %dma_start3A_89 = arith.constant 2 : i32
    %dma_start3A_90 = arith.constant 0 : i32
    %dma_start3A_91 = tpu.memref_slice %arg6[%dma_start3A_89, %dma_start3A_90] : memref<250x80xi32, #tpu.memory_space<vmem>> -> memref<1x80xi32, #tpu.memory_space<vmem>>
    %dma_start3A_92 = tpu.memref_squeeze %dma_start3A_91 : memref<1x80xi32, #tpu.memory_space<vmem>> -> memref<80xi32, #tpu.memory_space<vmem>>
    %dma_start3A_93 = arith.constant 0 : i32
    %dma_start3A_94 = tpu.memref_slice %arg9[%dma_start3A_93] : memref<20480xf32, #tpu.memory_space<vmem_shared>> -> memref<20480xf32, #tpu.memory_space<vmem_shared>>
    tpu.enqueue_indirect_dma source(%arg8 : memref<80xf32, #tpu.memory_space<vmem>>) target(%dma_start3A_94 : memref<20480xf32, #tpu.memory_space<vmem_shared>>) offsets(%dma_start3A_92 : memref<80xi32, #tpu.memory_space<vmem>>) semaphore(%arg12 : memref<!tpu.dma_semaphore, #tpu.memory_space<semaphore_mem>>) {add = true}
    %dma_start3A_95 = arith.constant 2 : i32
    %dma_start3A_96 = arith.constant 0 : i32
    %dma_start3A_97 = tpu.memref_slice %arg7[%dma_start3A_95, %dma_start3A_96] : memref<250x80xi32, #tpu.memory_space<vmem>> -> memref<1x80xi32, #tpu.memory_space<vmem>>
    %dma_start3A_98 = tpu.memref_squeeze %dma_start3A_97 : memref<1x80xi32, #tpu.memory_space<vmem>> -> memref<80xi32, #tpu.memory_space<vmem>>
    %dma_start3A_99 = arith.constant 0 : i32
    %dma_start3A_100 = tpu.memref_slice %arg10[%dma_start3A_99] : memref<20480xf32, #tpu.memory_space<vmem_shared>> -> memref<20480xf32, #tpu.memory_space<vmem_shared>>
    tpu.enqueue_indirect_dma source(%arg8 : memref<80xf32, #tpu.memory_space<vmem>>) target(%dma_start3A_100 : memref<20480xf32, #tpu.memory_space<vmem_shared>>) offsets(%dma_start3A_98 : memref<80xi32, #tpu.memory_space<vmem>>) semaphore(%arg13 : memref<!tpu.dma_semaphore, #tpu.memory_space<semaphore_mem>>) {add = true}
    %dma_start3A_101 = arith.constant 3 : i32
    %dma_start3A_102 = arith.constant 0 : i32
    %dma_start3A_103 = tpu.memref_slice %arg6[%dma_start3A_101, %dma_start3A_102] : memref<250x80xi32, #tpu.memory_space<vmem>> -> memref<1x80xi32, #tpu.memory_space<vmem>>
    %dma_start3A_104 = tpu.memref_squeeze %dma_start3A_103 : memref<1x80xi32, #tpu.memory_space<vmem>> -> memref<80xi32, #tpu.memory_space<vmem>>
    %dma_start3A_105 = arith.constant 0 : i32
    %dma_start3A_106 = tpu.memref_slice %arg9[%dma_start3A_105] : memref<20480xf32, #tpu.memory_space<vmem_shared>> -> memref<20480xf32, #tpu.memory_space<vmem_shared>>
    tpu.enqueue_indirect_dma source(%arg8 : memref<80xf32, #tpu.memory_space<vmem>>) target(%dma_start3A_106 : memref<20480xf32, #tpu.memory_space<vmem_shared>>) offsets(%dma_start3A_104 : memref<80xi32, #tpu.memory_space<vmem>>) semaphore(%arg12 : memref<!tpu.dma_semaphore, #tpu.memory_space<semaphore_mem>>) {add = true}
    %dma_start3A_107 = arith.constant 3 : i32
    %dma_start3A_108 = arith.constant 0 : i32
    %dma_start3A_109 = tpu.memref_slice %arg7[%dma_start3A_107, %dma_start3A_108] : memref<250x80xi32, #tpu.memory_space<vmem>> -> memref<1x80xi32, #tpu.memory_space<vmem>>
    %dma_start3A_110 = tpu.memref_squeeze %dma_start3A_109 : memref<1x80xi32, #tpu.memory_space<vmem>> -> memref<80xi32, #tpu.memory_space<vmem>>
    %dma_start3A_111 = arith.constant 0 : i32
    %dma_start3A_112 = tpu.memref_slice %arg10[%dma_start3A_111] : memref<20480xf32, #tpu.memory_space<vmem_shared>> -> memref<20480xf32, #tpu.memory_space<vmem_shared>>
    tpu.enqueue_indirect_dma source(%arg8 : memref<80xf32, #tpu.memory_space<vmem>>) target(%dma_start3A_112 : memref<20480xf32, #tpu.memory_space<vmem_shared>>) offsets(%dma_start3A_110 : memref<80xi32, #tpu.memory_space<vmem>>) semaphore(%arg13 : memref<!tpu.dma_semaphore, #tpu.memory_space<semaphore_mem>>) {add = true}
    %dma_start3A_113 = arith.constant 4 : i32
    %dma_start3A_114 = arith.constant 0 : i32
    %dma_start3A_115 = tpu.memref_slice %arg6[%dma_start3A_113, %dma_start3A_114] : memref<250x80xi32, #tpu.memory_space<vmem>> -> memref<1x80xi32, #tpu.memory_space<vmem>>
    %dma_start3A_116 = tpu.memref_squeeze %dma_start3A_115 : memref<1x80xi32, #tpu.memory_space<vmem>> -> memref<80xi32, #tpu.memory_space<vmem>>
    %dma_start3A_117 = arith.constant 0 : i32
    %dma_start3A_118 = tpu.memref_slice %arg9[%dma_start3A_117] : memref<20480xf32, #tpu.memory_space<vmem_shared>> -> memref<20480xf32, #tpu.memory_space<vmem_shared>>
    tpu.enqueue_indirect_dma source(%arg8 : memref<80xf32, #tpu.memory_space<vmem>>) target(%dma_start3A_118 : memref<20480xf32, #tpu.memory_space<vmem_shared>>) offsets(%dma_start3A_116 : memref<80xi32, #tpu.memory_space<vmem>>) semaphore(%arg12 : memref<!tpu.dma_semaphore, #tpu.memory_space<semaphore_mem>>) {add = true}
    %dma_start3A_119 = arith.constant 4 : i32
    %dma_start3A_120 = arith.constant 0 : i32
    %dma_start3A_121 = tpu.memref_slice %arg7[%dma_start3A_119, %dma_start3A_120] : memref<250x80xi32, #tpu.memory_space<vmem>> -> memref<1x80xi32, #tpu.memory_space<vmem>>
    %dma_start3A_122 = tpu.memref_squeeze %dma_start3A_121 : memref<1x80xi32, #tpu.memory_space<vmem>> -> memref<80xi32, #tpu.memory_space<vmem>>
    %dma_start3A_123 = arith.constant 0 : i32
    %dma_start3A_124 = tpu.memref_slice %arg10[%dma_start3A_123] : memref<20480xf32, #tpu.memory_space<vmem_shared>> -> memref<20480xf32, #tpu.memory_space<vmem_shared>>
    tpu.enqueue_indirect_dma source(%arg8 : memref<80xf32, #tpu.memory_space<vmem>>) target(%dma_start3A_124 : memref<20480xf32, #tpu.memory_space<vmem_shared>>) offsets(%dma_start3A_122 : memref<80xi32, #tpu.memory_space<vmem>>) semaphore(%arg13 : memref<!tpu.dma_semaphore, #tpu.memory_space<semaphore_mem>>) {add = true}
    %dma_start3A_125 = arith.constant 5 : i32
    %dma_start3A_126 = arith.constant 0 : i32
    %dma_start3A_127 = tpu.memref_slice %arg6[%dma_start3A_125, %dma_start3A_126] : memref<250x80xi32, #tpu.memory_space<vmem>> -> memref<1x80xi32, #tpu.memory_space<vmem>>
    %dma_start3A_128 = tpu.memref_squeeze %dma_start3A_127 : memref<1x80xi32, #tpu.memory_space<vmem>> -> memref<80xi32, #tpu.memory_space<vmem>>
    %dma_start3A_129 = arith.constant 0 : i32
    %dma_start3A_130 = tpu.memref_slice %arg9[%dma_start3A_129] : memref<20480xf32, #tpu.memory_space<vmem_shared>> -> memref<20480xf32, #tpu.memory_space<vmem_shared>>
    tpu.enqueue_indirect_dma source(%arg8 : memref<80xf32, #tpu.memory_space<vmem>>) target(%dma_start3A_130 : memref<20480xf32, #tpu.memory_space<vmem_shared>>) offsets(%dma_start3A_128 : memref<80xi32, #tpu.memory_space<vmem>>) semaphore(%arg12 : memref<!tpu.dma_semaphore, #tpu.memory_space<semaphore_mem>>) {add = true}
    %dma_start3A_131 = arith.constant 5 : i32
    %dma_start3A_132 = arith.constant 0 : i32
    %dma_start3A_133 = tpu.memref_slice %arg7[%dma_start3A_131, %dma_start3A_132] : memref<250x80xi32, #tpu.memory_space<vmem>> -> memref<1x80xi32, #tpu.memory_space<vmem>>
    %dma_start3A_134 = tpu.memref_squeeze %dma_start3A_133 : memref<1x80xi32, #tpu.memory_space<vmem>> -> memref<80xi32, #tpu.memory_space<vmem>>
    %dma_start3A_135 = arith.constant 0 : i32
    %dma_start3A_136 = tpu.memref_slice %arg10[%dma_start3A_135] : memref<20480xf32, #tpu.memory_space<vmem_shared>> -> memref<20480xf32, #tpu.memory_space<vmem_shared>>
    tpu.enqueue_indirect_dma source(%arg8 : memref<80xf32, #tpu.memory_space<vmem>>) target(%dma_start3A_136 : memref<20480xf32, #tpu.memory_space<vmem_shared>>) offsets(%dma_start3A_134 : memref<80xi32, #tpu.memory_space<vmem>>) semaphore(%arg13 : memref<!tpu.dma_semaphore, #tpu.memory_space<semaphore_mem>>) {add = true}
    %dma_start3A_137 = arith.constant 6 : i32
    %dma_start3A_138 = arith.constant 0 : i32
    %dma_start3A_139 = tpu.memref_slice %arg6[%dma_start3A_137, %dma_start3A_138] : memref<250x80xi32, #tpu.memory_space<vmem>> -> memref<1x80xi32, #tpu.memory_space<vmem>>
    %dma_start3A_140 = tpu.memref_squeeze %dma_start3A_139 : memref<1x80xi32, #tpu.memory_space<vmem>> -> memref<80xi32, #tpu.memory_space<vmem>>
    %dma_start3A_141 = arith.constant 0 : i32
    %dma_start3A_142 = tpu.memref_slice %arg9[%dma_start3A_141] : memref<20480xf32, #tpu.memory_space<vmem_shared>> -> memref<20480xf32, #tpu.memory_space<vmem_shared>>
    tpu.enqueue_indirect_dma source(%arg8 : memref<80xf32, #tpu.memory_space<vmem>>) target(%dma_start3A_142 : memref<20480xf32, #tpu.memory_space<vmem_shared>>) offsets(%dma_start3A_140 : memref<80xi32, #tpu.memory_space<vmem>>) semaphore(%arg12 : memref<!tpu.dma_semaphore, #tpu.memory_space<semaphore_mem>>) {add = true}
    %dma_start3A_143 = arith.constant 6 : i32
    %dma_start3A_144 = arith.constant 0 : i32
    %dma_start3A_145 = tpu.memref_slice %arg7[%dma_start3A_143, %dma_start3A_144] : memref<250x80xi32, #tpu.memory_space<vmem>> -> memref<1x80xi32, #tpu.memory_space<vmem>>
    %dma_start3A_146 = tpu.memref_squeeze %dma_start3A_145 : memref<1x80xi32, #tpu.memory_space<vmem>> -> memref<80xi32, #tpu.memory_space<vmem>>
    %dma_start3A_147 = arith.constant 0 : i32
    %dma_start3A_148 = tpu.memref_slice %arg10[%dma_start3A_147] : memref<20480xf32, #tpu.memory_space<vmem_shared>> -> memref<20480xf32, #tpu.memory_space<vmem_shared>>
    tpu.enqueue_indirect_dma source(%arg8 : memref<80xf32, #tpu.memory_space<vmem>>) target(%dma_start3A_148 : memref<20480xf32, #tpu.memory_space<vmem_shared>>) offsets(%dma_start3A_146 : memref<80xi32, #tpu.memory_space<vmem>>) semaphore(%arg13 : memref<!tpu.dma_semaphore, #tpu.memory_space<semaphore_mem>>) {add = true}
    %dma_start3A_149 = arith.constant 7 : i32
    %dma_start3A_150 = arith.constant 0 : i32
    %dma_start3A_151 = tpu.memref_slice %arg6[%dma_start3A_149, %dma_start3A_150] : memref<250x80xi32, #tpu.memory_space<vmem>> -> memref<1x80xi32, #tpu.memory_space<vmem>>
    %dma_start3A_152 = tpu.memref_squeeze %dma_start3A_151 : memref<1x80xi32, #tpu.memory_space<vmem>> -> memref<80xi32, #tpu.memory_space<vmem>>
    %dma_start3A_153 = arith.constant 0 : i32
    %dma_start3A_154 = tpu.memref_slice %arg9[%dma_start3A_153] : memref<20480xf32, #tpu.memory_space<vmem_shared>> -> memref<20480xf32, #tpu.memory_space<vmem_shared>>
    tpu.enqueue_indirect_dma source(%arg8 : memref<80xf32, #tpu.memory_space<vmem>>) target(%dma_start3A_154 : memref<20480xf32, #tpu.memory_space<vmem_shared>>) offsets(%dma_start3A_152 : memref<80xi32, #tpu.memory_space<vmem>>) semaphore(%arg12 : memref<!tpu.dma_semaphore, #tpu.memory_space<semaphore_mem>>) {add = true}
    %dma_start3A_155 = arith.constant 7 : i32
    %dma_start3A_156 = arith.constant 0 : i32
    %dma_start3A_157 = tpu.memref_slice %arg7[%dma_start3A_155, %dma_start3A_156] : memref<250x80xi32, #tpu.memory_space<vmem>> -> memref<1x80xi32, #tpu.memory_space<vmem>>
    %dma_start3A_158 = tpu.memref_squeeze %dma_start3A_157 : memref<1x80xi32, #tpu.memory_space<vmem>> -> memref<80xi32, #tpu.memory_space<vmem>>
    %dma_start3A_159 = arith.constant 0 : i32
    %dma_start3A_160 = tpu.memref_slice %arg10[%dma_start3A_159] : memref<20480xf32, #tpu.memory_space<vmem_shared>> -> memref<20480xf32, #tpu.memory_space<vmem_shared>>
    tpu.enqueue_indirect_dma source(%arg8 : memref<80xf32, #tpu.memory_space<vmem>>) target(%dma_start3A_160 : memref<20480xf32, #tpu.memory_space<vmem_shared>>) offsets(%dma_start3A_158 : memref<80xi32, #tpu.memory_space<vmem>>) semaphore(%arg13 : memref<!tpu.dma_semaphore, #tpu.memory_space<semaphore_mem>>) {add = true}
    %scan3A = arith.constant 0 : i32
    %scan3A_161 = arith.constant 8 : i32
    %scan3A_162 = arith.constant 242 : i32
    %scan3A_163 = arith.addi %scan3A_161, %scan3A_162 : i32
    %scan3A_164 = arith.constant 1 : i32
    scf.for %scan3A_272 = %scan3A_161 to %scan3A_163 step %scan3A_164  : i32 {
      %sub3A = arith.constant 8 : i32
      %sub3A_273 = arith.subi %scan3A_272, %sub3A : i32
      %dma_wait3A_274 = arith.constant 0 : i32
      %dma_wait3A_275 = tpu.memref_slice %arg6[%sub3A_273, %dma_wait3A_274] : memref<250x80xi32, #tpu.memory_space<vmem>> -> memref<1x80xi32, #tpu.memory_space<vmem>>
      %dma_wait3A_276 = tpu.memref_squeeze %dma_wait3A_275 : memref<1x80xi32, #tpu.memory_space<vmem>> -> memref<80xi32, #tpu.memory_space<vmem>>
      %dma_wait3A_277 = arith.constant 0 : i32
      %dma_wait3A_278 = tpu.memref_slice %arg9[%dma_wait3A_277] : memref<20480xf32, #tpu.memory_space<vmem_shared>> -> memref<20480xf32, #tpu.memory_space<vmem_shared>>
      tpu.wait_indirect_dma semaphore(%arg12 : memref<!tpu.dma_semaphore, #tpu.memory_space<semaphore_mem>>) src(%arg8 : memref<80xf32, #tpu.memory_space<vmem>>) dst(%dma_wait3A_278 : memref<20480xf32, #tpu.memory_space<vmem_shared>>)
      %dma_wait3A_279 = arith.constant 0 : i32
      %dma_wait3A_280 = tpu.memref_slice %arg7[%sub3A_273, %dma_wait3A_279] : memref<250x80xi32, #tpu.memory_space<vmem>> -> memref<1x80xi32, #tpu.memory_space<vmem>>
      %dma_wait3A_281 = tpu.memref_squeeze %dma_wait3A_280 : memref<1x80xi32, #tpu.memory_space<vmem>> -> memref<80xi32, #tpu.memory_space<vmem>>
      %dma_wait3A_282 = arith.constant 0 : i32
      %dma_wait3A_283 = tpu.memref_slice %arg10[%dma_wait3A_282] : memref<20480xf32, #tpu.memory_space<vmem_shared>> -> memref<20480xf32, #tpu.memory_space<vmem_shared>>
      tpu.wait_indirect_dma semaphore(%arg13 : memref<!tpu.dma_semaphore, #tpu.memory_space<semaphore_mem>>) src(%arg8 : memref<80xf32, #tpu.memory_space<vmem>>) dst(%dma_wait3A_283 : memref<20480xf32, #tpu.memory_space<vmem_shared>>)
      %dma_start3A_284 = arith.constant 0 : i32
      %dma_start3A_285 = tpu.memref_slice %arg6[%scan3A_272, %dma_start3A_284] : memref<250x80xi32, #tpu.memory_space<vmem>> -> memref<1x80xi32, #tpu.memory_space<vmem>>
      %dma_start3A_286 = tpu.memref_squeeze %dma_start3A_285 : memref<1x80xi32, #tpu.memory_space<vmem>> -> memref<80xi32, #tpu.memory_space<vmem>>
      %dma_start3A_287 = arith.constant 0 : i32
      %dma_start3A_288 = tpu.memref_slice %arg9[%dma_start3A_287] : memref<20480xf32, #tpu.memory_space<vmem_shared>> -> memref<20480xf32, #tpu.memory_space<vmem_shared>>
      tpu.enqueue_indirect_dma source(%arg8 : memref<80xf32, #tpu.memory_space<vmem>>) target(%dma_start3A_288 : memref<20480xf32, #tpu.memory_space<vmem_shared>>) offsets(%dma_start3A_286 : memref<80xi32, #tpu.memory_space<vmem>>) semaphore(%arg12 : memref<!tpu.dma_semaphore, #tpu.memory_space<semaphore_mem>>) {add = true}
      %dma_start3A_289 = arith.constant 0 : i32
      %dma_start3A_290 = tpu.memref_slice %arg7[%scan3A_272, %dma_start3A_289] : memref<250x80xi32, #tpu.memory_space<vmem>> -> memref<1x80xi32, #tpu.memory_space<vmem>>
      %dma_start3A_291 = tpu.memref_squeeze %dma_start3A_290 : memref<1x80xi32, #tpu.memory_space<vmem>> -> memref<80xi32, #tpu.memory_space<vmem>>
      %dma_start3A_292 = arith.constant 0 : i32
      %dma_start3A_293 = tpu.memref_slice %arg10[%dma_start3A_292] : memref<20480xf32, #tpu.memory_space<vmem_shared>> -> memref<20480xf32, #tpu.memory_space<vmem_shared>>
      tpu.enqueue_indirect_dma source(%arg8 : memref<80xf32, #tpu.memory_space<vmem>>) target(%dma_start3A_293 : memref<20480xf32, #tpu.memory_space<vmem_shared>>) offsets(%dma_start3A_291 : memref<80xi32, #tpu.memory_space<vmem>>) semaphore(%arg13 : memref<!tpu.dma_semaphore, #tpu.memory_space<semaphore_mem>>) {add = true}
    }
    %scan3A_165 = arith.constant 242 : i32
    %dma_wait3A_166 = arith.constant 0 : i32
    %dma_wait3A_167 = arith.constant 0 : i32
    %dma_wait3A_168 = tpu.memref_slice %arg6[%dma_wait3A_166, %dma_wait3A_167] : memref<250x80xi32, #tpu.memory_space<vmem>> -> memref<1x80xi32, #tpu.memory_space<vmem>>
    %dma_wait3A_169 = tpu.memref_squeeze %dma_wait3A_168 : memref<1x80xi32, #tpu.memory_space<vmem>> -> memref<80xi32, #tpu.memory_space<vmem>>
    %dma_wait3A_170 = arith.constant 0 : i32
    %dma_wait3A_171 = tpu.memref_slice %arg9[%dma_wait3A_170] : memref<20480xf32, #tpu.memory_space<vmem_shared>> -> memref<20480xf32, #tpu.memory_space<vmem_shared>>
    tpu.wait_indirect_dma semaphore(%arg12 : memref<!tpu.dma_semaphore, #tpu.memory_space<semaphore_mem>>) src(%arg8 : memref<80xf32, #tpu.memory_space<vmem>>) dst(%dma_wait3A_171 : memref<20480xf32, #tpu.memory_space<vmem_shared>>)
    %dma_wait3A_172 = arith.constant 0 : i32
    %dma_wait3A_173 = arith.constant 0 : i32
    %dma_wait3A_174 = tpu.memref_slice %arg7[%dma_wait3A_172, %dma_wait3A_173] : memref<250x80xi32, #tpu.memory_space<vmem>> -> memref<1x80xi32, #tpu.memory_space<vmem>>
    %dma_wait3A_175 = tpu.memref_squeeze %dma_wait3A_174 : memref<1x80xi32, #tpu.memory_space<vmem>> -> memref<80xi32, #tpu.memory_space<vmem>>
    %dma_wait3A_176 = arith.constant 0 : i32
    %dma_wait3A_177 = tpu.memref_slice %arg10[%dma_wait3A_176] : memref<20480xf32, #tpu.memory_space<vmem_shared>> -> memref<20480xf32, #tpu.memory_space<vmem_shared>>
    tpu.wait_indirect_dma semaphore(%arg13 : memref<!tpu.dma_semaphore, #tpu.memory_space<semaphore_mem>>) src(%arg8 : memref<80xf32, #tpu.memory_space<vmem>>) dst(%dma_wait3A_177 : memref<20480xf32, #tpu.memory_space<vmem_shared>>)
    %dma_wait3A_178 = arith.constant 1 : i32
    %dma_wait3A_179 = arith.constant 0 : i32
    %dma_wait3A_180 = tpu.memref_slice %arg6[%dma_wait3A_178, %dma_wait3A_179] : memref<250x80xi32, #tpu.memory_space<vmem>> -> memref<1x80xi32, #tpu.memory_space<vmem>>
    %dma_wait3A_181 = tpu.memref_squeeze %dma_wait3A_180 : memref<1x80xi32, #tpu.memory_space<vmem>> -> memref<80xi32, #tpu.memory_space<vmem>>
    %dma_wait3A_182 = arith.constant 0 : i32
    %dma_wait3A_183 = tpu.memref_slice %arg9[%dma_wait3A_182] : memref<20480xf32, #tpu.memory_space<vmem_shared>> -> memref<20480xf32, #tpu.memory_space<vmem_shared>>
    tpu.wait_indirect_dma semaphore(%arg12 : memref<!tpu.dma_semaphore, #tpu.memory_space<semaphore_mem>>) src(%arg8 : memref<80xf32, #tpu.memory_space<vmem>>) dst(%dma_wait3A_183 : memref<20480xf32, #tpu.memory_space<vmem_shared>>)
    %dma_wait3A_184 = arith.constant 1 : i32
    %dma_wait3A_185 = arith.constant 0 : i32
    %dma_wait3A_186 = tpu.memref_slice %arg7[%dma_wait3A_184, %dma_wait3A_185] : memref<250x80xi32, #tpu.memory_space<vmem>> -> memref<1x80xi32, #tpu.memory_space<vmem>>
    %dma_wait3A_187 = tpu.memref_squeeze %dma_wait3A_186 : memref<1x80xi32, #tpu.memory_space<vmem>> -> memref<80xi32, #tpu.memory_space<vmem>>
    %dma_wait3A_188 = arith.constant 0 : i32
    %dma_wait3A_189 = tpu.memref_slice %arg10[%dma_wait3A_188] : memref<20480xf32, #tpu.memory_space<vmem_shared>> -> memref<20480xf32, #tpu.memory_space<vmem_shared>>
    tpu.wait_indirect_dma semaphore(%arg13 : memref<!tpu.dma_semaphore, #tpu.memory_space<semaphore_mem>>) src(%arg8 : memref<80xf32, #tpu.memory_space<vmem>>) dst(%dma_wait3A_189 : memref<20480xf32, #tpu.memory_space<vmem_shared>>)
    %dma_wait3A_190 = arith.constant 2 : i32
    %dma_wait3A_191 = arith.constant 0 : i32
    %dma_wait3A_192 = tpu.memref_slice %arg6[%dma_wait3A_190, %dma_wait3A_191] : memref<250x80xi32, #tpu.memory_space<vmem>> -> memref<1x80xi32, #tpu.memory_space<vmem>>
    %dma_wait3A_193 = tpu.memref_squeeze %dma_wait3A_192 : memref<1x80xi32, #tpu.memory_space<vmem>> -> memref<80xi32, #tpu.memory_space<vmem>>
    %dma_wait3A_194 = arith.constant 0 : i32
    %dma_wait3A_195 = tpu.memref_slice %arg9[%dma_wait3A_194] : memref<20480xf32, #tpu.memory_space<vmem_shared>> -> memref<20480xf32, #tpu.memory_space<vmem_shared>>
    tpu.wait_indirect_dma semaphore(%arg12 : memref<!tpu.dma_semaphore, #tpu.memory_space<semaphore_mem>>) src(%arg8 : memref<80xf32, #tpu.memory_space<vmem>>) dst(%dma_wait3A_195 : memref<20480xf32, #tpu.memory_space<vmem_shared>>)
    %dma_wait3A_196 = arith.constant 2 : i32
    %dma_wait3A_197 = arith.constant 0 : i32
    %dma_wait3A_198 = tpu.memref_slice %arg7[%dma_wait3A_196, %dma_wait3A_197] : memref<250x80xi32, #tpu.memory_space<vmem>> -> memref<1x80xi32, #tpu.memory_space<vmem>>
    %dma_wait3A_199 = tpu.memref_squeeze %dma_wait3A_198 : memref<1x80xi32, #tpu.memory_space<vmem>> -> memref<80xi32, #tpu.memory_space<vmem>>
    %dma_wait3A_200 = arith.constant 0 : i32
    %dma_wait3A_201 = tpu.memref_slice %arg10[%dma_wait3A_200] : memref<20480xf32, #tpu.memory_space<vmem_shared>> -> memref<20480xf32, #tpu.memory_space<vmem_shared>>
    tpu.wait_indirect_dma semaphore(%arg13 : memref<!tpu.dma_semaphore, #tpu.memory_space<semaphore_mem>>) src(%arg8 : memref<80xf32, #tpu.memory_space<vmem>>) dst(%dma_wait3A_201 : memref<20480xf32, #tpu.memory_space<vmem_shared>>)
    %dma_wait3A_202 = arith.constant 3 : i32
    %dma_wait3A_203 = arith.constant 0 : i32
    %dma_wait3A_204 = tpu.memref_slice %arg6[%dma_wait3A_202, %dma_wait3A_203] : memref<250x80xi32, #tpu.memory_space<vmem>> -> memref<1x80xi32, #tpu.memory_space<vmem>>
    %dma_wait3A_205 = tpu.memref_squeeze %dma_wait3A_204 : memref<1x80xi32, #tpu.memory_space<vmem>> -> memref<80xi32, #tpu.memory_space<vmem>>
    %dma_wait3A_206 = arith.constant 0 : i32
    %dma_wait3A_207 = tpu.memref_slice %arg9[%dma_wait3A_206] : memref<20480xf32, #tpu.memory_space<vmem_shared>> -> memref<20480xf32, #tpu.memory_space<vmem_shared>>
    tpu.wait_indirect_dma semaphore(%arg12 : memref<!tpu.dma_semaphore, #tpu.memory_space<semaphore_mem>>) src(%arg8 : memref<80xf32, #tpu.memory_space<vmem>>) dst(%dma_wait3A_207 : memref<20480xf32, #tpu.memory_space<vmem_shared>>)
    %dma_wait3A_208 = arith.constant 3 : i32
    %dma_wait3A_209 = arith.constant 0 : i32
    %dma_wait3A_210 = tpu.memref_slice %arg7[%dma_wait3A_208, %dma_wait3A_209] : memref<250x80xi32, #tpu.memory_space<vmem>> -> memref<1x80xi32, #tpu.memory_space<vmem>>
    %dma_wait3A_211 = tpu.memref_squeeze %dma_wait3A_210 : memref<1x80xi32, #tpu.memory_space<vmem>> -> memref<80xi32, #tpu.memory_space<vmem>>
    %dma_wait3A_212 = arith.constant 0 : i32
    %dma_wait3A_213 = tpu.memref_slice %arg10[%dma_wait3A_212] : memref<20480xf32, #tpu.memory_space<vmem_shared>> -> memref<20480xf32, #tpu.memory_space<vmem_shared>>
    tpu.wait_indirect_dma semaphore(%arg13 : memref<!tpu.dma_semaphore, #tpu.memory_space<semaphore_mem>>) src(%arg8 : memref<80xf32, #tpu.memory_space<vmem>>) dst(%dma_wait3A_213 : memref<20480xf32, #tpu.memory_space<vmem_shared>>)
    %dma_wait3A_214 = arith.constant 4 : i32
    %dma_wait3A_215 = arith.constant 0 : i32
    %dma_wait3A_216 = tpu.memref_slice %arg6[%dma_wait3A_214, %dma_wait3A_215] : memref<250x80xi32, #tpu.memory_space<vmem>> -> memref<1x80xi32, #tpu.memory_space<vmem>>
    %dma_wait3A_217 = tpu.memref_squeeze %dma_wait3A_216 : memref<1x80xi32, #tpu.memory_space<vmem>> -> memref<80xi32, #tpu.memory_space<vmem>>
    %dma_wait3A_218 = arith.constant 0 : i32
    %dma_wait3A_219 = tpu.memref_slice %arg9[%dma_wait3A_218] : memref<20480xf32, #tpu.memory_space<vmem_shared>> -> memref<20480xf32, #tpu.memory_space<vmem_shared>>
    tpu.wait_indirect_dma semaphore(%arg12 : memref<!tpu.dma_semaphore, #tpu.memory_space<semaphore_mem>>) src(%arg8 : memref<80xf32, #tpu.memory_space<vmem>>) dst(%dma_wait3A_219 : memref<20480xf32, #tpu.memory_space<vmem_shared>>)
    %dma_wait3A_220 = arith.constant 4 : i32
    %dma_wait3A_221 = arith.constant 0 : i32
    %dma_wait3A_222 = tpu.memref_slice %arg7[%dma_wait3A_220, %dma_wait3A_221] : memref<250x80xi32, #tpu.memory_space<vmem>> -> memref<1x80xi32, #tpu.memory_space<vmem>>
    %dma_wait3A_223 = tpu.memref_squeeze %dma_wait3A_222 : memref<1x80xi32, #tpu.memory_space<vmem>> -> memref<80xi32, #tpu.memory_space<vmem>>
    %dma_wait3A_224 = arith.constant 0 : i32
    %dma_wait3A_225 = tpu.memref_slice %arg10[%dma_wait3A_224] : memref<20480xf32, #tpu.memory_space<vmem_shared>> -> memref<20480xf32, #tpu.memory_space<vmem_shared>>
    tpu.wait_indirect_dma semaphore(%arg13 : memref<!tpu.dma_semaphore, #tpu.memory_space<semaphore_mem>>) src(%arg8 : memref<80xf32, #tpu.memory_space<vmem>>) dst(%dma_wait3A_225 : memref<20480xf32, #tpu.memory_space<vmem_shared>>)
    %dma_wait3A_226 = arith.constant 5 : i32
    %dma_wait3A_227 = arith.constant 0 : i32
    %dma_wait3A_228 = tpu.memref_slice %arg6[%dma_wait3A_226, %dma_wait3A_227] : memref<250x80xi32, #tpu.memory_space<vmem>> -> memref<1x80xi32, #tpu.memory_space<vmem>>
    %dma_wait3A_229 = tpu.memref_squeeze %dma_wait3A_228 : memref<1x80xi32, #tpu.memory_space<vmem>> -> memref<80xi32, #tpu.memory_space<vmem>>
    %dma_wait3A_230 = arith.constant 0 : i32
    %dma_wait3A_231 = tpu.memref_slice %arg9[%dma_wait3A_230] : memref<20480xf32, #tpu.memory_space<vmem_shared>> -> memref<20480xf32, #tpu.memory_space<vmem_shared>>
    tpu.wait_indirect_dma semaphore(%arg12 : memref<!tpu.dma_semaphore, #tpu.memory_space<semaphore_mem>>) src(%arg8 : memref<80xf32, #tpu.memory_space<vmem>>) dst(%dma_wait3A_231 : memref<20480xf32, #tpu.memory_space<vmem_shared>>)
    %dma_wait3A_232 = arith.constant 5 : i32
    %dma_wait3A_233 = arith.constant 0 : i32
    %dma_wait3A_234 = tpu.memref_slice %arg7[%dma_wait3A_232, %dma_wait3A_233] : memref<250x80xi32, #tpu.memory_space<vmem>> -> memref<1x80xi32, #tpu.memory_space<vmem>>
    %dma_wait3A_235 = tpu.memref_squeeze %dma_wait3A_234 : memref<1x80xi32, #tpu.memory_space<vmem>> -> memref<80xi32, #tpu.memory_space<vmem>>
    %dma_wait3A_236 = arith.constant 0 : i32
    %dma_wait3A_237 = tpu.memref_slice %arg10[%dma_wait3A_236] : memref<20480xf32, #tpu.memory_space<vmem_shared>> -> memref<20480xf32, #tpu.memory_space<vmem_shared>>
    tpu.wait_indirect_dma semaphore(%arg13 : memref<!tpu.dma_semaphore, #tpu.memory_space<semaphore_mem>>) src(%arg8 : memref<80xf32, #tpu.memory_space<vmem>>) dst(%dma_wait3A_237 : memref<20480xf32, #tpu.memory_space<vmem_shared>>)
    %dma_wait3A_238 = arith.constant 6 : i32
    %dma_wait3A_239 = arith.constant 0 : i32
    %dma_wait3A_240 = tpu.memref_slice %arg6[%dma_wait3A_238, %dma_wait3A_239] : memref<250x80xi32, #tpu.memory_space<vmem>> -> memref<1x80xi32, #tpu.memory_space<vmem>>
    %dma_wait3A_241 = tpu.memref_squeeze %dma_wait3A_240 : memref<1x80xi32, #tpu.memory_space<vmem>> -> memref<80xi32, #tpu.memory_space<vmem>>
    %dma_wait3A_242 = arith.constant 0 : i32
    %dma_wait3A_243 = tpu.memref_slice %arg9[%dma_wait3A_242] : memref<20480xf32, #tpu.memory_space<vmem_shared>> -> memref<20480xf32, #tpu.memory_space<vmem_shared>>
    tpu.wait_indirect_dma semaphore(%arg12 : memref<!tpu.dma_semaphore, #tpu.memory_space<semaphore_mem>>) src(%arg8 : memref<80xf32, #tpu.memory_space<vmem>>) dst(%dma_wait3A_243 : memref<20480xf32, #tpu.memory_space<vmem_shared>>)
    %dma_wait3A_244 = arith.constant 6 : i32
    %dma_wait3A_245 = arith.constant 0 : i32
    %dma_wait3A_246 = tpu.memref_slice %arg7[%dma_wait3A_244, %dma_wait3A_245] : memref<250x80xi32, #tpu.memory_space<vmem>> -> memref<1x80xi32, #tpu.memory_space<vmem>>
    %dma_wait3A_247 = tpu.memref_squeeze %dma_wait3A_246 : memref<1x80xi32, #tpu.memory_space<vmem>> -> memref<80xi32, #tpu.memory_space<vmem>>
    %dma_wait3A_248 = arith.constant 0 : i32
    %dma_wait3A_249 = tpu.memref_slice %arg10[%dma_wait3A_248] : memref<20480xf32, #tpu.memory_space<vmem_shared>> -> memref<20480xf32, #tpu.memory_space<vmem_shared>>
    tpu.wait_indirect_dma semaphore(%arg13 : memref<!tpu.dma_semaphore, #tpu.memory_space<semaphore_mem>>) src(%arg8 : memref<80xf32, #tpu.memory_space<vmem>>) dst(%dma_wait3A_249 : memref<20480xf32, #tpu.memory_space<vmem_shared>>)
    %dma_wait3A_250 = arith.constant 7 : i32
    %dma_wait3A_251 = arith.constant 0 : i32
    %dma_wait3A_252 = tpu.memref_slice %arg6[%dma_wait3A_250, %dma_wait3A_251] : memref<250x80xi32, #tpu.memory_space<vmem>> -> memref<1x80xi32, #tpu.memory_space<vmem>>
    %dma_wait3A_253 = tpu.memref_squeeze %dma_wait3A_252 : memref<1x80xi32, #tpu.memory_space<vmem>> -> memref<80xi32, #tpu.memory_space<vmem>>
    %dma_wait3A_254 = arith.constant 0 : i32
    %dma_wait3A_255 = tpu.memref_slice %arg9[%dma_wait3A_254] : memref<20480xf32, #tpu.memory_space<vmem_shared>> -> memref<20480xf32, #tpu.memory_space<vmem_shared>>
    tpu.wait_indirect_dma semaphore(%arg12 : memref<!tpu.dma_semaphore, #tpu.memory_space<semaphore_mem>>) src(%arg8 : memref<80xf32, #tpu.memory_space<vmem>>) dst(%dma_wait3A_255 : memref<20480xf32, #tpu.memory_space<vmem_shared>>)
    %dma_wait3A_256 = arith.constant 7 : i32
    %dma_wait3A_257 = arith.constant 0 : i32
    %dma_wait3A_258 = tpu.memref_slice %arg7[%dma_wait3A_256, %dma_wait3A_257] : memref<250x80xi32, #tpu.memory_space<vmem>> -> memref<1x80xi32, #tpu.memory_space<vmem>>
    %dma_wait3A_259 = tpu.memref_squeeze %dma_wait3A_258 : memref<1x80xi32, #tpu.memory_space<vmem>> -> memref<80xi32, #tpu.memory_space<vmem>>
    %dma_wait3A_260 = arith.constant 0 : i32
    %dma_wait3A_261 = tpu.memref_slice %arg10[%dma_wait3A_260] : memref<20480xf32, #tpu.memory_space<vmem_shared>> -> memref<20480xf32, #tpu.memory_space<vmem_shared>>
    tpu.wait_indirect_dma semaphore(%arg13 : memref<!tpu.dma_semaphore, #tpu.memory_space<semaphore_mem>>) src(%arg8 : memref<80xf32, #tpu.memory_space<vmem>>) dst(%dma_wait3A_261 : memref<20480xf32, #tpu.memory_space<vmem_shared>>)
    %barrier3A_262 = arith.constant 0 : index
    tpu.barrier barrier_id(%barrier3A_262)
    %mul3A_263 = arith.constant 1280 : i32
    %mul3A_264 = arith.muli %arg1, %mul3A_263 : i32
    %mul3A_265 = arith.constant 1280 : i32
    %mul3A_266 = arith.muli %arg1, %mul3A_265 : i32
    %run_scoped3A = arith.constant 0 : i32
    "tpu.region"() ({
      %run_scoped3A_272 = tpu.sem_alloc : memref<!tpu.dma_semaphore, #tpu.memory_space<semaphore_mem>>
      %dma_start3A_273 = tpu.memref_slice %arg5[%arg0, %run_scoped3A, %mul3A_266] : memref<2x2x20480xf32, #tpu.memory_space<hbm>> -> memref<1x1x1280xf32, #tpu.memory_space<hbm>>
      %dma_start3A_274 = tpu.memref_squeeze %dma_start3A_273 : memref<1x1x1280xf32, #tpu.memory_space<hbm>> -> memref<1280xf32, #tpu.memory_space<hbm>>
      %dma_start3A_275 = tpu.memref_slice %arg9[%mul3A_264] : memref<20480xf32, #tpu.memory_space<vmem_shared>> -> memref<1280xf32, #tpu.memory_space<vmem_shared>>
      tpu.enqueue_dma source(%dma_start3A_275 : memref<1280xf32, #tpu.memory_space<vmem_shared>>) target(%dma_start3A_274 : memref<1280xf32, #tpu.memory_space<hbm>>) target_semaphore(%run_scoped3A_272 : memref<!tpu.dma_semaphore, #tpu.memory_space<semaphore_mem>>)
      %dma_wait3A_276 = tpu.memref_slice %arg5[%arg0, %run_scoped3A, %mul3A_266] : memref<2x2x20480xf32, #tpu.memory_space<hbm>> -> memref<1x1x1280xf32, #tpu.memory_space<hbm>>
      %dma_wait3A_277 = tpu.memref_squeeze %dma_wait3A_276 : memref<1x1x1280xf32, #tpu.memory_space<hbm>> -> memref<1280xf32, #tpu.memory_space<hbm>>
      %dma_wait3A_278 = tpu.memref_slice %arg9[%mul3A_264] : memref<20480xf32, #tpu.memory_space<vmem_shared>> -> memref<1280xf32, #tpu.memory_space<vmem_shared>>
      tpu.wait_dma2 semaphore(%run_scoped3A_272 : memref<!tpu.dma_semaphore, #tpu.memory_space<semaphore_mem>>) src(%dma_wait3A_278 : memref<1280xf32, #tpu.memory_space<vmem_shared>>) dst(%dma_wait3A_277 : memref<1280xf32, #tpu.memory_space<hbm>>)
      tpu.yield
    }) : () -> ()
    %mul3A_267 = arith.constant 1280 : i32
    %mul3A_268 = arith.muli %arg1, %mul3A_267 : i32
    %mul3A_269 = arith.constant 1280 : i32
    %mul3A_270 = arith.muli %arg1, %mul3A_269 : i32
    %run_scoped3A_271 = arith.constant 1 : i32
    "tpu.region"() ({
      %run_scoped3A_272 = tpu.sem_alloc : memref<!tpu.dma_semaphore, #tpu.memory_space<semaphore_mem>>
      %dma_start3A_273 = tpu.memref_slice %arg5[%arg0, %run_scoped3A_271, %mul3A_270] : memref<2x2x20480xf32, #tpu.memory_space<hbm>> -> memref<1x1x1280xf32, #tpu.memory_space<hbm>>
      %dma_start3A_274 = tpu.memref_squeeze %dma_start3A_273 : memref<1x1x1280xf32, #tpu.memory_space<hbm>> -> memref<1280xf32, #tpu.memory_space<hbm>>
      %dma_start3A_275 = tpu.memref_slice %arg10[%mul3A_268] : memref<20480xf32, #tpu.memory_space<vmem_shared>> -> memref<1280xf32, #tpu.memory_space<vmem_shared>>
      tpu.enqueue_dma source(%dma_start3A_275 : memref<1280xf32, #tpu.memory_space<vmem_shared>>) target(%dma_start3A_274 : memref<1280xf32, #tpu.memory_space<hbm>>) target_semaphore(%run_scoped3A_272 : memref<!tpu.dma_semaphore, #tpu.memory_space<semaphore_mem>>)
      %dma_wait3A_276 = tpu.memref_slice %arg5[%arg0, %run_scoped3A_271, %mul3A_270] : memref<2x2x20480xf32, #tpu.memory_space<hbm>> -> memref<1x1x1280xf32, #tpu.memory_space<hbm>>
      %dma_wait3A_277 = tpu.memref_squeeze %dma_wait3A_276 : memref<1x1x1280xf32, #tpu.memory_space<hbm>> -> memref<1280xf32, #tpu.memory_space<hbm>>
      %dma_wait3A_278 = tpu.memref_slice %arg10[%mul3A_268] : memref<20480xf32, #tpu.memory_space<vmem_shared>> -> memref<1280xf32, #tpu.memory_space<vmem_shared>>
      tpu.wait_dma2 semaphore(%run_scoped3A_272 : memref<!tpu.dma_semaphore, #tpu.memory_space<semaphore_mem>>) src(%dma_wait3A_278 : memref<1280xf32, #tpu.memory_space<vmem_shared>>) dst(%dma_wait3A_277 : memref<1280xf32, #tpu.memory_space<hbm>>)
      tpu.yield
    }) : () -> ()
    return
  }
}

#map = affine_map<(d0, d1) -> (0, 0, 0)>
#map1 = affine_map<(d0, d1) -> (0, 0, 0, 0)>
#map2 = affine_map<(d0, d1) -> (0, 0)>
module attributes {stable_mosaic.version = 14 : i64} {
  func.func @main_kernel(%arg0: i32, %arg1: i32, %arg2: memref<2x20000x64xf32, #tpu.memory_space<hbm>>, %arg3: memref<16x32x10x125xi32, #tpu.memory_space<hbm>>, %arg4: memref<16x32x10x125xi32, #tpu.memory_space<hbm>>, %arg5: memref<1250x64xf32, #tpu.memory_space<hbm>>, %arg6: memref<20000x128xf32, #tpu.memory_space<hbm>>, %arg7: memref<2x10x125xi32, #tpu.memory_space<vmem>>, %arg8: memref<2x10x125xi32, #tpu.memory_space<vmem>>, %arg9: memref<5x125x64xf32, #tpu.memory_space<vmem>>, %arg10: memref<20000x64xf32, #tpu.memory_space<vmem_shared>>, %arg11: memref<2x!tpu.dma_semaphore, #tpu.memory_space<semaphore_mem>>, %arg12: memref<5x!tpu.dma_semaphore, #tpu.memory_space<semaphore_mem>>, %arg13: memref<5x!tpu.dma_semaphore, #tpu.memory_space<semaphore_mem>>, %arg14: memref<!tpu.dma_semaphore, #tpu.memory_space<semaphore_mem>>) attributes {dimension_semantics = [#tpu.dimension_semantics<core_parallel>, #tpu.dimension_semantics<subcore_parallel>], iteration_bounds = array<i64: 2, 16>, scalar_prefetch = 0 : i64, scratch_operands = 8 : i64, tpu.core_type = #tpu.core_type<sc_vector_subcore>, window_params = [{transform_indices = #map}, {transform_indices = #map1}, {transform_indices = #map1}, {transform_indices = #map2}, {transform_indices = #map2}]} {
    %mul3A = arith.constant 20000 : i32
    %mul3A_0 = arith.muli %arg0, %mul3A : i32
    %dma_start3A = arith.constant 0 : i32
    %dma_start3A_1 = arith.constant 0 : i32
    %dma_start3A_2 = arith.constant 0 : i32
    %dma_start3A_3 = arith.constant 0 : i32
    %dma_start3A_4 = arith.constant 0 : i32
    %dma_start3A_5 = tpu.memref_slice %arg7[%dma_start3A_1, %dma_start3A_3, %dma_start3A_4] : memref<2x10x125xi32, #tpu.memory_space<vmem>> -> memref<1x10x125xi32, #tpu.memory_space<vmem>>
    %dma_start3A_6 = tpu.memref_squeeze %dma_start3A_5 : memref<1x10x125xi32, #tpu.memory_space<vmem>> -> memref<10x125xi32, #tpu.memory_space<vmem>>
    %dma_start3A_7 = arith.constant 0 : i32
    %dma_start3A_8 = arith.constant 0 : i32
    %dma_start3A_9 = tpu.memref_slice %arg3[%arg1, %dma_start3A, %dma_start3A_7, %dma_start3A_8] : memref<16x32x10x125xi32, #tpu.memory_space<hbm>> -> memref<1x1x10x125xi32, #tpu.memory_space<hbm>>
    %dma_start3A_10 = tpu.memref_squeeze %dma_start3A_9 : memref<1x1x10x125xi32, #tpu.memory_space<hbm>> -> memref<10x125xi32, #tpu.memory_space<hbm>>
    %dma_start3A_11 = tpu.memref_slice %arg11[%dma_start3A_2] : memref<2x!tpu.dma_semaphore, #tpu.memory_space<semaphore_mem>> -> memref<1x!tpu.dma_semaphore, #tpu.memory_space<semaphore_mem>>
    %dma_start3A_12 = tpu.memref_squeeze %dma_start3A_11 : memref<1x!tpu.dma_semaphore, #tpu.memory_space<semaphore_mem>> -> memref<!tpu.dma_semaphore, #tpu.memory_space<semaphore_mem>>
    %dma_start3A_13 = arith.constant 0 : i32
    %dma_start3A_14 = arith.constant 0 : i32
    %dma_start3A_15 = tpu.memref_slice %arg7[%dma_start3A_1, %dma_start3A_13, %dma_start3A_14] : memref<2x10x125xi32, #tpu.memory_space<vmem>> -> memref<1x10x125xi32, #tpu.memory_space<vmem>>
    %dma_start3A_16 = tpu.memref_squeeze %dma_start3A_15 : memref<1x10x125xi32, #tpu.memory_space<vmem>> -> memref<10x125xi32, #tpu.memory_space<vmem>>
    %dma_start3A_17 = arith.constant 0 : i32
    %dma_start3A_18 = arith.constant 0 : i32
    %dma_start3A_19 = tpu.memref_slice %arg3[%arg1, %dma_start3A, %dma_start3A_17, %dma_start3A_18] : memref<16x32x10x125xi32, #tpu.memory_space<hbm>> -> memref<1x1x10x125xi32, #tpu.memory_space<hbm>>
    %dma_start3A_20 = tpu.memref_squeeze %dma_start3A_19 : memref<1x1x10x125xi32, #tpu.memory_space<hbm>> -> memref<10x125xi32, #tpu.memory_space<hbm>>
    tpu.enqueue_dma source(%dma_start3A_20 : memref<10x125xi32, #tpu.memory_space<hbm>>) target(%dma_start3A_16 : memref<10x125xi32, #tpu.memory_space<vmem>>) target_semaphore(%dma_start3A_12 : memref<!tpu.dma_semaphore, #tpu.memory_space<semaphore_mem>>)
    %dma_start3A_21 = arith.constant 0 : i32
    %dma_start3A_22 = arith.constant 0 : i32
    %dma_start3A_23 = arith.constant 0 : i32
    %dma_start3A_24 = arith.constant 0 : i32
    %dma_start3A_25 = arith.constant 0 : i32
    %dma_start3A_26 = tpu.memref_slice %arg8[%dma_start3A_22, %dma_start3A_24, %dma_start3A_25] : memref<2x10x125xi32, #tpu.memory_space<vmem>> -> memref<1x10x125xi32, #tpu.memory_space<vmem>>
    %dma_start3A_27 = tpu.memref_squeeze %dma_start3A_26 : memref<1x10x125xi32, #tpu.memory_space<vmem>> -> memref<10x125xi32, #tpu.memory_space<vmem>>
    %dma_start3A_28 = arith.constant 0 : i32
    %dma_start3A_29 = arith.constant 0 : i32
    %dma_start3A_30 = tpu.memref_slice %arg4[%arg1, %dma_start3A_21, %dma_start3A_28, %dma_start3A_29] : memref<16x32x10x125xi32, #tpu.memory_space<hbm>> -> memref<1x1x10x125xi32, #tpu.memory_space<hbm>>
    %dma_start3A_31 = tpu.memref_squeeze %dma_start3A_30 : memref<1x1x10x125xi32, #tpu.memory_space<hbm>> -> memref<10x125xi32, #tpu.memory_space<hbm>>
    %dma_start3A_32 = tpu.memref_slice %arg11[%dma_start3A_23] : memref<2x!tpu.dma_semaphore, #tpu.memory_space<semaphore_mem>> -> memref<1x!tpu.dma_semaphore, #tpu.memory_space<semaphore_mem>>
    %dma_start3A_33 = tpu.memref_squeeze %dma_start3A_32 : memref<1x!tpu.dma_semaphore, #tpu.memory_space<semaphore_mem>> -> memref<!tpu.dma_semaphore, #tpu.memory_space<semaphore_mem>>
    %dma_start3A_34 = arith.constant 0 : i32
    %dma_start3A_35 = arith.constant 0 : i32
    %dma_start3A_36 = tpu.memref_slice %arg8[%dma_start3A_22, %dma_start3A_34, %dma_start3A_35] : memref<2x10x125xi32, #tpu.memory_space<vmem>> -> memref<1x10x125xi32, #tpu.memory_space<vmem>>
    %dma_start3A_37 = tpu.memref_squeeze %dma_start3A_36 : memref<1x10x125xi32, #tpu.memory_space<vmem>> -> memref<10x125xi32, #tpu.memory_space<vmem>>
    %dma_start3A_38 = arith.constant 0 : i32
    %dma_start3A_39 = arith.constant 0 : i32
    %dma_start3A_40 = tpu.memref_slice %arg4[%arg1, %dma_start3A_21, %dma_start3A_38, %dma_start3A_39] : memref<16x32x10x125xi32, #tpu.memory_space<hbm>> -> memref<1x1x10x125xi32, #tpu.memory_space<hbm>>
    %dma_start3A_41 = tpu.memref_squeeze %dma_start3A_40 : memref<1x1x10x125xi32, #tpu.memory_space<hbm>> -> memref<10x125xi32, #tpu.memory_space<hbm>>
    tpu.enqueue_dma source(%dma_start3A_41 : memref<10x125xi32, #tpu.memory_space<hbm>>) target(%dma_start3A_37 : memref<10x125xi32, #tpu.memory_space<vmem>>) target_semaphore(%dma_start3A_33 : memref<!tpu.dma_semaphore, #tpu.memory_space<semaphore_mem>>)
    %mul3A_42 = arith.constant 1250 : i32
    %mul3A_43 = arith.muli %arg1, %mul3A_42 : i32
    %dma_start3A_44 = arith.constant 0 : i32
    %dma_start3A_45 = tpu.memref_slice %arg10[%mul3A_43, %dma_start3A_44] : memref<20000x64xf32, #tpu.memory_space<vmem_shared>> -> memref<1250x64xf32, #tpu.memory_space<vmem_shared>>
    tpu.enqueue_dma source(%arg5 : memref<1250x64xf32, #tpu.memory_space<hbm>>) target(%dma_start3A_45 : memref<1250x64xf32, #tpu.memory_space<vmem_shared>>) target_semaphore(%arg14 : memref<!tpu.dma_semaphore, #tpu.memory_space<semaphore_mem>>)
    %dma_wait3A = arith.constant 0 : i32
    %dma_wait3A_46 = tpu.memref_slice %arg10[%mul3A_43, %dma_wait3A] : memref<20000x64xf32, #tpu.memory_space<vmem_shared>> -> memref<1250x64xf32, #tpu.memory_space<vmem_shared>>
    tpu.wait_dma2 semaphore(%arg14 : memref<!tpu.dma_semaphore, #tpu.memory_space<semaphore_mem>>) src(%arg5 : memref<1250x64xf32, #tpu.memory_space<hbm>>) dst(%dma_wait3A_46 : memref<1250x64xf32, #tpu.memory_space<vmem_shared>>)
    %barrier3A = arith.constant 0 : index
    tpu.barrier barrier_id(%barrier3A)
    %scan3A = arith.constant 0 : i32
    %scan3A_47 = arith.constant 0 : i32
    %scan3A_48 = arith.constant 16 : i32
    %scan3A_49 = arith.addi %scan3A_47, %scan3A_48 : i32
    %scan3A_50 = arith.constant 1 : i32
    scf.for %scan3A_59 = %scan3A_47 to %scan3A_49 step %scan3A_50  : i32 {
      %mul3A_60 = arith.constant 2 : i32
      %mul3A_61 = arith.muli %mul3A_60, %scan3A_59 : i32
      %dma_wait3A_62 = arith.constant 0 : i32
      %dma_wait3A_63 = arith.constant 0 : i32
      %dma_wait3A_64 = arith.constant 0 : i32
      %dma_wait3A_65 = arith.constant 0 : i32
      %dma_wait3A_66 = tpu.memref_slice %arg7[%dma_wait3A_62, %dma_wait3A_64, %dma_wait3A_65] : memref<2x10x125xi32, #tpu.memory_space<vmem>> -> memref<1x10x125xi32, #tpu.memory_space<vmem>>
      %dma_wait3A_67 = tpu.memref_squeeze %dma_wait3A_66 : memref<1x10x125xi32, #tpu.memory_space<vmem>> -> memref<10x125xi32, #tpu.memory_space<vmem>>
      %dma_wait3A_68 = arith.constant 0 : i32
      %dma_wait3A_69 = arith.constant 0 : i32
      %dma_wait3A_70 = tpu.memref_slice %arg3[%arg1, %mul3A_61, %dma_wait3A_68, %dma_wait3A_69] : memref<16x32x10x125xi32, #tpu.memory_space<hbm>> -> memref<1x1x10x125xi32, #tpu.memory_space<hbm>>
      %dma_wait3A_71 = tpu.memref_squeeze %dma_wait3A_70 : memref<1x1x10x125xi32, #tpu.memory_space<hbm>> -> memref<10x125xi32, #tpu.memory_space<hbm>>
      %dma_wait3A_72 = tpu.memref_slice %arg11[%dma_wait3A_63] : memref<2x!tpu.dma_semaphore, #tpu.memory_space<semaphore_mem>> -> memref<1x!tpu.dma_semaphore, #tpu.memory_space<semaphore_mem>>
      %dma_wait3A_73 = tpu.memref_squeeze %dma_wait3A_72 : memref<1x!tpu.dma_semaphore, #tpu.memory_space<semaphore_mem>> -> memref<!tpu.dma_semaphore, #tpu.memory_space<semaphore_mem>>
      %dma_wait3A_74 = arith.constant 0 : i32
      %dma_wait3A_75 = arith.constant 0 : i32
      %dma_wait3A_76 = tpu.memref_slice %arg7[%dma_wait3A_62, %dma_wait3A_74, %dma_wait3A_75] : memref<2x10x125xi32, #tpu.memory_space<vmem>> -> memref<1x10x125xi32, #tpu.memory_space<vmem>>
      %dma_wait3A_77 = tpu.memref_squeeze %dma_wait3A_76 : memref<1x10x125xi32, #tpu.memory_space<vmem>> -> memref<10x125xi32, #tpu.memory_space<vmem>>
      %dma_wait3A_78 = arith.constant 0 : i32
      %dma_wait3A_79 = arith.constant 0 : i32
      %dma_wait3A_80 = tpu.memref_slice %arg3[%arg1, %mul3A_61, %dma_wait3A_78, %dma_wait3A_79] : memref<16x32x10x125xi32, #tpu.memory_space<hbm>> -> memref<1x1x10x125xi32, #tpu.memory_space<hbm>>
      %dma_wait3A_81 = tpu.memref_squeeze %dma_wait3A_80 : memref<1x1x10x125xi32, #tpu.memory_space<hbm>> -> memref<10x125xi32, #tpu.memory_space<hbm>>
      tpu.wait_dma2 semaphore(%dma_wait3A_73 : memref<!tpu.dma_semaphore, #tpu.memory_space<semaphore_mem>>) src(%dma_wait3A_81 : memref<10x125xi32, #tpu.memory_space<hbm>>) dst(%dma_wait3A_77 : memref<10x125xi32, #tpu.memory_space<vmem>>)
      %dma_wait3A_82 = arith.constant 0 : i32
      %dma_wait3A_83 = arith.constant 0 : i32
      %dma_wait3A_84 = arith.constant 0 : i32
      %dma_wait3A_85 = arith.constant 0 : i32
      %dma_wait3A_86 = tpu.memref_slice %arg8[%dma_wait3A_82, %dma_wait3A_84, %dma_wait3A_85] : memref<2x10x125xi32, #tpu.memory_space<vmem>> -> memref<1x10x125xi32, #tpu.memory_space<vmem>>
      %dma_wait3A_87 = tpu.memref_squeeze %dma_wait3A_86 : memref<1x10x125xi32, #tpu.memory_space<vmem>> -> memref<10x125xi32, #tpu.memory_space<vmem>>
      %dma_wait3A_88 = arith.constant 0 : i32
      %dma_wait3A_89 = arith.constant 0 : i32
      %dma_wait3A_90 = tpu.memref_slice %arg4[%arg1, %mul3A_61, %dma_wait3A_88, %dma_wait3A_89] : memref<16x32x10x125xi32, #tpu.memory_space<hbm>> -> memref<1x1x10x125xi32, #tpu.memory_space<hbm>>
      %dma_wait3A_91 = tpu.memref_squeeze %dma_wait3A_90 : memref<1x1x10x125xi32, #tpu.memory_space<hbm>> -> memref<10x125xi32, #tpu.memory_space<hbm>>
      %dma_wait3A_92 = tpu.memref_slice %arg11[%dma_wait3A_83] : memref<2x!tpu.dma_semaphore, #tpu.memory_space<semaphore_mem>> -> memref<1x!tpu.dma_semaphore, #tpu.memory_space<semaphore_mem>>
      %dma_wait3A_93 = tpu.memref_squeeze %dma_wait3A_92 : memref<1x!tpu.dma_semaphore, #tpu.memory_space<semaphore_mem>> -> memref<!tpu.dma_semaphore, #tpu.memory_space<semaphore_mem>>
      %dma_wait3A_94 = arith.constant 0 : i32
      %dma_wait3A_95 = arith.constant 0 : i32
      %dma_wait3A_96 = tpu.memref_slice %arg8[%dma_wait3A_82, %dma_wait3A_94, %dma_wait3A_95] : memref<2x10x125xi32, #tpu.memory_space<vmem>> -> memref<1x10x125xi32, #tpu.memory_space<vmem>>
      %dma_wait3A_97 = tpu.memref_squeeze %dma_wait3A_96 : memref<1x10x125xi32, #tpu.memory_space<vmem>> -> memref<10x125xi32, #tpu.memory_space<vmem>>
      %dma_wait3A_98 = arith.constant 0 : i32
      %dma_wait3A_99 = arith.constant 0 : i32
      %dma_wait3A_100 = tpu.memref_slice %arg4[%arg1, %mul3A_61, %dma_wait3A_98, %dma_wait3A_99] : memref<16x32x10x125xi32, #tpu.memory_space<hbm>> -> memref<1x1x10x125xi32, #tpu.memory_space<hbm>>
      %dma_wait3A_101 = tpu.memref_squeeze %dma_wait3A_100 : memref<1x1x10x125xi32, #tpu.memory_space<hbm>> -> memref<10x125xi32, #tpu.memory_space<hbm>>
      tpu.wait_dma2 semaphore(%dma_wait3A_93 : memref<!tpu.dma_semaphore, #tpu.memory_space<semaphore_mem>>) src(%dma_wait3A_101 : memref<10x125xi32, #tpu.memory_space<hbm>>) dst(%dma_wait3A_97 : memref<10x125xi32, #tpu.memory_space<vmem>>)
      %add3A = arith.constant 1 : i32
      %add3A_102 = arith.addi %mul3A_61, %add3A : i32
      %lt3A = arith.constant 32 : i32
      %lt3A_103 = arith.cmpi slt, %add3A_102, %lt3A : i32
      %convert_element_type3A = arith.extui %lt3A_103 : i1 to i32
      %cond3A = arith.constant 0 : i32
      %cond3A_104 = arith.cmpi ne, %convert_element_type3A, %cond3A : i32
      scf.if %cond3A_104 {
        %add3A_328 = arith.constant 1 : i32
        %add3A_329 = arith.addi %mul3A_61, %add3A_328 : i32
        %dma_start3A_330 = arith.constant 1 : i32
        %dma_start3A_331 = arith.constant 1 : i32
        %dma_start3A_332 = arith.constant 0 : i32
        %dma_start3A_333 = arith.constant 0 : i32
        %dma_start3A_334 = tpu.memref_slice %arg7[%dma_start3A_330, %dma_start3A_332, %dma_start3A_333] : memref<2x10x125xi32, #tpu.memory_space<vmem>> -> memref<1x10x125xi32, #tpu.memory_space<vmem>>
        %dma_start3A_335 = tpu.memref_squeeze %dma_start3A_334 : memref<1x10x125xi32, #tpu.memory_space<vmem>> -> memref<10x125xi32, #tpu.memory_space<vmem>>
        %dma_start3A_336 = arith.constant 0 : i32
        %dma_start3A_337 = arith.constant 0 : i32
        %dma_start3A_338 = tpu.memref_slice %arg3[%arg1, %add3A_329, %dma_start3A_336, %dma_start3A_337] : memref<16x32x10x125xi32, #tpu.memory_space<hbm>> -> memref<1x1x10x125xi32, #tpu.memory_space<hbm>>
        %dma_start3A_339 = tpu.memref_squeeze %dma_start3A_338 : memref<1x1x10x125xi32, #tpu.memory_space<hbm>> -> memref<10x125xi32, #tpu.memory_space<hbm>>
        %dma_start3A_340 = tpu.memref_slice %arg11[%dma_start3A_331] : memref<2x!tpu.dma_semaphore, #tpu.memory_space<semaphore_mem>> -> memref<1x!tpu.dma_semaphore, #tpu.memory_space<semaphore_mem>>
        %dma_start3A_341 = tpu.memref_squeeze %dma_start3A_340 : memref<1x!tpu.dma_semaphore, #tpu.memory_space<semaphore_mem>> -> memref<!tpu.dma_semaphore, #tpu.memory_space<semaphore_mem>>
        %dma_start3A_342 = arith.constant 0 : i32
        %dma_start3A_343 = arith.constant 0 : i32
        %dma_start3A_344 = tpu.memref_slice %arg7[%dma_start3A_330, %dma_start3A_342, %dma_start3A_343] : memref<2x10x125xi32, #tpu.memory_space<vmem>> -> memref<1x10x125xi32, #tpu.memory_space<vmem>>
        %dma_start3A_345 = tpu.memref_squeeze %dma_start3A_344 : memref<1x10x125xi32, #tpu.memory_space<vmem>> -> memref<10x125xi32, #tpu.memory_space<vmem>>
        %dma_start3A_346 = arith.constant 0 : i32
        %dma_start3A_347 = arith.constant 0 : i32
        %dma_start3A_348 = tpu.memref_slice %arg3[%arg1, %add3A_329, %dma_start3A_346, %dma_start3A_347] : memref<16x32x10x125xi32, #tpu.memory_space<hbm>> -> memref<1x1x10x125xi32, #tpu.memory_space<hbm>>
        %dma_start3A_349 = tpu.memref_squeeze %dma_start3A_348 : memref<1x1x10x125xi32, #tpu.memory_space<hbm>> -> memref<10x125xi32, #tpu.memory_space<hbm>>
        tpu.enqueue_dma source(%dma_start3A_349 : memref<10x125xi32, #tpu.memory_space<hbm>>) target(%dma_start3A_345 : memref<10x125xi32, #tpu.memory_space<vmem>>) target_semaphore(%dma_start3A_341 : memref<!tpu.dma_semaphore, #tpu.memory_space<semaphore_mem>>)
        %dma_start3A_350 = arith.constant 1 : i32
        %dma_start3A_351 = arith.constant 1 : i32
        %dma_start3A_352 = arith.constant 0 : i32
        %dma_start3A_353 = arith.constant 0 : i32
        %dma_start3A_354 = tpu.memref_slice %arg8[%dma_start3A_350, %dma_start3A_352, %dma_start3A_353] : memref<2x10x125xi32, #tpu.memory_space<vmem>> -> memref<1x10x125xi32, #tpu.memory_space<vmem>>
        %dma_start3A_355 = tpu.memref_squeeze %dma_start3A_354 : memref<1x10x125xi32, #tpu.memory_space<vmem>> -> memref<10x125xi32, #tpu.memory_space<vmem>>
        %dma_start3A_356 = arith.constant 0 : i32
        %dma_start3A_357 = arith.constant 0 : i32
        %dma_start3A_358 = tpu.memref_slice %arg4[%arg1, %add3A_329, %dma_start3A_356, %dma_start3A_357] : memref<16x32x10x125xi32, #tpu.memory_space<hbm>> -> memref<1x1x10x125xi32, #tpu.memory_space<hbm>>
        %dma_start3A_359 = tpu.memref_squeeze %dma_start3A_358 : memref<1x1x10x125xi32, #tpu.memory_space<hbm>> -> memref<10x125xi32, #tpu.memory_space<hbm>>
        %dma_start3A_360 = tpu.memref_slice %arg11[%dma_start3A_351] : memref<2x!tpu.dma_semaphore, #tpu.memory_space<semaphore_mem>> -> memref<1x!tpu.dma_semaphore, #tpu.memory_space<semaphore_mem>>
        %dma_start3A_361 = tpu.memref_squeeze %dma_start3A_360 : memref<1x!tpu.dma_semaphore, #tpu.memory_space<semaphore_mem>> -> memref<!tpu.dma_semaphore, #tpu.memory_space<semaphore_mem>>
        %dma_start3A_362 = arith.constant 0 : i32
        %dma_start3A_363 = arith.constant 0 : i32
        %dma_start3A_364 = tpu.memref_slice %arg8[%dma_start3A_350, %dma_start3A_362, %dma_start3A_363] : memref<2x10x125xi32, #tpu.memory_space<vmem>> -> memref<1x10x125xi32, #tpu.memory_space<vmem>>
        %dma_start3A_365 = tpu.memref_squeeze %dma_start3A_364 : memref<1x10x125xi32, #tpu.memory_space<vmem>> -> memref<10x125xi32, #tpu.memory_space<vmem>>
        %dma_start3A_366 = arith.constant 0 : i32
        %dma_start3A_367 = arith.constant 0 : i32
        %dma_start3A_368 = tpu.memref_slice %arg4[%arg1, %add3A_329, %dma_start3A_366, %dma_start3A_367] : memref<16x32x10x125xi32, #tpu.memory_space<hbm>> -> memref<1x1x10x125xi32, #tpu.memory_space<hbm>>
        %dma_start3A_369 = tpu.memref_squeeze %dma_start3A_368 : memref<1x1x10x125xi32, #tpu.memory_space<hbm>> -> memref<10x125xi32, #tpu.memory_space<hbm>>
        tpu.enqueue_dma source(%dma_start3A_369 : memref<10x125xi32, #tpu.memory_space<hbm>>) target(%dma_start3A_365 : memref<10x125xi32, #tpu.memory_space<vmem>>) target_semaphore(%dma_start3A_361 : memref<!tpu.dma_semaphore, #tpu.memory_space<semaphore_mem>>)
      } else {
      }
      %scan3A_105 = arith.constant 0 : i32
      %scan3A_106 = arith.constant 0 : i32
      %scan3A_107 = arith.constant 2 : i32
      %scan3A_108 = arith.addi %scan3A_106, %scan3A_107 : i32
      %scan3A_109 = arith.constant 1 : i32
      scf.for %scan3A_328 = %scan3A_106 to %scan3A_108 step %scan3A_109  : i32 {
        %gt3A = arith.constant 0 : i32
        %gt3A_329 = arith.cmpi sgt, %scan3A_328, %gt3A : i32
        %convert_element_type3A_330 = arith.extui %gt3A_329 : i1 to i32
        %cond3A_331 = arith.constant 0 : i32
        %cond3A_332 = arith.cmpi ne, %convert_element_type3A_330, %cond3A_331 : i32
        scf.if %cond3A_332 {
          %sub3A = arith.constant 1 : i32
          %sub3A_658 = arith.subi %scan3A_328, %sub3A : i32
          %mul3A_659 = arith.constant 5 : i32
          %mul3A_660 = arith.muli %sub3A_658, %mul3A_659 : i32
          %add3A_661 = arith.constant 0 : i32
          %add3A_662 = arith.addi %mul3A_660, %add3A_661 : i32
          %dma_wait3A_663 = arith.constant 0 : i32
          %dma_wait3A_664 = arith.constant 0 : i32
          %dma_wait3A_665 = arith.constant 0 : i32
          %dma_wait3A_666 = arith.constant 0 : i32
          %dma_wait3A_667 = arith.constant 0 : i32
          %dma_wait3A_668 = tpu.memref_slice %arg9[%dma_wait3A_663, %dma_wait3A_666, %dma_wait3A_667] : memref<5x125x64xf32, #tpu.memory_space<vmem>> -> memref<1x125x64xf32, #tpu.memory_space<vmem>>
          %dma_wait3A_669 = tpu.memref_squeeze %dma_wait3A_668 : memref<1x125x64xf32, #tpu.memory_space<vmem>> -> memref<125x64xf32, #tpu.memory_space<vmem>>
          %dma_wait3A_670 = arith.constant 0 : i32
          %dma_wait3A_671 = tpu.memref_slice %arg8[%dma_wait3A_664, %add3A_662, %dma_wait3A_670] : memref<2x10x125xi32, #tpu.memory_space<vmem>> -> memref<1x1x125xi32, #tpu.memory_space<vmem>>
          %dma_wait3A_672 = tpu.memref_squeeze %dma_wait3A_671 : memref<1x1x125xi32, #tpu.memory_space<vmem>> -> memref<125xi32, #tpu.memory_space<vmem>>
          %dma_wait3A_673 = arith.constant 0 : i32
          %dma_wait3A_674 = arith.constant 0 : i32
          %dma_wait3A_675 = tpu.memref_slice %arg10[%dma_wait3A_673, %dma_wait3A_674] : memref<20000x64xf32, #tpu.memory_space<vmem_shared>> -> memref<20000x64xf32, #tpu.memory_space<vmem_shared>>
          %dma_wait3A_676 = tpu.memref_slice %arg13[%dma_wait3A_665] : memref<5x!tpu.dma_semaphore, #tpu.memory_space<semaphore_mem>> -> memref<1x!tpu.dma_semaphore, #tpu.memory_space<semaphore_mem>>
          %dma_wait3A_677 = tpu.memref_squeeze %dma_wait3A_676 : memref<1x!tpu.dma_semaphore, #tpu.memory_space<semaphore_mem>> -> memref<!tpu.dma_semaphore, #tpu.memory_space<semaphore_mem>>
          tpu.wait_indirect_dma semaphore(%dma_wait3A_677 : memref<!tpu.dma_semaphore, #tpu.memory_space<semaphore_mem>>) src(%dma_wait3A_669 : memref<125x64xf32, #tpu.memory_space<vmem>>) dst(%dma_wait3A_675 : memref<20000x64xf32, #tpu.memory_space<vmem_shared>>)
        } else {
        }
        %mul3A_333 = arith.constant 5 : i32
        %mul3A_334 = arith.muli %scan3A_328, %mul3A_333 : i32
        %add3A_335 = arith.constant 0 : i32
        %add3A_336 = arith.addi %mul3A_334, %add3A_335 : i32
        %dma_start3A_337 = arith.constant 0 : i32
        %dma_start3A_338 = arith.constant 0 : i32
        %dma_start3A_339 = arith.constant 0 : i32
        %dma_start3A_340 = arith.constant 0 : i32
        %dma_start3A_341 = arith.constant 0 : i32
        %dma_start3A_342 = tpu.memref_slice %arg9[%dma_start3A_338, %dma_start3A_340, %dma_start3A_341] : memref<5x125x64xf32, #tpu.memory_space<vmem>> -> memref<1x125x64xf32, #tpu.memory_space<vmem>>
        %dma_start3A_343 = tpu.memref_squeeze %dma_start3A_342 : memref<1x125x64xf32, #tpu.memory_space<vmem>> -> memref<125x64xf32, #tpu.memory_space<vmem>>
        %dma_start3A_344 = arith.constant 0 : i32
        %dma_start3A_345 = tpu.memref_slice %arg7[%dma_start3A_337, %add3A_336, %dma_start3A_344] : memref<2x10x125xi32, #tpu.memory_space<vmem>> -> memref<1x1x125xi32, #tpu.memory_space<vmem>>
        %dma_start3A_346 = tpu.memref_squeeze %dma_start3A_345 : memref<1x1x125xi32, #tpu.memory_space<vmem>> -> memref<125xi32, #tpu.memory_space<vmem>>
        %dma_start3A_347 = arith.constant 0 : i32
        %dma_start3A_348 = arith.constant 0 : i32
        %dma_start3A_349 = tpu.memref_slice %arg2[%arg0, %dma_start3A_347, %dma_start3A_348] : memref<2x20000x64xf32, #tpu.memory_space<hbm>> -> memref<1x20000x64xf32, #tpu.memory_space<hbm>>
        %dma_start3A_350 = tpu.memref_squeeze %dma_start3A_349 : memref<1x20000x64xf32, #tpu.memory_space<hbm>> -> memref<20000x64xf32, #tpu.memory_space<hbm>>
        %dma_start3A_351 = arith.constant 0 : i32
        %dma_start3A_352 = arith.constant 0 : i32
        %dma_start3A_353 = tpu.memref_slice %dma_start3A_350[%dma_start3A_351, %dma_start3A_352] : memref<20000x64xf32, #tpu.memory_space<hbm>> -> memref<20000x64xf32, #tpu.memory_space<hbm>>
        %dma_start3A_354 = tpu.memref_slice %arg12[%dma_start3A_339] : memref<5x!tpu.dma_semaphore, #tpu.memory_space<semaphore_mem>> -> memref<1x!tpu.dma_semaphore, #tpu.memory_space<semaphore_mem>>
        %dma_start3A_355 = tpu.memref_squeeze %dma_start3A_354 : memref<1x!tpu.dma_semaphore, #tpu.memory_space<semaphore_mem>> -> memref<!tpu.dma_semaphore, #tpu.memory_space<semaphore_mem>>
        tpu.enqueue_indirect_dma source(%dma_start3A_353 : memref<20000x64xf32, #tpu.memory_space<hbm>>) target(%dma_start3A_343 : memref<125x64xf32, #tpu.memory_space<vmem>>) offsets(%dma_start3A_346 : memref<125xi32, #tpu.memory_space<vmem>>) semaphore(%dma_start3A_355 : memref<!tpu.dma_semaphore, #tpu.memory_space<semaphore_mem>>)
        %gt3A_356 = arith.constant 0 : i32
        %gt3A_357 = arith.cmpi sgt, %scan3A_328, %gt3A_356 : i32
        %convert_element_type3A_358 = arith.extui %gt3A_357 : i1 to i32
        %cond3A_359 = arith.constant 0 : i32
        %cond3A_360 = arith.cmpi ne, %convert_element_type3A_358, %cond3A_359 : i32
        scf.if %cond3A_360 {
          %sub3A = arith.constant 1 : i32
          %sub3A_658 = arith.subi %scan3A_328, %sub3A : i32
          %mul3A_659 = arith.constant 5 : i32
          %mul3A_660 = arith.muli %sub3A_658, %mul3A_659 : i32
          %add3A_661 = arith.constant 1 : i32
          %add3A_662 = arith.addi %mul3A_660, %add3A_661 : i32
          %dma_wait3A_663 = arith.constant 1 : i32
          %dma_wait3A_664 = arith.constant 0 : i32
          %dma_wait3A_665 = arith.constant 1 : i32
          %dma_wait3A_666 = arith.constant 0 : i32
          %dma_wait3A_667 = arith.constant 0 : i32
          %dma_wait3A_668 = tpu.memref_slice %arg9[%dma_wait3A_663, %dma_wait3A_666, %dma_wait3A_667] : memref<5x125x64xf32, #tpu.memory_space<vmem>> -> memref<1x125x64xf32, #tpu.memory_space<vmem>>
          %dma_wait3A_669 = tpu.memref_squeeze %dma_wait3A_668 : memref<1x125x64xf32, #tpu.memory_space<vmem>> -> memref<125x64xf32, #tpu.memory_space<vmem>>
          %dma_wait3A_670 = arith.constant 0 : i32
          %dma_wait3A_671 = tpu.memref_slice %arg8[%dma_wait3A_664, %add3A_662, %dma_wait3A_670] : memref<2x10x125xi32, #tpu.memory_space<vmem>> -> memref<1x1x125xi32, #tpu.memory_space<vmem>>
          %dma_wait3A_672 = tpu.memref_squeeze %dma_wait3A_671 : memref<1x1x125xi32, #tpu.memory_space<vmem>> -> memref<125xi32, #tpu.memory_space<vmem>>
          %dma_wait3A_673 = arith.constant 0 : i32
          %dma_wait3A_674 = arith.constant 0 : i32
          %dma_wait3A_675 = tpu.memref_slice %arg10[%dma_wait3A_673, %dma_wait3A_674] : memref<20000x64xf32, #tpu.memory_space<vmem_shared>> -> memref<20000x64xf32, #tpu.memory_space<vmem_shared>>
          %dma_wait3A_676 = tpu.memref_slice %arg13[%dma_wait3A_665] : memref<5x!tpu.dma_semaphore, #tpu.memory_space<semaphore_mem>> -> memref<1x!tpu.dma_semaphore, #tpu.memory_space<semaphore_mem>>
          %dma_wait3A_677 = tpu.memref_squeeze %dma_wait3A_676 : memref<1x!tpu.dma_semaphore, #tpu.memory_space<semaphore_mem>> -> memref<!tpu.dma_semaphore, #tpu.memory_space<semaphore_mem>>
          tpu.wait_indirect_dma semaphore(%dma_wait3A_677 : memref<!tpu.dma_semaphore, #tpu.memory_space<semaphore_mem>>) src(%dma_wait3A_669 : memref<125x64xf32, #tpu.memory_space<vmem>>) dst(%dma_wait3A_675 : memref<20000x64xf32, #tpu.memory_space<vmem_shared>>)
        } else {
        }
        %mul3A_361 = arith.constant 5 : i32
        %mul3A_362 = arith.muli %scan3A_328, %mul3A_361 : i32
        %add3A_363 = arith.constant 1 : i32
        %add3A_364 = arith.addi %mul3A_362, %add3A_363 : i32
        %dma_start3A_365 = arith.constant 0 : i32
        %dma_start3A_366 = arith.constant 1 : i32
        %dma_start3A_367 = arith.constant 1 : i32
        %dma_start3A_368 = arith.constant 0 : i32
        %dma_start3A_369 = arith.constant 0 : i32
        %dma_start3A_370 = tpu.memref_slice %arg9[%dma_start3A_366, %dma_start3A_368, %dma_start3A_369] : memref<5x125x64xf32, #tpu.memory_space<vmem>> -> memref<1x125x64xf32, #tpu.memory_space<vmem>>
        %dma_start3A_371 = tpu.memref_squeeze %dma_start3A_370 : memref<1x125x64xf32, #tpu.memory_space<vmem>> -> memref<125x64xf32, #tpu.memory_space<vmem>>
        %dma_start3A_372 = arith.constant 0 : i32
        %dma_start3A_373 = tpu.memref_slice %arg7[%dma_start3A_365, %add3A_364, %dma_start3A_372] : memref<2x10x125xi32, #tpu.memory_space<vmem>> -> memref<1x1x125xi32, #tpu.memory_space<vmem>>
        %dma_start3A_374 = tpu.memref_squeeze %dma_start3A_373 : memref<1x1x125xi32, #tpu.memory_space<vmem>> -> memref<125xi32, #tpu.memory_space<vmem>>
        %dma_start3A_375 = arith.constant 0 : i32
        %dma_start3A_376 = arith.constant 0 : i32
        %dma_start3A_377 = tpu.memref_slice %arg2[%arg0, %dma_start3A_375, %dma_start3A_376] : memref<2x20000x64xf32, #tpu.memory_space<hbm>> -> memref<1x20000x64xf32, #tpu.memory_space<hbm>>
        %dma_start3A_378 = tpu.memref_squeeze %dma_start3A_377 : memref<1x20000x64xf32, #tpu.memory_space<hbm>> -> memref<20000x64xf32, #tpu.memory_space<hbm>>
        %dma_start3A_379 = arith.constant 0 : i32
        %dma_start3A_380 = arith.constant 0 : i32
        %dma_start3A_381 = tpu.memref_slice %dma_start3A_378[%dma_start3A_379, %dma_start3A_380] : memref<20000x64xf32, #tpu.memory_space<hbm>> -> memref<20000x64xf32, #tpu.memory_space<hbm>>
        %dma_start3A_382 = tpu.memref_slice %arg12[%dma_start3A_367] : memref<5x!tpu.dma_semaphore, #tpu.memory_space<semaphore_mem>> -> memref<1x!tpu.dma_semaphore, #tpu.memory_space<semaphore_mem>>
        %dma_start3A_383 = tpu.memref_squeeze %dma_start3A_382 : memref<1x!tpu.dma_semaphore, #tpu.memory_space<semaphore_mem>> -> memref<!tpu.dma_semaphore, #tpu.memory_space<semaphore_mem>>
        tpu.enqueue_indirect_dma source(%dma_start3A_381 : memref<20000x64xf32, #tpu.memory_space<hbm>>) target(%dma_start3A_371 : memref<125x64xf32, #tpu.memory_space<vmem>>) offsets(%dma_start3A_374 : memref<125xi32, #tpu.memory_space<vmem>>) semaphore(%dma_start3A_383 : memref<!tpu.dma_semaphore, #tpu.memory_space<semaphore_mem>>)
        %gt3A_384 = arith.constant 0 : i32
        %gt3A_385 = arith.cmpi sgt, %scan3A_328, %gt3A_384 : i32
        %convert_element_type3A_386 = arith.extui %gt3A_385 : i1 to i32
        %cond3A_387 = arith.constant 0 : i32
        %cond3A_388 = arith.cmpi ne, %convert_element_type3A_386, %cond3A_387 : i32
        scf.if %cond3A_388 {
          %sub3A = arith.constant 1 : i32
          %sub3A_658 = arith.subi %scan3A_328, %sub3A : i32
          %mul3A_659 = arith.constant 5 : i32
          %mul3A_660 = arith.muli %sub3A_658, %mul3A_659 : i32
          %add3A_661 = arith.constant 2 : i32
          %add3A_662 = arith.addi %mul3A_660, %add3A_661 : i32
          %dma_wait3A_663 = arith.constant 2 : i32
          %dma_wait3A_664 = arith.constant 0 : i32
          %dma_wait3A_665 = arith.constant 2 : i32
          %dma_wait3A_666 = arith.constant 0 : i32
          %dma_wait3A_667 = arith.constant 0 : i32
          %dma_wait3A_668 = tpu.memref_slice %arg9[%dma_wait3A_663, %dma_wait3A_666, %dma_wait3A_667] : memref<5x125x64xf32, #tpu.memory_space<vmem>> -> memref<1x125x64xf32, #tpu.memory_space<vmem>>
          %dma_wait3A_669 = tpu.memref_squeeze %dma_wait3A_668 : memref<1x125x64xf32, #tpu.memory_space<vmem>> -> memref<125x64xf32, #tpu.memory_space<vmem>>
          %dma_wait3A_670 = arith.constant 0 : i32
          %dma_wait3A_671 = tpu.memref_slice %arg8[%dma_wait3A_664, %add3A_662, %dma_wait3A_670] : memref<2x10x125xi32, #tpu.memory_space<vmem>> -> memref<1x1x125xi32, #tpu.memory_space<vmem>>
          %dma_wait3A_672 = tpu.memref_squeeze %dma_wait3A_671 : memref<1x1x125xi32, #tpu.memory_space<vmem>> -> memref<125xi32, #tpu.memory_space<vmem>>
          %dma_wait3A_673 = arith.constant 0 : i32
          %dma_wait3A_674 = arith.constant 0 : i32
          %dma_wait3A_675 = tpu.memref_slice %arg10[%dma_wait3A_673, %dma_wait3A_674] : memref<20000x64xf32, #tpu.memory_space<vmem_shared>> -> memref<20000x64xf32, #tpu.memory_space<vmem_shared>>
          %dma_wait3A_676 = tpu.memref_slice %arg13[%dma_wait3A_665] : memref<5x!tpu.dma_semaphore, #tpu.memory_space<semaphore_mem>> -> memref<1x!tpu.dma_semaphore, #tpu.memory_space<semaphore_mem>>
          %dma_wait3A_677 = tpu.memref_squeeze %dma_wait3A_676 : memref<1x!tpu.dma_semaphore, #tpu.memory_space<semaphore_mem>> -> memref<!tpu.dma_semaphore, #tpu.memory_space<semaphore_mem>>
          tpu.wait_indirect_dma semaphore(%dma_wait3A_677 : memref<!tpu.dma_semaphore, #tpu.memory_space<semaphore_mem>>) src(%dma_wait3A_669 : memref<125x64xf32, #tpu.memory_space<vmem>>) dst(%dma_wait3A_675 : memref<20000x64xf32, #tpu.memory_space<vmem_shared>>)
        } else {
        }
        %mul3A_389 = arith.constant 5 : i32
        %mul3A_390 = arith.muli %scan3A_328, %mul3A_389 : i32
        %add3A_391 = arith.constant 2 : i32
        %add3A_392 = arith.addi %mul3A_390, %add3A_391 : i32
        %dma_start3A_393 = arith.constant 0 : i32
        %dma_start3A_394 = arith.constant 2 : i32
        %dma_start3A_395 = arith.constant 2 : i32
        %dma_start3A_396 = arith.constant 0 : i32
        %dma_start3A_397 = arith.constant 0 : i32
        %dma_start3A_398 = tpu.memref_slice %arg9[%dma_start3A_394, %dma_start3A_396, %dma_start3A_397] : memref<5x125x64xf32, #tpu.memory_space<vmem>> -> memref<1x125x64xf32, #tpu.memory_space<vmem>>
        %dma_start3A_399 = tpu.memref_squeeze %dma_start3A_398 : memref<1x125x64xf32, #tpu.memory_space<vmem>> -> memref<125x64xf32, #tpu.memory_space<vmem>>
        %dma_start3A_400 = arith.constant 0 : i32
        %dma_start3A_401 = tpu.memref_slice %arg7[%dma_start3A_393, %add3A_392, %dma_start3A_400] : memref<2x10x125xi32, #tpu.memory_space<vmem>> -> memref<1x1x125xi32, #tpu.memory_space<vmem>>
        %dma_start3A_402 = tpu.memref_squeeze %dma_start3A_401 : memref<1x1x125xi32, #tpu.memory_space<vmem>> -> memref<125xi32, #tpu.memory_space<vmem>>
        %dma_start3A_403 = arith.constant 0 : i32
        %dma_start3A_404 = arith.constant 0 : i32
        %dma_start3A_405 = tpu.memref_slice %arg2[%arg0, %dma_start3A_403, %dma_start3A_404] : memref<2x20000x64xf32, #tpu.memory_space<hbm>> -> memref<1x20000x64xf32, #tpu.memory_space<hbm>>
        %dma_start3A_406 = tpu.memref_squeeze %dma_start3A_405 : memref<1x20000x64xf32, #tpu.memory_space<hbm>> -> memref<20000x64xf32, #tpu.memory_space<hbm>>
        %dma_start3A_407 = arith.constant 0 : i32
        %dma_start3A_408 = arith.constant 0 : i32
        %dma_start3A_409 = tpu.memref_slice %dma_start3A_406[%dma_start3A_407, %dma_start3A_408] : memref<20000x64xf32, #tpu.memory_space<hbm>> -> memref<20000x64xf32, #tpu.memory_space<hbm>>
        %dma_start3A_410 = tpu.memref_slice %arg12[%dma_start3A_395] : memref<5x!tpu.dma_semaphore, #tpu.memory_space<semaphore_mem>> -> memref<1x!tpu.dma_semaphore, #tpu.memory_space<semaphore_mem>>
        %dma_start3A_411 = tpu.memref_squeeze %dma_start3A_410 : memref<1x!tpu.dma_semaphore, #tpu.memory_space<semaphore_mem>> -> memref<!tpu.dma_semaphore, #tpu.memory_space<semaphore_mem>>
        tpu.enqueue_indirect_dma source(%dma_start3A_409 : memref<20000x64xf32, #tpu.memory_space<hbm>>) target(%dma_start3A_399 : memref<125x64xf32, #tpu.memory_space<vmem>>) offsets(%dma_start3A_402 : memref<125xi32, #tpu.memory_space<vmem>>) semaphore(%dma_start3A_411 : memref<!tpu.dma_semaphore, #tpu.memory_space<semaphore_mem>>)
        %gt3A_412 = arith.constant 0 : i32
        %gt3A_413 = arith.cmpi sgt, %scan3A_328, %gt3A_412 : i32
        %convert_element_type3A_414 = arith.extui %gt3A_413 : i1 to i32
        %cond3A_415 = arith.constant 0 : i32
        %cond3A_416 = arith.cmpi ne, %convert_element_type3A_414, %cond3A_415 : i32
        scf.if %cond3A_416 {
          %sub3A = arith.constant 1 : i32
          %sub3A_658 = arith.subi %scan3A_328, %sub3A : i32
          %mul3A_659 = arith.constant 5 : i32
          %mul3A_660 = arith.muli %sub3A_658, %mul3A_659 : i32
          %add3A_661 = arith.constant 3 : i32
          %add3A_662 = arith.addi %mul3A_660, %add3A_661 : i32
          %dma_wait3A_663 = arith.constant 3 : i32
          %dma_wait3A_664 = arith.constant 0 : i32
          %dma_wait3A_665 = arith.constant 3 : i32
          %dma_wait3A_666 = arith.constant 0 : i32
          %dma_wait3A_667 = arith.constant 0 : i32
          %dma_wait3A_668 = tpu.memref_slice %arg9[%dma_wait3A_663, %dma_wait3A_666, %dma_wait3A_667] : memref<5x125x64xf32, #tpu.memory_space<vmem>> -> memref<1x125x64xf32, #tpu.memory_space<vmem>>
          %dma_wait3A_669 = tpu.memref_squeeze %dma_wait3A_668 : memref<1x125x64xf32, #tpu.memory_space<vmem>> -> memref<125x64xf32, #tpu.memory_space<vmem>>
          %dma_wait3A_670 = arith.constant 0 : i32
          %dma_wait3A_671 = tpu.memref_slice %arg8[%dma_wait3A_664, %add3A_662, %dma_wait3A_670] : memref<2x10x125xi32, #tpu.memory_space<vmem>> -> memref<1x1x125xi32, #tpu.memory_space<vmem>>
          %dma_wait3A_672 = tpu.memref_squeeze %dma_wait3A_671 : memref<1x1x125xi32, #tpu.memory_space<vmem>> -> memref<125xi32, #tpu.memory_space<vmem>>
          %dma_wait3A_673 = arith.constant 0 : i32
          %dma_wait3A_674 = arith.constant 0 : i32
          %dma_wait3A_675 = tpu.memref_slice %arg10[%dma_wait3A_673, %dma_wait3A_674] : memref<20000x64xf32, #tpu.memory_space<vmem_shared>> -> memref<20000x64xf32, #tpu.memory_space<vmem_shared>>
          %dma_wait3A_676 = tpu.memref_slice %arg13[%dma_wait3A_665] : memref<5x!tpu.dma_semaphore, #tpu.memory_space<semaphore_mem>> -> memref<1x!tpu.dma_semaphore, #tpu.memory_space<semaphore_mem>>
          %dma_wait3A_677 = tpu.memref_squeeze %dma_wait3A_676 : memref<1x!tpu.dma_semaphore, #tpu.memory_space<semaphore_mem>> -> memref<!tpu.dma_semaphore, #tpu.memory_space<semaphore_mem>>
          tpu.wait_indirect_dma semaphore(%dma_wait3A_677 : memref<!tpu.dma_semaphore, #tpu.memory_space<semaphore_mem>>) src(%dma_wait3A_669 : memref<125x64xf32, #tpu.memory_space<vmem>>) dst(%dma_wait3A_675 : memref<20000x64xf32, #tpu.memory_space<vmem_shared>>)
        } else {
        }
        %mul3A_417 = arith.constant 5 : i32
        %mul3A_418 = arith.muli %scan3A_328, %mul3A_417 : i32
        %add3A_419 = arith.constant 3 : i32
        %add3A_420 = arith.addi %mul3A_418, %add3A_419 : i32
        %dma_start3A_421 = arith.constant 0 : i32
        %dma_start3A_422 = arith.constant 3 : i32
        %dma_start3A_423 = arith.constant 3 : i32
        %dma_start3A_424 = arith.constant 0 : i32
        %dma_start3A_425 = arith.constant 0 : i32
        %dma_start3A_426 = tpu.memref_slice %arg9[%dma_start3A_422, %dma_start3A_424, %dma_start3A_425] : memref<5x125x64xf32, #tpu.memory_space<vmem>> -> memref<1x125x64xf32, #tpu.memory_space<vmem>>
        %dma_start3A_427 = tpu.memref_squeeze %dma_start3A_426 : memref<1x125x64xf32, #tpu.memory_space<vmem>> -> memref<125x64xf32, #tpu.memory_space<vmem>>
        %dma_start3A_428 = arith.constant 0 : i32
        %dma_start3A_429 = tpu.memref_slice %arg7[%dma_start3A_421, %add3A_420, %dma_start3A_428] : memref<2x10x125xi32, #tpu.memory_space<vmem>> -> memref<1x1x125xi32, #tpu.memory_space<vmem>>
        %dma_start3A_430 = tpu.memref_squeeze %dma_start3A_429 : memref<1x1x125xi32, #tpu.memory_space<vmem>> -> memref<125xi32, #tpu.memory_space<vmem>>
        %dma_start3A_431 = arith.constant 0 : i32
        %dma_start3A_432 = arith.constant 0 : i32
        %dma_start3A_433 = tpu.memref_slice %arg2[%arg0, %dma_start3A_431, %dma_start3A_432] : memref<2x20000x64xf32, #tpu.memory_space<hbm>> -> memref<1x20000x64xf32, #tpu.memory_space<hbm>>
        %dma_start3A_434 = tpu.memref_squeeze %dma_start3A_433 : memref<1x20000x64xf32, #tpu.memory_space<hbm>> -> memref<20000x64xf32, #tpu.memory_space<hbm>>
        %dma_start3A_435 = arith.constant 0 : i32
        %dma_start3A_436 = arith.constant 0 : i32
        %dma_start3A_437 = tpu.memref_slice %dma_start3A_434[%dma_start3A_435, %dma_start3A_436] : memref<20000x64xf32, #tpu.memory_space<hbm>> -> memref<20000x64xf32, #tpu.memory_space<hbm>>
        %dma_start3A_438 = tpu.memref_slice %arg12[%dma_start3A_423] : memref<5x!tpu.dma_semaphore, #tpu.memory_space<semaphore_mem>> -> memref<1x!tpu.dma_semaphore, #tpu.memory_space<semaphore_mem>>
        %dma_start3A_439 = tpu.memref_squeeze %dma_start3A_438 : memref<1x!tpu.dma_semaphore, #tpu.memory_space<semaphore_mem>> -> memref<!tpu.dma_semaphore, #tpu.memory_space<semaphore_mem>>
        tpu.enqueue_indirect_dma source(%dma_start3A_437 : memref<20000x64xf32, #tpu.memory_space<hbm>>) target(%dma_start3A_427 : memref<125x64xf32, #tpu.memory_space<vmem>>) offsets(%dma_start3A_430 : memref<125xi32, #tpu.memory_space<vmem>>) semaphore(%dma_start3A_439 : memref<!tpu.dma_semaphore, #tpu.memory_space<semaphore_mem>>)
        %gt3A_440 = arith.constant 0 : i32
        %gt3A_441 = arith.cmpi sgt, %scan3A_328, %gt3A_440 : i32
        %convert_element_type3A_442 = arith.extui %gt3A_441 : i1 to i32
        %cond3A_443 = arith.constant 0 : i32
        %cond3A_444 = arith.cmpi ne, %convert_element_type3A_442, %cond3A_443 : i32
        scf.if %cond3A_444 {
          %sub3A = arith.constant 1 : i32
          %sub3A_658 = arith.subi %scan3A_328, %sub3A : i32
          %mul3A_659 = arith.constant 5 : i32
          %mul3A_660 = arith.muli %sub3A_658, %mul3A_659 : i32
          %add3A_661 = arith.constant 4 : i32
          %add3A_662 = arith.addi %mul3A_660, %add3A_661 : i32
          %dma_wait3A_663 = arith.constant 4 : i32
          %dma_wait3A_664 = arith.constant 0 : i32
          %dma_wait3A_665 = arith.constant 4 : i32
          %dma_wait3A_666 = arith.constant 0 : i32
          %dma_wait3A_667 = arith.constant 0 : i32
          %dma_wait3A_668 = tpu.memref_slice %arg9[%dma_wait3A_663, %dma_wait3A_666, %dma_wait3A_667] : memref<5x125x64xf32, #tpu.memory_space<vmem>> -> memref<1x125x64xf32, #tpu.memory_space<vmem>>
          %dma_wait3A_669 = tpu.memref_squeeze %dma_wait3A_668 : memref<1x125x64xf32, #tpu.memory_space<vmem>> -> memref<125x64xf32, #tpu.memory_space<vmem>>
          %dma_wait3A_670 = arith.constant 0 : i32
          %dma_wait3A_671 = tpu.memref_slice %arg8[%dma_wait3A_664, %add3A_662, %dma_wait3A_670] : memref<2x10x125xi32, #tpu.memory_space<vmem>> -> memref<1x1x125xi32, #tpu.memory_space<vmem>>
          %dma_wait3A_672 = tpu.memref_squeeze %dma_wait3A_671 : memref<1x1x125xi32, #tpu.memory_space<vmem>> -> memref<125xi32, #tpu.memory_space<vmem>>
          %dma_wait3A_673 = arith.constant 0 : i32
          %dma_wait3A_674 = arith.constant 0 : i32
          %dma_wait3A_675 = tpu.memref_slice %arg10[%dma_wait3A_673, %dma_wait3A_674] : memref<20000x64xf32, #tpu.memory_space<vmem_shared>> -> memref<20000x64xf32, #tpu.memory_space<vmem_shared>>
          %dma_wait3A_676 = tpu.memref_slice %arg13[%dma_wait3A_665] : memref<5x!tpu.dma_semaphore, #tpu.memory_space<semaphore_mem>> -> memref<1x!tpu.dma_semaphore, #tpu.memory_space<semaphore_mem>>
          %dma_wait3A_677 = tpu.memref_squeeze %dma_wait3A_676 : memref<1x!tpu.dma_semaphore, #tpu.memory_space<semaphore_mem>> -> memref<!tpu.dma_semaphore, #tpu.memory_space<semaphore_mem>>
          tpu.wait_indirect_dma semaphore(%dma_wait3A_677 : memref<!tpu.dma_semaphore, #tpu.memory_space<semaphore_mem>>) src(%dma_wait3A_669 : memref<125x64xf32, #tpu.memory_space<vmem>>) dst(%dma_wait3A_675 : memref<20000x64xf32, #tpu.memory_space<vmem_shared>>)
        } else {
        }
        %mul3A_445 = arith.constant 5 : i32
        %mul3A_446 = arith.muli %scan3A_328, %mul3A_445 : i32
        %add3A_447 = arith.constant 4 : i32
        %add3A_448 = arith.addi %mul3A_446, %add3A_447 : i32
        %dma_start3A_449 = arith.constant 0 : i32
        %dma_start3A_450 = arith.constant 4 : i32
        %dma_start3A_451 = arith.constant 4 : i32
        %dma_start3A_452 = arith.constant 0 : i32
        %dma_start3A_453 = arith.constant 0 : i32
        %dma_start3A_454 = tpu.memref_slice %arg9[%dma_start3A_450, %dma_start3A_452, %dma_start3A_453] : memref<5x125x64xf32, #tpu.memory_space<vmem>> -> memref<1x125x64xf32, #tpu.memory_space<vmem>>
        %dma_start3A_455 = tpu.memref_squeeze %dma_start3A_454 : memref<1x125x64xf32, #tpu.memory_space<vmem>> -> memref<125x64xf32, #tpu.memory_space<vmem>>
        %dma_start3A_456 = arith.constant 0 : i32
        %dma_start3A_457 = tpu.memref_slice %arg7[%dma_start3A_449, %add3A_448, %dma_start3A_456] : memref<2x10x125xi32, #tpu.memory_space<vmem>> -> memref<1x1x125xi32, #tpu.memory_space<vmem>>
        %dma_start3A_458 = tpu.memref_squeeze %dma_start3A_457 : memref<1x1x125xi32, #tpu.memory_space<vmem>> -> memref<125xi32, #tpu.memory_space<vmem>>
        %dma_start3A_459 = arith.constant 0 : i32
        %dma_start3A_460 = arith.constant 0 : i32
        %dma_start3A_461 = tpu.memref_slice %arg2[%arg0, %dma_start3A_459, %dma_start3A_460] : memref<2x20000x64xf32, #tpu.memory_space<hbm>> -> memref<1x20000x64xf32, #tpu.memory_space<hbm>>
        %dma_start3A_462 = tpu.memref_squeeze %dma_start3A_461 : memref<1x20000x64xf32, #tpu.memory_space<hbm>> -> memref<20000x64xf32, #tpu.memory_space<hbm>>
        %dma_start3A_463 = arith.constant 0 : i32
        %dma_start3A_464 = arith.constant 0 : i32
        %dma_start3A_465 = tpu.memref_slice %dma_start3A_462[%dma_start3A_463, %dma_start3A_464] : memref<20000x64xf32, #tpu.memory_space<hbm>> -> memref<20000x64xf32, #tpu.memory_space<hbm>>
        %dma_start3A_466 = tpu.memref_slice %arg12[%dma_start3A_451] : memref<5x!tpu.dma_semaphore, #tpu.memory_space<semaphore_mem>> -> memref<1x!tpu.dma_semaphore, #tpu.memory_space<semaphore_mem>>
        %dma_start3A_467 = tpu.memref_squeeze %dma_start3A_466 : memref<1x!tpu.dma_semaphore, #tpu.memory_space<semaphore_mem>> -> memref<!tpu.dma_semaphore, #tpu.memory_space<semaphore_mem>>
        tpu.enqueue_indirect_dma source(%dma_start3A_465 : memref<20000x64xf32, #tpu.memory_space<hbm>>) target(%dma_start3A_455 : memref<125x64xf32, #tpu.memory_space<vmem>>) offsets(%dma_start3A_458 : memref<125xi32, #tpu.memory_space<vmem>>) semaphore(%dma_start3A_467 : memref<!tpu.dma_semaphore, #tpu.memory_space<semaphore_mem>>)
        %mul3A_468 = arith.constant 5 : i32
        %mul3A_469 = arith.muli %scan3A_328, %mul3A_468 : i32
        %add3A_470 = arith.constant 0 : i32
        %add3A_471 = arith.addi %mul3A_469, %add3A_470 : i32
        %dma_wait3A_472 = arith.constant 0 : i32
        %dma_wait3A_473 = arith.constant 0 : i32
        %dma_wait3A_474 = arith.constant 0 : i32
        %dma_wait3A_475 = arith.constant 0 : i32
        %dma_wait3A_476 = arith.constant 0 : i32
        %dma_wait3A_477 = tpu.memref_slice %arg9[%dma_wait3A_473, %dma_wait3A_475, %dma_wait3A_476] : memref<5x125x64xf32, #tpu.memory_space<vmem>> -> memref<1x125x64xf32, #tpu.memory_space<vmem>>
        %dma_wait3A_478 = tpu.memref_squeeze %dma_wait3A_477 : memref<1x125x64xf32, #tpu.memory_space<vmem>> -> memref<125x64xf32, #tpu.memory_space<vmem>>
        %dma_wait3A_479 = arith.constant 0 : i32
        %dma_wait3A_480 = tpu.memref_slice %arg7[%dma_wait3A_472, %add3A_471, %dma_wait3A_479] : memref<2x10x125xi32, #tpu.memory_space<vmem>> -> memref<1x1x125xi32, #tpu.memory_space<vmem>>
        %dma_wait3A_481 = tpu.memref_squeeze %dma_wait3A_480 : memref<1x1x125xi32, #tpu.memory_space<vmem>> -> memref<125xi32, #tpu.memory_space<vmem>>
        %dma_wait3A_482 = arith.constant 0 : i32
        %dma_wait3A_483 = arith.constant 0 : i32
        %dma_wait3A_484 = tpu.memref_slice %arg2[%arg0, %dma_wait3A_482, %dma_wait3A_483] : memref<2x20000x64xf32, #tpu.memory_space<hbm>> -> memref<1x20000x64xf32, #tpu.memory_space<hbm>>
        %dma_wait3A_485 = tpu.memref_squeeze %dma_wait3A_484 : memref<1x20000x64xf32, #tpu.memory_space<hbm>> -> memref<20000x64xf32, #tpu.memory_space<hbm>>
        %dma_wait3A_486 = arith.constant 0 : i32
        %dma_wait3A_487 = arith.constant 0 : i32
        %dma_wait3A_488 = tpu.memref_slice %dma_wait3A_485[%dma_wait3A_486, %dma_wait3A_487] : memref<20000x64xf32, #tpu.memory_space<hbm>> -> memref<20000x64xf32, #tpu.memory_space<hbm>>
        %dma_wait3A_489 = tpu.memref_slice %arg12[%dma_wait3A_474] : memref<5x!tpu.dma_semaphore, #tpu.memory_space<semaphore_mem>> -> memref<1x!tpu.dma_semaphore, #tpu.memory_space<semaphore_mem>>
        %dma_wait3A_490 = tpu.memref_squeeze %dma_wait3A_489 : memref<1x!tpu.dma_semaphore, #tpu.memory_space<semaphore_mem>> -> memref<!tpu.dma_semaphore, #tpu.memory_space<semaphore_mem>>
        tpu.wait_indirect_dma semaphore(%dma_wait3A_490 : memref<!tpu.dma_semaphore, #tpu.memory_space<semaphore_mem>>) src(%dma_wait3A_488 : memref<20000x64xf32, #tpu.memory_space<hbm>>) dst(%dma_wait3A_478 : memref<125x64xf32, #tpu.memory_space<vmem>>)
        %dma_start3A_491 = arith.constant 0 : i32
        %dma_start3A_492 = arith.constant 0 : i32
        %dma_start3A_493 = arith.constant 0 : i32
        %dma_start3A_494 = arith.constant 0 : i32
        %dma_start3A_495 = arith.constant 0 : i32
        %dma_start3A_496 = tpu.memref_slice %arg9[%dma_start3A_491, %dma_start3A_494, %dma_start3A_495] : memref<5x125x64xf32, #tpu.memory_space<vmem>> -> memref<1x125x64xf32, #tpu.memory_space<vmem>>
        %dma_start3A_497 = tpu.memref_squeeze %dma_start3A_496 : memref<1x125x64xf32, #tpu.memory_space<vmem>> -> memref<125x64xf32, #tpu.memory_space<vmem>>
        %dma_start3A_498 = arith.constant 0 : i32
        %dma_start3A_499 = tpu.memref_slice %arg8[%dma_start3A_492, %add3A_471, %dma_start3A_498] : memref<2x10x125xi32, #tpu.memory_space<vmem>> -> memref<1x1x125xi32, #tpu.memory_space<vmem>>
        %dma_start3A_500 = tpu.memref_squeeze %dma_start3A_499 : memref<1x1x125xi32, #tpu.memory_space<vmem>> -> memref<125xi32, #tpu.memory_space<vmem>>
        %dma_start3A_501 = arith.constant 0 : i32
        %dma_start3A_502 = arith.constant 0 : i32
        %dma_start3A_503 = tpu.memref_slice %arg10[%dma_start3A_501, %dma_start3A_502] : memref<20000x64xf32, #tpu.memory_space<vmem_shared>> -> memref<20000x64xf32, #tpu.memory_space<vmem_shared>>
        %dma_start3A_504 = tpu.memref_slice %arg13[%dma_start3A_493] : memref<5x!tpu.dma_semaphore, #tpu.memory_space<semaphore_mem>> -> memref<1x!tpu.dma_semaphore, #tpu.memory_space<semaphore_mem>>
        %dma_start3A_505 = tpu.memref_squeeze %dma_start3A_504 : memref<1x!tpu.dma_semaphore, #tpu.memory_space<semaphore_mem>> -> memref<!tpu.dma_semaphore, #tpu.memory_space<semaphore_mem>>
        tpu.enqueue_indirect_dma source(%dma_start3A_497 : memref<125x64xf32, #tpu.memory_space<vmem>>) target(%dma_start3A_503 : memref<20000x64xf32, #tpu.memory_space<vmem_shared>>) offsets(%dma_start3A_500 : memref<125xi32, #tpu.memory_space<vmem>>) semaphore(%dma_start3A_505 : memref<!tpu.dma_semaphore, #tpu.memory_space<semaphore_mem>>) {add = true}
        %mul3A_506 = arith.constant 5 : i32
        %mul3A_507 = arith.muli %scan3A_328, %mul3A_506 : i32
        %add3A_508 = arith.constant 1 : i32
        %add3A_509 = arith.addi %mul3A_507, %add3A_508 : i32
        %dma_wait3A_510 = arith.constant 0 : i32
        %dma_wait3A_511 = arith.constant 1 : i32
        %dma_wait3A_512 = arith.constant 1 : i32
        %dma_wait3A_513 = arith.constant 0 : i32
        %dma_wait3A_514 = arith.constant 0 : i32
        %dma_wait3A_515 = tpu.memref_slice %arg9[%dma_wait3A_511, %dma_wait3A_513, %dma_wait3A_514] : memref<5x125x64xf32, #tpu.memory_space<vmem>> -> memref<1x125x64xf32, #tpu.memory_space<vmem>>
        %dma_wait3A_516 = tpu.memref_squeeze %dma_wait3A_515 : memref<1x125x64xf32, #tpu.memory_space<vmem>> -> memref<125x64xf32, #tpu.memory_space<vmem>>
        %dma_wait3A_517 = arith.constant 0 : i32
        %dma_wait3A_518 = tpu.memref_slice %arg7[%dma_wait3A_510, %add3A_509, %dma_wait3A_517] : memref<2x10x125xi32, #tpu.memory_space<vmem>> -> memref<1x1x125xi32, #tpu.memory_space<vmem>>
        %dma_wait3A_519 = tpu.memref_squeeze %dma_wait3A_518 : memref<1x1x125xi32, #tpu.memory_space<vmem>> -> memref<125xi32, #tpu.memory_space<vmem>>
        %dma_wait3A_520 = arith.constant 0 : i32
        %dma_wait3A_521 = arith.constant 0 : i32
        %dma_wait3A_522 = tpu.memref_slice %arg2[%arg0, %dma_wait3A_520, %dma_wait3A_521] : memref<2x20000x64xf32, #tpu.memory_space<hbm>> -> memref<1x20000x64xf32, #tpu.memory_space<hbm>>
        %dma_wait3A_523 = tpu.memref_squeeze %dma_wait3A_522 : memref<1x20000x64xf32, #tpu.memory_space<hbm>> -> memref<20000x64xf32, #tpu.memory_space<hbm>>
        %dma_wait3A_524 = arith.constant 0 : i32
        %dma_wait3A_525 = arith.constant 0 : i32
        %dma_wait3A_526 = tpu.memref_slice %dma_wait3A_523[%dma_wait3A_524, %dma_wait3A_525] : memref<20000x64xf32, #tpu.memory_space<hbm>> -> memref<20000x64xf32, #tpu.memory_space<hbm>>
        %dma_wait3A_527 = tpu.memref_slice %arg12[%dma_wait3A_512] : memref<5x!tpu.dma_semaphore, #tpu.memory_space<semaphore_mem>> -> memref<1x!tpu.dma_semaphore, #tpu.memory_space<semaphore_mem>>
        %dma_wait3A_528 = tpu.memref_squeeze %dma_wait3A_527 : memref<1x!tpu.dma_semaphore, #tpu.memory_space<semaphore_mem>> -> memref<!tpu.dma_semaphore, #tpu.memory_space<semaphore_mem>>
        tpu.wait_indirect_dma semaphore(%dma_wait3A_528 : memref<!tpu.dma_semaphore, #tpu.memory_space<semaphore_mem>>) src(%dma_wait3A_526 : memref<20000x64xf32, #tpu.memory_space<hbm>>) dst(%dma_wait3A_516 : memref<125x64xf32, #tpu.memory_space<vmem>>)
        %dma_start3A_529 = arith.constant 1 : i32
        %dma_start3A_530 = arith.constant 0 : i32
        %dma_start3A_531 = arith.constant 1 : i32
        %dma_start3A_532 = arith.constant 0 : i32
        %dma_start3A_533 = arith.constant 0 : i32
        %dma_start3A_534 = tpu.memref_slice %arg9[%dma_start3A_529, %dma_start3A_532, %dma_start3A_533] : memref<5x125x64xf32, #tpu.memory_space<vmem>> -> memref<1x125x64xf32, #tpu.memory_space<vmem>>
        %dma_start3A_535 = tpu.memref_squeeze %dma_start3A_534 : memref<1x125x64xf32, #tpu.memory_space<vmem>> -> memref<125x64xf32, #tpu.memory_space<vmem>>
        %dma_start3A_536 = arith.constant 0 : i32
        %dma_start3A_537 = tpu.memref_slice %arg8[%dma_start3A_530, %add3A_509, %dma_start3A_536] : memref<2x10x125xi32, #tpu.memory_space<vmem>> -> memref<1x1x125xi32, #tpu.memory_space<vmem>>
        %dma_start3A_538 = tpu.memref_squeeze %dma_start3A_537 : memref<1x1x125xi32, #tpu.memory_space<vmem>> -> memref<125xi32, #tpu.memory_space<vmem>>
        %dma_start3A_539 = arith.constant 0 : i32
        %dma_start3A_540 = arith.constant 0 : i32
        %dma_start3A_541 = tpu.memref_slice %arg10[%dma_start3A_539, %dma_start3A_540] : memref<20000x64xf32, #tpu.memory_space<vmem_shared>> -> memref<20000x64xf32, #tpu.memory_space<vmem_shared>>
        %dma_start3A_542 = tpu.memref_slice %arg13[%dma_start3A_531] : memref<5x!tpu.dma_semaphore, #tpu.memory_space<semaphore_mem>> -> memref<1x!tpu.dma_semaphore, #tpu.memory_space<semaphore_mem>>
        %dma_start3A_543 = tpu.memref_squeeze %dma_start3A_542 : memref<1x!tpu.dma_semaphore, #tpu.memory_space<semaphore_mem>> -> memref<!tpu.dma_semaphore, #tpu.memory_space<semaphore_mem>>
        tpu.enqueue_indirect_dma source(%dma_start3A_535 : memref<125x64xf32, #tpu.memory_space<vmem>>) target(%dma_start3A_541 : memref<20000x64xf32, #tpu.memory_space<vmem_shared>>) offsets(%dma_start3A_538 : memref<125xi32, #tpu.memory_space<vmem>>) semaphore(%dma_start3A_543 : memref<!tpu.dma_semaphore, #tpu.memory_space<semaphore_mem>>) {add = true}
        %mul3A_544 = arith.constant 5 : i32
        %mul3A_545 = arith.muli %scan3A_328, %mul3A_544 : i32
        %add3A_546 = arith.constant 2 : i32
        %add3A_547 = arith.addi %mul3A_545, %add3A_546 : i32
        %dma_wait3A_548 = arith.constant 0 : i32
        %dma_wait3A_549 = arith.constant 2 : i32
        %dma_wait3A_550 = arith.constant 2 : i32
        %dma_wait3A_551 = arith.constant 0 : i32
        %dma_wait3A_552 = arith.constant 0 : i32
        %dma_wait3A_553 = tpu.memref_slice %arg9[%dma_wait3A_549, %dma_wait3A_551, %dma_wait3A_552] : memref<5x125x64xf32, #tpu.memory_space<vmem>> -> memref<1x125x64xf32, #tpu.memory_space<vmem>>
        %dma_wait3A_554 = tpu.memref_squeeze %dma_wait3A_553 : memref<1x125x64xf32, #tpu.memory_space<vmem>> -> memref<125x64xf32, #tpu.memory_space<vmem>>
        %dma_wait3A_555 = arith.constant 0 : i32
        %dma_wait3A_556 = tpu.memref_slice %arg7[%dma_wait3A_548, %add3A_547, %dma_wait3A_555] : memref<2x10x125xi32, #tpu.memory_space<vmem>> -> memref<1x1x125xi32, #tpu.memory_space<vmem>>
        %dma_wait3A_557 = tpu.memref_squeeze %dma_wait3A_556 : memref<1x1x125xi32, #tpu.memory_space<vmem>> -> memref<125xi32, #tpu.memory_space<vmem>>
        %dma_wait3A_558 = arith.constant 0 : i32
        %dma_wait3A_559 = arith.constant 0 : i32
        %dma_wait3A_560 = tpu.memref_slice %arg2[%arg0, %dma_wait3A_558, %dma_wait3A_559] : memref<2x20000x64xf32, #tpu.memory_space<hbm>> -> memref<1x20000x64xf32, #tpu.memory_space<hbm>>
        %dma_wait3A_561 = tpu.memref_squeeze %dma_wait3A_560 : memref<1x20000x64xf32, #tpu.memory_space<hbm>> -> memref<20000x64xf32, #tpu.memory_space<hbm>>
        %dma_wait3A_562 = arith.constant 0 : i32
        %dma_wait3A_563 = arith.constant 0 : i32
        %dma_wait3A_564 = tpu.memref_slice %dma_wait3A_561[%dma_wait3A_562, %dma_wait3A_563] : memref<20000x64xf32, #tpu.memory_space<hbm>> -> memref<20000x64xf32, #tpu.memory_space<hbm>>
        %dma_wait3A_565 = tpu.memref_slice %arg12[%dma_wait3A_550] : memref<5x!tpu.dma_semaphore, #tpu.memory_space<semaphore_mem>> -> memref<1x!tpu.dma_semaphore, #tpu.memory_space<semaphore_mem>>
        %dma_wait3A_566 = tpu.memref_squeeze %dma_wait3A_565 : memref<1x!tpu.dma_semaphore, #tpu.memory_space<semaphore_mem>> -> memref<!tpu.dma_semaphore, #tpu.memory_space<semaphore_mem>>
        tpu.wait_indirect_dma semaphore(%dma_wait3A_566 : memref<!tpu.dma_semaphore, #tpu.memory_space<semaphore_mem>>) src(%dma_wait3A_564 : memref<20000x64xf32, #tpu.memory_space<hbm>>) dst(%dma_wait3A_554 : memref<125x64xf32, #tpu.memory_space<vmem>>)
        %dma_start3A_567 = arith.constant 2 : i32
        %dma_start3A_568 = arith.constant 0 : i32
        %dma_start3A_569 = arith.constant 2 : i32
        %dma_start3A_570 = arith.constant 0 : i32
        %dma_start3A_571 = arith.constant 0 : i32
        %dma_start3A_572 = tpu.memref_slice %arg9[%dma_start3A_567, %dma_start3A_570, %dma_start3A_571] : memref<5x125x64xf32, #tpu.memory_space<vmem>> -> memref<1x125x64xf32, #tpu.memory_space<vmem>>
        %dma_start3A_573 = tpu.memref_squeeze %dma_start3A_572 : memref<1x125x64xf32, #tpu.memory_space<vmem>> -> memref<125x64xf32, #tpu.memory_space<vmem>>
        %dma_start3A_574 = arith.constant 0 : i32
        %dma_start3A_575 = tpu.memref_slice %arg8[%dma_start3A_568, %add3A_547, %dma_start3A_574] : memref<2x10x125xi32, #tpu.memory_space<vmem>> -> memref<1x1x125xi32, #tpu.memory_space<vmem>>
        %dma_start3A_576 = tpu.memref_squeeze %dma_start3A_575 : memref<1x1x125xi32, #tpu.memory_space<vmem>> -> memref<125xi32, #tpu.memory_space<vmem>>
        %dma_start3A_577 = arith.constant 0 : i32
        %dma_start3A_578 = arith.constant 0 : i32
        %dma_start3A_579 = tpu.memref_slice %arg10[%dma_start3A_577, %dma_start3A_578] : memref<20000x64xf32, #tpu.memory_space<vmem_shared>> -> memref<20000x64xf32, #tpu.memory_space<vmem_shared>>
        %dma_start3A_580 = tpu.memref_slice %arg13[%dma_start3A_569] : memref<5x!tpu.dma_semaphore, #tpu.memory_space<semaphore_mem>> -> memref<1x!tpu.dma_semaphore, #tpu.memory_space<semaphore_mem>>
        %dma_start3A_581 = tpu.memref_squeeze %dma_start3A_580 : memref<1x!tpu.dma_semaphore, #tpu.memory_space<semaphore_mem>> -> memref<!tpu.dma_semaphore, #tpu.memory_space<semaphore_mem>>
        tpu.enqueue_indirect_dma source(%dma_start3A_573 : memref<125x64xf32, #tpu.memory_space<vmem>>) target(%dma_start3A_579 : memref<20000x64xf32, #tpu.memory_space<vmem_shared>>) offsets(%dma_start3A_576 : memref<125xi32, #tpu.memory_space<vmem>>) semaphore(%dma_start3A_581 : memref<!tpu.dma_semaphore, #tpu.memory_space<semaphore_mem>>) {add = true}
        %mul3A_582 = arith.constant 5 : i32
        %mul3A_583 = arith.muli %scan3A_328, %mul3A_582 : i32
        %add3A_584 = arith.constant 3 : i32
        %add3A_585 = arith.addi %mul3A_583, %add3A_584 : i32
        %dma_wait3A_586 = arith.constant 0 : i32
        %dma_wait3A_587 = arith.constant 3 : i32
        %dma_wait3A_588 = arith.constant 3 : i32
        %dma_wait3A_589 = arith.constant 0 : i32
        %dma_wait3A_590 = arith.constant 0 : i32
        %dma_wait3A_591 = tpu.memref_slice %arg9[%dma_wait3A_587, %dma_wait3A_589, %dma_wait3A_590] : memref<5x125x64xf32, #tpu.memory_space<vmem>> -> memref<1x125x64xf32, #tpu.memory_space<vmem>>
        %dma_wait3A_592 = tpu.memref_squeeze %dma_wait3A_591 : memref<1x125x64xf32, #tpu.memory_space<vmem>> -> memref<125x64xf32, #tpu.memory_space<vmem>>
        %dma_wait3A_593 = arith.constant 0 : i32
        %dma_wait3A_594 = tpu.memref_slice %arg7[%dma_wait3A_586, %add3A_585, %dma_wait3A_593] : memref<2x10x125xi32, #tpu.memory_space<vmem>> -> memref<1x1x125xi32, #tpu.memory_space<vmem>>
        %dma_wait3A_595 = tpu.memref_squeeze %dma_wait3A_594 : memref<1x1x125xi32, #tpu.memory_space<vmem>> -> memref<125xi32, #tpu.memory_space<vmem>>
        %dma_wait3A_596 = arith.constant 0 : i32
        %dma_wait3A_597 = arith.constant 0 : i32
        %dma_wait3A_598 = tpu.memref_slice %arg2[%arg0, %dma_wait3A_596, %dma_wait3A_597] : memref<2x20000x64xf32, #tpu.memory_space<hbm>> -> memref<1x20000x64xf32, #tpu.memory_space<hbm>>
        %dma_wait3A_599 = tpu.memref_squeeze %dma_wait3A_598 : memref<1x20000x64xf32, #tpu.memory_space<hbm>> -> memref<20000x64xf32, #tpu.memory_space<hbm>>
        %dma_wait3A_600 = arith.constant 0 : i32
        %dma_wait3A_601 = arith.constant 0 : i32
        %dma_wait3A_602 = tpu.memref_slice %dma_wait3A_599[%dma_wait3A_600, %dma_wait3A_601] : memref<20000x64xf32, #tpu.memory_space<hbm>> -> memref<20000x64xf32, #tpu.memory_space<hbm>>
        %dma_wait3A_603 = tpu.memref_slice %arg12[%dma_wait3A_588] : memref<5x!tpu.dma_semaphore, #tpu.memory_space<semaphore_mem>> -> memref<1x!tpu.dma_semaphore, #tpu.memory_space<semaphore_mem>>
        %dma_wait3A_604 = tpu.memref_squeeze %dma_wait3A_603 : memref<1x!tpu.dma_semaphore, #tpu.memory_space<semaphore_mem>> -> memref<!tpu.dma_semaphore, #tpu.memory_space<semaphore_mem>>
        tpu.wait_indirect_dma semaphore(%dma_wait3A_604 : memref<!tpu.dma_semaphore, #tpu.memory_space<semaphore_mem>>) src(%dma_wait3A_602 : memref<20000x64xf32, #tpu.memory_space<hbm>>) dst(%dma_wait3A_592 : memref<125x64xf32, #tpu.memory_space<vmem>>)
        %dma_start3A_605 = arith.constant 3 : i32
        %dma_start3A_606 = arith.constant 0 : i32
        %dma_start3A_607 = arith.constant 3 : i32
        %dma_start3A_608 = arith.constant 0 : i32
        %dma_start3A_609 = arith.constant 0 : i32
        %dma_start3A_610 = tpu.memref_slice %arg9[%dma_start3A_605, %dma_start3A_608, %dma_start3A_609] : memref<5x125x64xf32, #tpu.memory_space<vmem>> -> memref<1x125x64xf32, #tpu.memory_space<vmem>>
        %dma_start3A_611 = tpu.memref_squeeze %dma_start3A_610 : memref<1x125x64xf32, #tpu.memory_space<vmem>> -> memref<125x64xf32, #tpu.memory_space<vmem>>
        %dma_start3A_612 = arith.constant 0 : i32
        %dma_start3A_613 = tpu.memref_slice %arg8[%dma_start3A_606, %add3A_585, %dma_start3A_612] : memref<2x10x125xi32, #tpu.memory_space<vmem>> -> memref<1x1x125xi32, #tpu.memory_space<vmem>>
        %dma_start3A_614 = tpu.memref_squeeze %dma_start3A_613 : memref<1x1x125xi32, #tpu.memory_space<vmem>> -> memref<125xi32, #tpu.memory_space<vmem>>
        %dma_start3A_615 = arith.constant 0 : i32
        %dma_start3A_616 = arith.constant 0 : i32
        %dma_start3A_617 = tpu.memref_slice %arg10[%dma_start3A_615, %dma_start3A_616] : memref<20000x64xf32, #tpu.memory_space<vmem_shared>> -> memref<20000x64xf32, #tpu.memory_space<vmem_shared>>
        %dma_start3A_618 = tpu.memref_slice %arg13[%dma_start3A_607] : memref<5x!tpu.dma_semaphore, #tpu.memory_space<semaphore_mem>> -> memref<1x!tpu.dma_semaphore, #tpu.memory_space<semaphore_mem>>
        %dma_start3A_619 = tpu.memref_squeeze %dma_start3A_618 : memref<1x!tpu.dma_semaphore, #tpu.memory_space<semaphore_mem>> -> memref<!tpu.dma_semaphore, #tpu.memory_space<semaphore_mem>>
        tpu.enqueue_indirect_dma source(%dma_start3A_611 : memref<125x64xf32, #tpu.memory_space<vmem>>) target(%dma_start3A_617 : memref<20000x64xf32, #tpu.memory_space<vmem_shared>>) offsets(%dma_start3A_614 : memref<125xi32, #tpu.memory_space<vmem>>) semaphore(%dma_start3A_619 : memref<!tpu.dma_semaphore, #tpu.memory_space<semaphore_mem>>) {add = true}
        %mul3A_620 = arith.constant 5 : i32
        %mul3A_621 = arith.muli %scan3A_328, %mul3A_620 : i32
        %add3A_622 = arith.constant 4 : i32
        %add3A_623 = arith.addi %mul3A_621, %add3A_622 : i32
        %dma_wait3A_624 = arith.constant 0 : i32
        %dma_wait3A_625 = arith.constant 4 : i32
        %dma_wait3A_626 = arith.constant 4 : i32
        %dma_wait3A_627 = arith.constant 0 : i32
        %dma_wait3A_628 = arith.constant 0 : i32
        %dma_wait3A_629 = tpu.memref_slice %arg9[%dma_wait3A_625, %dma_wait3A_627, %dma_wait3A_628] : memref<5x125x64xf32, #tpu.memory_space<vmem>> -> memref<1x125x64xf32, #tpu.memory_space<vmem>>
        %dma_wait3A_630 = tpu.memref_squeeze %dma_wait3A_629 : memref<1x125x64xf32, #tpu.memory_space<vmem>> -> memref<125x64xf32, #tpu.memory_space<vmem>>
        %dma_wait3A_631 = arith.constant 0 : i32
        %dma_wait3A_632 = tpu.memref_slice %arg7[%dma_wait3A_624, %add3A_623, %dma_wait3A_631] : memref<2x10x125xi32, #tpu.memory_space<vmem>> -> memref<1x1x125xi32, #tpu.memory_space<vmem>>
        %dma_wait3A_633 = tpu.memref_squeeze %dma_wait3A_632 : memref<1x1x125xi32, #tpu.memory_space<vmem>> -> memref<125xi32, #tpu.memory_space<vmem>>
        %dma_wait3A_634 = arith.constant 0 : i32
        %dma_wait3A_635 = arith.constant 0 : i32
        %dma_wait3A_636 = tpu.memref_slice %arg2[%arg0, %dma_wait3A_634, %dma_wait3A_635] : memref<2x20000x64xf32, #tpu.memory_space<hbm>> -> memref<1x20000x64xf32, #tpu.memory_space<hbm>>
        %dma_wait3A_637 = tpu.memref_squeeze %dma_wait3A_636 : memref<1x20000x64xf32, #tpu.memory_space<hbm>> -> memref<20000x64xf32, #tpu.memory_space<hbm>>
        %dma_wait3A_638 = arith.constant 0 : i32
        %dma_wait3A_639 = arith.constant 0 : i32
        %dma_wait3A_640 = tpu.memref_slice %dma_wait3A_637[%dma_wait3A_638, %dma_wait3A_639] : memref<20000x64xf32, #tpu.memory_space<hbm>> -> memref<20000x64xf32, #tpu.memory_space<hbm>>
        %dma_wait3A_641 = tpu.memref_slice %arg12[%dma_wait3A_626] : memref<5x!tpu.dma_semaphore, #tpu.memory_space<semaphore_mem>> -> memref<1x!tpu.dma_semaphore, #tpu.memory_space<semaphore_mem>>
        %dma_wait3A_642 = tpu.memref_squeeze %dma_wait3A_641 : memref<1x!tpu.dma_semaphore, #tpu.memory_space<semaphore_mem>> -> memref<!tpu.dma_semaphore, #tpu.memory_space<semaphore_mem>>
        tpu.wait_indirect_dma semaphore(%dma_wait3A_642 : memref<!tpu.dma_semaphore, #tpu.memory_space<semaphore_mem>>) src(%dma_wait3A_640 : memref<20000x64xf32, #tpu.memory_space<hbm>>) dst(%dma_wait3A_630 : memref<125x64xf32, #tpu.memory_space<vmem>>)
        %dma_start3A_643 = arith.constant 4 : i32
        %dma_start3A_644 = arith.constant 0 : i32
        %dma_start3A_645 = arith.constant 4 : i32
        %dma_start3A_646 = arith.constant 0 : i32
        %dma_start3A_647 = arith.constant 0 : i32
        %dma_start3A_648 = tpu.memref_slice %arg9[%dma_start3A_643, %dma_start3A_646, %dma_start3A_647] : memref<5x125x64xf32, #tpu.memory_space<vmem>> -> memref<1x125x64xf32, #tpu.memory_space<vmem>>
        %dma_start3A_649 = tpu.memref_squeeze %dma_start3A_648 : memref<1x125x64xf32, #tpu.memory_space<vmem>> -> memref<125x64xf32, #tpu.memory_space<vmem>>
        %dma_start3A_650 = arith.constant 0 : i32
        %dma_start3A_651 = tpu.memref_slice %arg8[%dma_start3A_644, %add3A_623, %dma_start3A_650] : memref<2x10x125xi32, #tpu.memory_space<vmem>> -> memref<1x1x125xi32, #tpu.memory_space<vmem>>
        %dma_start3A_652 = tpu.memref_squeeze %dma_start3A_651 : memref<1x1x125xi32, #tpu.memory_space<vmem>> -> memref<125xi32, #tpu.memory_space<vmem>>
        %dma_start3A_653 = arith.constant 0 : i32
        %dma_start3A_654 = arith.constant 0 : i32
        %dma_start3A_655 = tpu.memref_slice %arg10[%dma_start3A_653, %dma_start3A_654] : memref<20000x64xf32, #tpu.memory_space<vmem_shared>> -> memref<20000x64xf32, #tpu.memory_space<vmem_shared>>
        %dma_start3A_656 = tpu.memref_slice %arg13[%dma_start3A_645] : memref<5x!tpu.dma_semaphore, #tpu.memory_space<semaphore_mem>> -> memref<1x!tpu.dma_semaphore, #tpu.memory_space<semaphore_mem>>
        %dma_start3A_657 = tpu.memref_squeeze %dma_start3A_656 : memref<1x!tpu.dma_semaphore, #tpu.memory_space<semaphore_mem>> -> memref<!tpu.dma_semaphore, #tpu.memory_space<semaphore_mem>>
        tpu.enqueue_indirect_dma source(%dma_start3A_649 : memref<125x64xf32, #tpu.memory_space<vmem>>) target(%dma_start3A_655 : memref<20000x64xf32, #tpu.memory_space<vmem_shared>>) offsets(%dma_start3A_652 : memref<125xi32, #tpu.memory_space<vmem>>) semaphore(%dma_start3A_657 : memref<!tpu.dma_semaphore, #tpu.memory_space<semaphore_mem>>) {add = true}
      }
      %scan3A_110 = arith.constant 2 : i32
      %dma_wait3A_111 = arith.constant 0 : i32
      %dma_wait3A_112 = arith.constant 0 : i32
      %dma_wait3A_113 = arith.constant 5 : i32
      %dma_wait3A_114 = arith.constant 0 : i32
      %dma_wait3A_115 = arith.constant 0 : i32
      %dma_wait3A_116 = arith.constant 0 : i32
      %dma_wait3A_117 = tpu.memref_slice %arg9[%dma_wait3A_111, %dma_wait3A_115, %dma_wait3A_116] : memref<5x125x64xf32, #tpu.memory_space<vmem>> -> memref<1x125x64xf32, #tpu.memory_space<vmem>>
      %dma_wait3A_118 = tpu.memref_squeeze %dma_wait3A_117 : memref<1x125x64xf32, #tpu.memory_space<vmem>> -> memref<125x64xf32, #tpu.memory_space<vmem>>
      %dma_wait3A_119 = arith.constant 0 : i32
      %dma_wait3A_120 = tpu.memref_slice %arg8[%dma_wait3A_112, %dma_wait3A_113, %dma_wait3A_119] : memref<2x10x125xi32, #tpu.memory_space<vmem>> -> memref<1x1x125xi32, #tpu.memory_space<vmem>>
      %dma_wait3A_121 = tpu.memref_squeeze %dma_wait3A_120 : memref<1x1x125xi32, #tpu.memory_space<vmem>> -> memref<125xi32, #tpu.memory_space<vmem>>
      %dma_wait3A_122 = arith.constant 0 : i32
      %dma_wait3A_123 = arith.constant 0 : i32
      %dma_wait3A_124 = tpu.memref_slice %arg10[%dma_wait3A_122, %dma_wait3A_123] : memref<20000x64xf32, #tpu.memory_space<vmem_shared>> -> memref<20000x64xf32, #tpu.memory_space<vmem_shared>>
      %dma_wait3A_125 = tpu.memref_slice %arg13[%dma_wait3A_114] : memref<5x!tpu.dma_semaphore, #tpu.memory_space<semaphore_mem>> -> memref<1x!tpu.dma_semaphore, #tpu.memory_space<semaphore_mem>>
      %dma_wait3A_126 = tpu.memref_squeeze %dma_wait3A_125 : memref<1x!tpu.dma_semaphore, #tpu.memory_space<semaphore_mem>> -> memref<!tpu.dma_semaphore, #tpu.memory_space<semaphore_mem>>
      tpu.wait_indirect_dma semaphore(%dma_wait3A_126 : memref<!tpu.dma_semaphore, #tpu.memory_space<semaphore_mem>>) src(%dma_wait3A_118 : memref<125x64xf32, #tpu.memory_space<vmem>>) dst(%dma_wait3A_124 : memref<20000x64xf32, #tpu.memory_space<vmem_shared>>)
      %dma_wait3A_127 = arith.constant 1 : i32
      %dma_wait3A_128 = arith.constant 0 : i32
      %dma_wait3A_129 = arith.constant 6 : i32
      %dma_wait3A_130 = arith.constant 1 : i32
      %dma_wait3A_131 = arith.constant 0 : i32
      %dma_wait3A_132 = arith.constant 0 : i32
      %dma_wait3A_133 = tpu.memref_slice %arg9[%dma_wait3A_127, %dma_wait3A_131, %dma_wait3A_132] : memref<5x125x64xf32, #tpu.memory_space<vmem>> -> memref<1x125x64xf32, #tpu.memory_space<vmem>>
      %dma_wait3A_134 = tpu.memref_squeeze %dma_wait3A_133 : memref<1x125x64xf32, #tpu.memory_space<vmem>> -> memref<125x64xf32, #tpu.memory_space<vmem>>
      %dma_wait3A_135 = arith.constant 0 : i32
      %dma_wait3A_136 = tpu.memref_slice %arg8[%dma_wait3A_128, %dma_wait3A_129, %dma_wait3A_135] : memref<2x10x125xi32, #tpu.memory_space<vmem>> -> memref<1x1x125xi32, #tpu.memory_space<vmem>>
      %dma_wait3A_137 = tpu.memref_squeeze %dma_wait3A_136 : memref<1x1x125xi32, #tpu.memory_space<vmem>> -> memref<125xi32, #tpu.memory_space<vmem>>
      %dma_wait3A_138 = arith.constant 0 : i32
      %dma_wait3A_139 = arith.constant 0 : i32
      %dma_wait3A_140 = tpu.memref_slice %arg10[%dma_wait3A_138, %dma_wait3A_139] : memref<20000x64xf32, #tpu.memory_space<vmem_shared>> -> memref<20000x64xf32, #tpu.memory_space<vmem_shared>>
      %dma_wait3A_141 = tpu.memref_slice %arg13[%dma_wait3A_130] : memref<5x!tpu.dma_semaphore, #tpu.memory_space<semaphore_mem>> -> memref<1x!tpu.dma_semaphore, #tpu.memory_space<semaphore_mem>>
      %dma_wait3A_142 = tpu.memref_squeeze %dma_wait3A_141 : memref<1x!tpu.dma_semaphore, #tpu.memory_space<semaphore_mem>> -> memref<!tpu.dma_semaphore, #tpu.memory_space<semaphore_mem>>
      tpu.wait_indirect_dma semaphore(%dma_wait3A_142 : memref<!tpu.dma_semaphore, #tpu.memory_space<semaphore_mem>>) src(%dma_wait3A_134 : memref<125x64xf32, #tpu.memory_space<vmem>>) dst(%dma_wait3A_140 : memref<20000x64xf32, #tpu.memory_space<vmem_shared>>)
      %dma_wait3A_143 = arith.constant 2 : i32
      %dma_wait3A_144 = arith.constant 0 : i32
      %dma_wait3A_145 = arith.constant 7 : i32
      %dma_wait3A_146 = arith.constant 2 : i32
      %dma_wait3A_147 = arith.constant 0 : i32
      %dma_wait3A_148 = arith.constant 0 : i32
      %dma_wait3A_149 = tpu.memref_slice %arg9[%dma_wait3A_143, %dma_wait3A_147, %dma_wait3A_148] : memref<5x125x64xf32, #tpu.memory_space<vmem>> -> memref<1x125x64xf32, #tpu.memory_space<vmem>>
      %dma_wait3A_150 = tpu.memref_squeeze %dma_wait3A_149 : memref<1x125x64xf32, #tpu.memory_space<vmem>> -> memref<125x64xf32, #tpu.memory_space<vmem>>
      %dma_wait3A_151 = arith.constant 0 : i32
      %dma_wait3A_152 = tpu.memref_slice %arg8[%dma_wait3A_144, %dma_wait3A_145, %dma_wait3A_151] : memref<2x10x125xi32, #tpu.memory_space<vmem>> -> memref<1x1x125xi32, #tpu.memory_space<vmem>>
      %dma_wait3A_153 = tpu.memref_squeeze %dma_wait3A_152 : memref<1x1x125xi32, #tpu.memory_space<vmem>> -> memref<125xi32, #tpu.memory_space<vmem>>
      %dma_wait3A_154 = arith.constant 0 : i32
      %dma_wait3A_155 = arith.constant 0 : i32
      %dma_wait3A_156 = tpu.memref_slice %arg10[%dma_wait3A_154, %dma_wait3A_155] : memref<20000x64xf32, #tpu.memory_space<vmem_shared>> -> memref<20000x64xf32, #tpu.memory_space<vmem_shared>>
      %dma_wait3A_157 = tpu.memref_slice %arg13[%dma_wait3A_146] : memref<5x!tpu.dma_semaphore, #tpu.memory_space<semaphore_mem>> -> memref<1x!tpu.dma_semaphore, #tpu.memory_space<semaphore_mem>>
      %dma_wait3A_158 = tpu.memref_squeeze %dma_wait3A_157 : memref<1x!tpu.dma_semaphore, #tpu.memory_space<semaphore_mem>> -> memref<!tpu.dma_semaphore, #tpu.memory_space<semaphore_mem>>
      tpu.wait_indirect_dma semaphore(%dma_wait3A_158 : memref<!tpu.dma_semaphore, #tpu.memory_space<semaphore_mem>>) src(%dma_wait3A_150 : memref<125x64xf32, #tpu.memory_space<vmem>>) dst(%dma_wait3A_156 : memref<20000x64xf32, #tpu.memory_space<vmem_shared>>)
      %dma_wait3A_159 = arith.constant 3 : i32
      %dma_wait3A_160 = arith.constant 0 : i32
      %dma_wait3A_161 = arith.constant 8 : i32
      %dma_wait3A_162 = arith.constant 3 : i32
      %dma_wait3A_163 = arith.constant 0 : i32
      %dma_wait3A_164 = arith.constant 0 : i32
      %dma_wait3A_165 = tpu.memref_slice %arg9[%dma_wait3A_159, %dma_wait3A_163, %dma_wait3A_164] : memref<5x125x64xf32, #tpu.memory_space<vmem>> -> memref<1x125x64xf32, #tpu.memory_space<vmem>>
      %dma_wait3A_166 = tpu.memref_squeeze %dma_wait3A_165 : memref<1x125x64xf32, #tpu.memory_space<vmem>> -> memref<125x64xf32, #tpu.memory_space<vmem>>
      %dma_wait3A_167 = arith.constant 0 : i32
      %dma_wait3A_168 = tpu.memref_slice %arg8[%dma_wait3A_160, %dma_wait3A_161, %dma_wait3A_167] : memref<2x10x125xi32, #tpu.memory_space<vmem>> -> memref<1x1x125xi32, #tpu.memory_space<vmem>>
      %dma_wait3A_169 = tpu.memref_squeeze %dma_wait3A_168 : memref<1x1x125xi32, #tpu.memory_space<vmem>> -> memref<125xi32, #tpu.memory_space<vmem>>
      %dma_wait3A_170 = arith.constant 0 : i32
      %dma_wait3A_171 = arith.constant 0 : i32
      %dma_wait3A_172 = tpu.memref_slice %arg10[%dma_wait3A_170, %dma_wait3A_171] : memref<20000x64xf32, #tpu.memory_space<vmem_shared>> -> memref<20000x64xf32, #tpu.memory_space<vmem_shared>>
      %dma_wait3A_173 = tpu.memref_slice %arg13[%dma_wait3A_162] : memref<5x!tpu.dma_semaphore, #tpu.memory_space<semaphore_mem>> -> memref<1x!tpu.dma_semaphore, #tpu.memory_space<semaphore_mem>>
      %dma_wait3A_174 = tpu.memref_squeeze %dma_wait3A_173 : memref<1x!tpu.dma_semaphore, #tpu.memory_space<semaphore_mem>> -> memref<!tpu.dma_semaphore, #tpu.memory_space<semaphore_mem>>
      tpu.wait_indirect_dma semaphore(%dma_wait3A_174 : memref<!tpu.dma_semaphore, #tpu.memory_space<semaphore_mem>>) src(%dma_wait3A_166 : memref<125x64xf32, #tpu.memory_space<vmem>>) dst(%dma_wait3A_172 : memref<20000x64xf32, #tpu.memory_space<vmem_shared>>)
      %dma_wait3A_175 = arith.constant 4 : i32
      %dma_wait3A_176 = arith.constant 0 : i32
      %dma_wait3A_177 = arith.constant 9 : i32
      %dma_wait3A_178 = arith.constant 4 : i32
      %dma_wait3A_179 = arith.constant 0 : i32
      %dma_wait3A_180 = arith.constant 0 : i32
      %dma_wait3A_181 = tpu.memref_slice %arg9[%dma_wait3A_175, %dma_wait3A_179, %dma_wait3A_180] : memref<5x125x64xf32, #tpu.memory_space<vmem>> -> memref<1x125x64xf32, #tpu.memory_space<vmem>>
      %dma_wait3A_182 = tpu.memref_squeeze %dma_wait3A_181 : memref<1x125x64xf32, #tpu.memory_space<vmem>> -> memref<125x64xf32, #tpu.memory_space<vmem>>
      %dma_wait3A_183 = arith.constant 0 : i32
      %dma_wait3A_184 = tpu.memref_slice %arg8[%dma_wait3A_176, %dma_wait3A_177, %dma_wait3A_183] : memref<2x10x125xi32, #tpu.memory_space<vmem>> -> memref<1x1x125xi32, #tpu.memory_space<vmem>>
      %dma_wait3A_185 = tpu.memref_squeeze %dma_wait3A_184 : memref<1x1x125xi32, #tpu.memory_space<vmem>> -> memref<125xi32, #tpu.memory_space<vmem>>
      %dma_wait3A_186 = arith.constant 0 : i32
      %dma_wait3A_187 = arith.constant 0 : i32
      %dma_wait3A_188 = tpu.memref_slice %arg10[%dma_wait3A_186, %dma_wait3A_187] : memref<20000x64xf32, #tpu.memory_space<vmem_shared>> -> memref<20000x64xf32, #tpu.memory_space<vmem_shared>>
      %dma_wait3A_189 = tpu.memref_slice %arg13[%dma_wait3A_178] : memref<5x!tpu.dma_semaphore, #tpu.memory_space<semaphore_mem>> -> memref<1x!tpu.dma_semaphore, #tpu.memory_space<semaphore_mem>>
      %dma_wait3A_190 = tpu.memref_squeeze %dma_wait3A_189 : memref<1x!tpu.dma_semaphore, #tpu.memory_space<semaphore_mem>> -> memref<!tpu.dma_semaphore, #tpu.memory_space<semaphore_mem>>
      tpu.wait_indirect_dma semaphore(%dma_wait3A_190 : memref<!tpu.dma_semaphore, #tpu.memory_space<semaphore_mem>>) src(%dma_wait3A_182 : memref<125x64xf32, #tpu.memory_space<vmem>>) dst(%dma_wait3A_188 : memref<20000x64xf32, #tpu.memory_space<vmem_shared>>)
      %add3A_191 = arith.constant 1 : i32
      %add3A_192 = arith.addi %mul3A_61, %add3A_191 : i32
      %dma_wait3A_193 = arith.constant 1 : i32
      %dma_wait3A_194 = arith.constant 1 : i32
      %dma_wait3A_195 = arith.constant 0 : i32
      %dma_wait3A_196 = arith.constant 0 : i32
      %dma_wait3A_197 = tpu.memref_slice %arg7[%dma_wait3A_193, %dma_wait3A_195, %dma_wait3A_196] : memref<2x10x125xi32, #tpu.memory_space<vmem>> -> memref<1x10x125xi32, #tpu.memory_space<vmem>>
      %dma_wait3A_198 = tpu.memref_squeeze %dma_wait3A_197 : memref<1x10x125xi32, #tpu.memory_space<vmem>> -> memref<10x125xi32, #tpu.memory_space<vmem>>
      %dma_wait3A_199 = arith.constant 0 : i32
      %dma_wait3A_200 = arith.constant 0 : i32
      %dma_wait3A_201 = tpu.memref_slice %arg3[%arg1, %add3A_192, %dma_wait3A_199, %dma_wait3A_200] : memref<16x32x10x125xi32, #tpu.memory_space<hbm>> -> memref<1x1x10x125xi32, #tpu.memory_space<hbm>>
      %dma_wait3A_202 = tpu.memref_squeeze %dma_wait3A_201 : memref<1x1x10x125xi32, #tpu.memory_space<hbm>> -> memref<10x125xi32, #tpu.memory_space<hbm>>
      %dma_wait3A_203 = tpu.memref_slice %arg11[%dma_wait3A_194] : memref<2x!tpu.dma_semaphore, #tpu.memory_space<semaphore_mem>> -> memref<1x!tpu.dma_semaphore, #tpu.memory_space<semaphore_mem>>
      %dma_wait3A_204 = tpu.memref_squeeze %dma_wait3A_203 : memref<1x!tpu.dma_semaphore, #tpu.memory_space<semaphore_mem>> -> memref<!tpu.dma_semaphore, #tpu.memory_space<semaphore_mem>>
      %dma_wait3A_205 = arith.constant 0 : i32
      %dma_wait3A_206 = arith.constant 0 : i32
      %dma_wait3A_207 = tpu.memref_slice %arg7[%dma_wait3A_193, %dma_wait3A_205, %dma_wait3A_206] : memref<2x10x125xi32, #tpu.memory_space<vmem>> -> memref<1x10x125xi32, #tpu.memory_space<vmem>>
      %dma_wait3A_208 = tpu.memref_squeeze %dma_wait3A_207 : memref<1x10x125xi32, #tpu.memory_space<vmem>> -> memref<10x125xi32, #tpu.memory_space<vmem>>
      %dma_wait3A_209 = arith.constant 0 : i32
      %dma_wait3A_210 = arith.constant 0 : i32
      %dma_wait3A_211 = tpu.memref_slice %arg3[%arg1, %add3A_192, %dma_wait3A_209, %dma_wait3A_210] : memref<16x32x10x125xi32, #tpu.memory_space<hbm>> -> memref<1x1x10x125xi32, #tpu.memory_space<hbm>>
      %dma_wait3A_212 = tpu.memref_squeeze %dma_wait3A_211 : memref<1x1x10x125xi32, #tpu.memory_space<hbm>> -> memref<10x125xi32, #tpu.memory_space<hbm>>
      tpu.wait_dma2 semaphore(%dma_wait3A_204 : memref<!tpu.dma_semaphore, #tpu.memory_space<semaphore_mem>>) src(%dma_wait3A_212 : memref<10x125xi32, #tpu.memory_space<hbm>>) dst(%dma_wait3A_208 : memref<10x125xi32, #tpu.memory_space<vmem>>)
      %dma_wait3A_213 = arith.constant 1 : i32
      %dma_wait3A_214 = arith.constant 1 : i32
      %dma_wait3A_215 = arith.constant 0 : i32
      %dma_wait3A_216 = arith.constant 0 : i32
      %dma_wait3A_217 = tpu.memref_slice %arg8[%dma_wait3A_213, %dma_wait3A_215, %dma_wait3A_216] : memref<2x10x125xi32, #tpu.memory_space<vmem>> -> memref<1x10x125xi32, #tpu.memory_space<vmem>>
      %dma_wait3A_218 = tpu.memref_squeeze %dma_wait3A_217 : memref<1x10x125xi32, #tpu.memory_space<vmem>> -> memref<10x125xi32, #tpu.memory_space<vmem>>
      %dma_wait3A_219 = arith.constant 0 : i32
      %dma_wait3A_220 = arith.constant 0 : i32
      %dma_wait3A_221 = tpu.memref_slice %arg4[%arg1, %add3A_192, %dma_wait3A_219, %dma_wait3A_220] : memref<16x32x10x125xi32, #tpu.memory_space<hbm>> -> memref<1x1x10x125xi32, #tpu.memory_space<hbm>>
      %dma_wait3A_222 = tpu.memref_squeeze %dma_wait3A_221 : memref<1x1x10x125xi32, #tpu.memory_space<hbm>> -> memref<10x125xi32, #tpu.memory_space<hbm>>
      %dma_wait3A_223 = tpu.memref_slice %arg11[%dma_wait3A_214] : memref<2x!tpu.dma_semaphore, #tpu.memory_space<semaphore_mem>> -> memref<1x!tpu.dma_semaphore, #tpu.memory_space<semaphore_mem>>
      %dma_wait3A_224 = tpu.memref_squeeze %dma_wait3A_223 : memref<1x!tpu.dma_semaphore, #tpu.memory_space<semaphore_mem>> -> memref<!tpu.dma_semaphore, #tpu.memory_space<semaphore_mem>>
      %dma_wait3A_225 = arith.constant 0 : i32
      %dma_wait3A_226 = arith.constant 0 : i32
      %dma_wait3A_227 = tpu.memref_slice %arg8[%dma_wait3A_213, %dma_wait3A_225, %dma_wait3A_226] : memref<2x10x125xi32, #tpu.memory_space<vmem>> -> memref<1x10x125xi32, #tpu.memory_space<vmem>>
      %dma_wait3A_228 = tpu.memref_squeeze %dma_wait3A_227 : memref<1x10x125xi32, #tpu.memory_space<vmem>> -> memref<10x125xi32, #tpu.memory_space<vmem>>
      %dma_wait3A_229 = arith.constant 0 : i32
      %dma_wait3A_230 = arith.constant 0 : i32
      %dma_wait3A_231 = tpu.memref_slice %arg4[%arg1, %add3A_192, %dma_wait3A_229, %dma_wait3A_230] : memref<16x32x10x125xi32, #tpu.memory_space<hbm>> -> memref<1x1x10x125xi32, #tpu.memory_space<hbm>>
      %dma_wait3A_232 = tpu.memref_squeeze %dma_wait3A_231 : memref<1x1x10x125xi32, #tpu.memory_space<hbm>> -> memref<10x125xi32, #tpu.memory_space<hbm>>
      tpu.wait_dma2 semaphore(%dma_wait3A_224 : memref<!tpu.dma_semaphore, #tpu.memory_space<semaphore_mem>>) src(%dma_wait3A_232 : memref<10x125xi32, #tpu.memory_space<hbm>>) dst(%dma_wait3A_228 : memref<10x125xi32, #tpu.memory_space<vmem>>)
      %add3A_233 = arith.constant 1 : i32
      %add3A_234 = arith.addi %mul3A_61, %add3A_233 : i32
      %add3A_235 = arith.constant 1 : i32
      %add3A_236 = arith.addi %add3A_234, %add3A_235 : i32
      %lt3A_237 = arith.constant 32 : i32
      %lt3A_238 = arith.cmpi slt, %add3A_236, %lt3A_237 : i32
      %convert_element_type3A_239 = arith.extui %lt3A_238 : i1 to i32
      %cond3A_240 = arith.constant 0 : i32
      %cond3A_241 = arith.cmpi ne, %convert_element_type3A_239, %cond3A_240 : i32
      scf.if %cond3A_241 {
        %add3A_328 = arith.constant 1 : i32
        %add3A_329 = arith.addi %add3A_234, %add3A_328 : i32
        %dma_start3A_330 = arith.constant 0 : i32
        %dma_start3A_331 = arith.constant 0 : i32
        %dma_start3A_332 = arith.constant 0 : i32
        %dma_start3A_333 = arith.constant 0 : i32
        %dma_start3A_334 = tpu.memref_slice %arg7[%dma_start3A_330, %dma_start3A_332, %dma_start3A_333] : memref<2x10x125xi32, #tpu.memory_space<vmem>> -> memref<1x10x125xi32, #tpu.memory_space<vmem>>
        %dma_start3A_335 = tpu.memref_squeeze %dma_start3A_334 : memref<1x10x125xi32, #tpu.memory_space<vmem>> -> memref<10x125xi32, #tpu.memory_space<vmem>>
        %dma_start3A_336 = arith.constant 0 : i32
        %dma_start3A_337 = arith.constant 0 : i32
        %dma_start3A_338 = tpu.memref_slice %arg3[%arg1, %add3A_329, %dma_start3A_336, %dma_start3A_337] : memref<16x32x10x125xi32, #tpu.memory_space<hbm>> -> memref<1x1x10x125xi32, #tpu.memory_space<hbm>>
        %dma_start3A_339 = tpu.memref_squeeze %dma_start3A_338 : memref<1x1x10x125xi32, #tpu.memory_space<hbm>> -> memref<10x125xi32, #tpu.memory_space<hbm>>
        %dma_start3A_340 = tpu.memref_slice %arg11[%dma_start3A_331] : memref<2x!tpu.dma_semaphore, #tpu.memory_space<semaphore_mem>> -> memref<1x!tpu.dma_semaphore, #tpu.memory_space<semaphore_mem>>
        %dma_start3A_341 = tpu.memref_squeeze %dma_start3A_340 : memref<1x!tpu.dma_semaphore, #tpu.memory_space<semaphore_mem>> -> memref<!tpu.dma_semaphore, #tpu.memory_space<semaphore_mem>>
        %dma_start3A_342 = arith.constant 0 : i32
        %dma_start3A_343 = arith.constant 0 : i32
        %dma_start3A_344 = tpu.memref_slice %arg7[%dma_start3A_330, %dma_start3A_342, %dma_start3A_343] : memref<2x10x125xi32, #tpu.memory_space<vmem>> -> memref<1x10x125xi32, #tpu.memory_space<vmem>>
        %dma_start3A_345 = tpu.memref_squeeze %dma_start3A_344 : memref<1x10x125xi32, #tpu.memory_space<vmem>> -> memref<10x125xi32, #tpu.memory_space<vmem>>
        %dma_start3A_346 = arith.constant 0 : i32
        %dma_start3A_347 = arith.constant 0 : i32
        %dma_start3A_348 = tpu.memref_slice %arg3[%arg1, %add3A_329, %dma_start3A_346, %dma_start3A_347] : memref<16x32x10x125xi32, #tpu.memory_space<hbm>> -> memref<1x1x10x125xi32, #tpu.memory_space<hbm>>
        %dma_start3A_349 = tpu.memref_squeeze %dma_start3A_348 : memref<1x1x10x125xi32, #tpu.memory_space<hbm>> -> memref<10x125xi32, #tpu.memory_space<hbm>>
        tpu.enqueue_dma source(%dma_start3A_349 : memref<10x125xi32, #tpu.memory_space<hbm>>) target(%dma_start3A_345 : memref<10x125xi32, #tpu.memory_space<vmem>>) target_semaphore(%dma_start3A_341 : memref<!tpu.dma_semaphore, #tpu.memory_space<semaphore_mem>>)
        %dma_start3A_350 = arith.constant 0 : i32
        %dma_start3A_351 = arith.constant 0 : i32
        %dma_start3A_352 = arith.constant 0 : i32
        %dma_start3A_353 = arith.constant 0 : i32
        %dma_start3A_354 = tpu.memref_slice %arg8[%dma_start3A_350, %dma_start3A_352, %dma_start3A_353] : memref<2x10x125xi32, #tpu.memory_space<vmem>> -> memref<1x10x125xi32, #tpu.memory_space<vmem>>
        %dma_start3A_355 = tpu.memref_squeeze %dma_start3A_354 : memref<1x10x125xi32, #tpu.memory_space<vmem>> -> memref<10x125xi32, #tpu.memory_space<vmem>>
        %dma_start3A_356 = arith.constant 0 : i32
        %dma_start3A_357 = arith.constant 0 : i32
        %dma_start3A_358 = tpu.memref_slice %arg4[%arg1, %add3A_329, %dma_start3A_356, %dma_start3A_357] : memref<16x32x10x125xi32, #tpu.memory_space<hbm>> -> memref<1x1x10x125xi32, #tpu.memory_space<hbm>>
        %dma_start3A_359 = tpu.memref_squeeze %dma_start3A_358 : memref<1x1x10x125xi32, #tpu.memory_space<hbm>> -> memref<10x125xi32, #tpu.memory_space<hbm>>
        %dma_start3A_360 = tpu.memref_slice %arg11[%dma_start3A_351] : memref<2x!tpu.dma_semaphore, #tpu.memory_space<semaphore_mem>> -> memref<1x!tpu.dma_semaphore, #tpu.memory_space<semaphore_mem>>
        %dma_start3A_361 = tpu.memref_squeeze %dma_start3A_360 : memref<1x!tpu.dma_semaphore, #tpu.memory_space<semaphore_mem>> -> memref<!tpu.dma_semaphore, #tpu.memory_space<semaphore_mem>>
        %dma_start3A_362 = arith.constant 0 : i32
        %dma_start3A_363 = arith.constant 0 : i32
        %dma_start3A_364 = tpu.memref_slice %arg8[%dma_start3A_350, %dma_start3A_362, %dma_start3A_363] : memref<2x10x125xi32, #tpu.memory_space<vmem>> -> memref<1x10x125xi32, #tpu.memory_space<vmem>>
        %dma_start3A_365 = tpu.memref_squeeze %dma_start3A_364 : memref<1x10x125xi32, #tpu.memory_space<vmem>> -> memref<10x125xi32, #tpu.memory_space<vmem>>
        %dma_start3A_366 = arith.constant 0 : i32
        %dma_start3A_367 = arith.constant 0 : i32
        %dma_start3A_368 = tpu.memref_slice %arg4[%arg1, %add3A_329, %dma_start3A_366, %dma_start3A_367] : memref<16x32x10x125xi32, #tpu.memory_space<hbm>> -> memref<1x1x10x125xi32, #tpu.memory_space<hbm>>
        %dma_start3A_369 = tpu.memref_squeeze %dma_start3A_368 : memref<1x1x10x125xi32, #tpu.memory_space<hbm>> -> memref<10x125xi32, #tpu.memory_space<hbm>>
        tpu.enqueue_dma source(%dma_start3A_369 : memref<10x125xi32, #tpu.memory_space<hbm>>) target(%dma_start3A_365 : memref<10x125xi32, #tpu.memory_space<vmem>>) target_semaphore(%dma_start3A_361 : memref<!tpu.dma_semaphore, #tpu.memory_space<semaphore_mem>>)
      } else {
      }
      %scan3A_242 = arith.constant 0 : i32
      %scan3A_243 = arith.constant 0 : i32
      %scan3A_244 = arith.constant 2 : i32
      %scan3A_245 = arith.addi %scan3A_243, %scan3A_244 : i32
      %scan3A_246 = arith.constant 1 : i32
      scf.for %scan3A_328 = %scan3A_243 to %scan3A_245 step %scan3A_246  : i32 {
        %gt3A = arith.constant 0 : i32
        %gt3A_329 = arith.cmpi sgt, %scan3A_328, %gt3A : i32
        %convert_element_type3A_330 = arith.extui %gt3A_329 : i1 to i32
        %cond3A_331 = arith.constant 0 : i32
        %cond3A_332 = arith.cmpi ne, %convert_element_type3A_330, %cond3A_331 : i32
        scf.if %cond3A_332 {
          %sub3A = arith.constant 1 : i32
          %sub3A_658 = arith.subi %scan3A_328, %sub3A : i32
          %mul3A_659 = arith.constant 5 : i32
          %mul3A_660 = arith.muli %sub3A_658, %mul3A_659 : i32
          %add3A_661 = arith.constant 0 : i32
          %add3A_662 = arith.addi %mul3A_660, %add3A_661 : i32
          %dma_wait3A_663 = arith.constant 0 : i32
          %dma_wait3A_664 = arith.constant 1 : i32
          %dma_wait3A_665 = arith.constant 0 : i32
          %dma_wait3A_666 = arith.constant 0 : i32
          %dma_wait3A_667 = arith.constant 0 : i32
          %dma_wait3A_668 = tpu.memref_slice %arg9[%dma_wait3A_663, %dma_wait3A_666, %dma_wait3A_667] : memref<5x125x64xf32, #tpu.memory_space<vmem>> -> memref<1x125x64xf32, #tpu.memory_space<vmem>>
          %dma_wait3A_669 = tpu.memref_squeeze %dma_wait3A_668 : memref<1x125x64xf32, #tpu.memory_space<vmem>> -> memref<125x64xf32, #tpu.memory_space<vmem>>
          %dma_wait3A_670 = arith.constant 0 : i32
          %dma_wait3A_671 = tpu.memref_slice %arg8[%dma_wait3A_664, %add3A_662, %dma_wait3A_670] : memref<2x10x125xi32, #tpu.memory_space<vmem>> -> memref<1x1x125xi32, #tpu.memory_space<vmem>>
          %dma_wait3A_672 = tpu.memref_squeeze %dma_wait3A_671 : memref<1x1x125xi32, #tpu.memory_space<vmem>> -> memref<125xi32, #tpu.memory_space<vmem>>
          %dma_wait3A_673 = arith.constant 0 : i32
          %dma_wait3A_674 = arith.constant 0 : i32
          %dma_wait3A_675 = tpu.memref_slice %arg10[%dma_wait3A_673, %dma_wait3A_674] : memref<20000x64xf32, #tpu.memory_space<vmem_shared>> -> memref<20000x64xf32, #tpu.memory_space<vmem_shared>>
          %dma_wait3A_676 = tpu.memref_slice %arg13[%dma_wait3A_665] : memref<5x!tpu.dma_semaphore, #tpu.memory_space<semaphore_mem>> -> memref<1x!tpu.dma_semaphore, #tpu.memory_space<semaphore_mem>>
          %dma_wait3A_677 = tpu.memref_squeeze %dma_wait3A_676 : memref<1x!tpu.dma_semaphore, #tpu.memory_space<semaphore_mem>> -> memref<!tpu.dma_semaphore, #tpu.memory_space<semaphore_mem>>
          tpu.wait_indirect_dma semaphore(%dma_wait3A_677 : memref<!tpu.dma_semaphore, #tpu.memory_space<semaphore_mem>>) src(%dma_wait3A_669 : memref<125x64xf32, #tpu.memory_space<vmem>>) dst(%dma_wait3A_675 : memref<20000x64xf32, #tpu.memory_space<vmem_shared>>)
        } else {
        }
        %mul3A_333 = arith.constant 5 : i32
        %mul3A_334 = arith.muli %scan3A_328, %mul3A_333 : i32
        %add3A_335 = arith.constant 0 : i32
        %add3A_336 = arith.addi %mul3A_334, %add3A_335 : i32
        %dma_start3A_337 = arith.constant 1 : i32
        %dma_start3A_338 = arith.constant 0 : i32
        %dma_start3A_339 = arith.constant 0 : i32
        %dma_start3A_340 = arith.constant 0 : i32
        %dma_start3A_341 = arith.constant 0 : i32
        %dma_start3A_342 = tpu.memref_slice %arg9[%dma_start3A_338, %dma_start3A_340, %dma_start3A_341] : memref<5x125x64xf32, #tpu.memory_space<vmem>> -> memref<1x125x64xf32, #tpu.memory_space<vmem>>
        %dma_start3A_343 = tpu.memref_squeeze %dma_start3A_342 : memref<1x125x64xf32, #tpu.memory_space<vmem>> -> memref<125x64xf32, #tpu.memory_space<vmem>>
        %dma_start3A_344 = arith.constant 0 : i32
        %dma_start3A_345 = tpu.memref_slice %arg7[%dma_start3A_337, %add3A_336, %dma_start3A_344] : memref<2x10x125xi32, #tpu.memory_space<vmem>> -> memref<1x1x125xi32, #tpu.memory_space<vmem>>
        %dma_start3A_346 = tpu.memref_squeeze %dma_start3A_345 : memref<1x1x125xi32, #tpu.memory_space<vmem>> -> memref<125xi32, #tpu.memory_space<vmem>>
        %dma_start3A_347 = arith.constant 0 : i32
        %dma_start3A_348 = arith.constant 0 : i32
        %dma_start3A_349 = tpu.memref_slice %arg2[%arg0, %dma_start3A_347, %dma_start3A_348] : memref<2x20000x64xf32, #tpu.memory_space<hbm>> -> memref<1x20000x64xf32, #tpu.memory_space<hbm>>
        %dma_start3A_350 = tpu.memref_squeeze %dma_start3A_349 : memref<1x20000x64xf32, #tpu.memory_space<hbm>> -> memref<20000x64xf32, #tpu.memory_space<hbm>>
        %dma_start3A_351 = arith.constant 0 : i32
        %dma_start3A_352 = arith.constant 0 : i32
        %dma_start3A_353 = tpu.memref_slice %dma_start3A_350[%dma_start3A_351, %dma_start3A_352] : memref<20000x64xf32, #tpu.memory_space<hbm>> -> memref<20000x64xf32, #tpu.memory_space<hbm>>
        %dma_start3A_354 = tpu.memref_slice %arg12[%dma_start3A_339] : memref<5x!tpu.dma_semaphore, #tpu.memory_space<semaphore_mem>> -> memref<1x!tpu.dma_semaphore, #tpu.memory_space<semaphore_mem>>
        %dma_start3A_355 = tpu.memref_squeeze %dma_start3A_354 : memref<1x!tpu.dma_semaphore, #tpu.memory_space<semaphore_mem>> -> memref<!tpu.dma_semaphore, #tpu.memory_space<semaphore_mem>>
        tpu.enqueue_indirect_dma source(%dma_start3A_353 : memref<20000x64xf32, #tpu.memory_space<hbm>>) target(%dma_start3A_343 : memref<125x64xf32, #tpu.memory_space<vmem>>) offsets(%dma_start3A_346 : memref<125xi32, #tpu.memory_space<vmem>>) semaphore(%dma_start3A_355 : memref<!tpu.dma_semaphore, #tpu.memory_space<semaphore_mem>>)
        %gt3A_356 = arith.constant 0 : i32
        %gt3A_357 = arith.cmpi sgt, %scan3A_328, %gt3A_356 : i32
        %convert_element_type3A_358 = arith.extui %gt3A_357 : i1 to i32
        %cond3A_359 = arith.constant 0 : i32
        %cond3A_360 = arith.cmpi ne, %convert_element_type3A_358, %cond3A_359 : i32
        scf.if %cond3A_360 {
          %sub3A = arith.constant 1 : i32
          %sub3A_658 = arith.subi %scan3A_328, %sub3A : i32
          %mul3A_659 = arith.constant 5 : i32
          %mul3A_660 = arith.muli %sub3A_658, %mul3A_659 : i32
          %add3A_661 = arith.constant 1 : i32
          %add3A_662 = arith.addi %mul3A_660, %add3A_661 : i32
          %dma_wait3A_663 = arith.constant 1 : i32
          %dma_wait3A_664 = arith.constant 1 : i32
          %dma_wait3A_665 = arith.constant 1 : i32
          %dma_wait3A_666 = arith.constant 0 : i32
          %dma_wait3A_667 = arith.constant 0 : i32
          %dma_wait3A_668 = tpu.memref_slice %arg9[%dma_wait3A_663, %dma_wait3A_666, %dma_wait3A_667] : memref<5x125x64xf32, #tpu.memory_space<vmem>> -> memref<1x125x64xf32, #tpu.memory_space<vmem>>
          %dma_wait3A_669 = tpu.memref_squeeze %dma_wait3A_668 : memref<1x125x64xf32, #tpu.memory_space<vmem>> -> memref<125x64xf32, #tpu.memory_space<vmem>>
          %dma_wait3A_670 = arith.constant 0 : i32
          %dma_wait3A_671 = tpu.memref_slice %arg8[%dma_wait3A_664, %add3A_662, %dma_wait3A_670] : memref<2x10x125xi32, #tpu.memory_space<vmem>> -> memref<1x1x125xi32, #tpu.memory_space<vmem>>
          %dma_wait3A_672 = tpu.memref_squeeze %dma_wait3A_671 : memref<1x1x125xi32, #tpu.memory_space<vmem>> -> memref<125xi32, #tpu.memory_space<vmem>>
          %dma_wait3A_673 = arith.constant 0 : i32
          %dma_wait3A_674 = arith.constant 0 : i32
          %dma_wait3A_675 = tpu.memref_slice %arg10[%dma_wait3A_673, %dma_wait3A_674] : memref<20000x64xf32, #tpu.memory_space<vmem_shared>> -> memref<20000x64xf32, #tpu.memory_space<vmem_shared>>
          %dma_wait3A_676 = tpu.memref_slice %arg13[%dma_wait3A_665] : memref<5x!tpu.dma_semaphore, #tpu.memory_space<semaphore_mem>> -> memref<1x!tpu.dma_semaphore, #tpu.memory_space<semaphore_mem>>
          %dma_wait3A_677 = tpu.memref_squeeze %dma_wait3A_676 : memref<1x!tpu.dma_semaphore, #tpu.memory_space<semaphore_mem>> -> memref<!tpu.dma_semaphore, #tpu.memory_space<semaphore_mem>>
          tpu.wait_indirect_dma semaphore(%dma_wait3A_677 : memref<!tpu.dma_semaphore, #tpu.memory_space<semaphore_mem>>) src(%dma_wait3A_669 : memref<125x64xf32, #tpu.memory_space<vmem>>) dst(%dma_wait3A_675 : memref<20000x64xf32, #tpu.memory_space<vmem_shared>>)
        } else {
        }
        %mul3A_361 = arith.constant 5 : i32
        %mul3A_362 = arith.muli %scan3A_328, %mul3A_361 : i32
        %add3A_363 = arith.constant 1 : i32
        %add3A_364 = arith.addi %mul3A_362, %add3A_363 : i32
        %dma_start3A_365 = arith.constant 1 : i32
        %dma_start3A_366 = arith.constant 1 : i32
        %dma_start3A_367 = arith.constant 1 : i32
        %dma_start3A_368 = arith.constant 0 : i32
        %dma_start3A_369 = arith.constant 0 : i32
        %dma_start3A_370 = tpu.memref_slice %arg9[%dma_start3A_366, %dma_start3A_368, %dma_start3A_369] : memref<5x125x64xf32, #tpu.memory_space<vmem>> -> memref<1x125x64xf32, #tpu.memory_space<vmem>>
        %dma_start3A_371 = tpu.memref_squeeze %dma_start3A_370 : memref<1x125x64xf32, #tpu.memory_space<vmem>> -> memref<125x64xf32, #tpu.memory_space<vmem>>
        %dma_start3A_372 = arith.constant 0 : i32
        %dma_start3A_373 = tpu.memref_slice %arg7[%dma_start3A_365, %add3A_364, %dma_start3A_372] : memref<2x10x125xi32, #tpu.memory_space<vmem>> -> memref<1x1x125xi32, #tpu.memory_space<vmem>>
        %dma_start3A_374 = tpu.memref_squeeze %dma_start3A_373 : memref<1x1x125xi32, #tpu.memory_space<vmem>> -> memref<125xi32, #tpu.memory_space<vmem>>
        %dma_start3A_375 = arith.constant 0 : i32
        %dma_start3A_376 = arith.constant 0 : i32
        %dma_start3A_377 = tpu.memref_slice %arg2[%arg0, %dma_start3A_375, %dma_start3A_376] : memref<2x20000x64xf32, #tpu.memory_space<hbm>> -> memref<1x20000x64xf32, #tpu.memory_space<hbm>>
        %dma_start3A_378 = tpu.memref_squeeze %dma_start3A_377 : memref<1x20000x64xf32, #tpu.memory_space<hbm>> -> memref<20000x64xf32, #tpu.memory_space<hbm>>
        %dma_start3A_379 = arith.constant 0 : i32
        %dma_start3A_380 = arith.constant 0 : i32
        %dma_start3A_381 = tpu.memref_slice %dma_start3A_378[%dma_start3A_379, %dma_start3A_380] : memref<20000x64xf32, #tpu.memory_space<hbm>> -> memref<20000x64xf32, #tpu.memory_space<hbm>>
        %dma_start3A_382 = tpu.memref_slice %arg12[%dma_start3A_367] : memref<5x!tpu.dma_semaphore, #tpu.memory_space<semaphore_mem>> -> memref<1x!tpu.dma_semaphore, #tpu.memory_space<semaphore_mem>>
        %dma_start3A_383 = tpu.memref_squeeze %dma_start3A_382 : memref<1x!tpu.dma_semaphore, #tpu.memory_space<semaphore_mem>> -> memref<!tpu.dma_semaphore, #tpu.memory_space<semaphore_mem>>
        tpu.enqueue_indirect_dma source(%dma_start3A_381 : memref<20000x64xf32, #tpu.memory_space<hbm>>) target(%dma_start3A_371 : memref<125x64xf32, #tpu.memory_space<vmem>>) offsets(%dma_start3A_374 : memref<125xi32, #tpu.memory_space<vmem>>) semaphore(%dma_start3A_383 : memref<!tpu.dma_semaphore, #tpu.memory_space<semaphore_mem>>)
        %gt3A_384 = arith.constant 0 : i32
        %gt3A_385 = arith.cmpi sgt, %scan3A_328, %gt3A_384 : i32
        %convert_element_type3A_386 = arith.extui %gt3A_385 : i1 to i32
        %cond3A_387 = arith.constant 0 : i32
        %cond3A_388 = arith.cmpi ne, %convert_element_type3A_386, %cond3A_387 : i32
        scf.if %cond3A_388 {
          %sub3A = arith.constant 1 : i32
          %sub3A_658 = arith.subi %scan3A_328, %sub3A : i32
          %mul3A_659 = arith.constant 5 : i32
          %mul3A_660 = arith.muli %sub3A_658, %mul3A_659 : i32
          %add3A_661 = arith.constant 2 : i32
          %add3A_662 = arith.addi %mul3A_660, %add3A_661 : i32
          %dma_wait3A_663 = arith.constant 2 : i32
          %dma_wait3A_664 = arith.constant 1 : i32
          %dma_wait3A_665 = arith.constant 2 : i32
          %dma_wait3A_666 = arith.constant 0 : i32
          %dma_wait3A_667 = arith.constant 0 : i32
          %dma_wait3A_668 = tpu.memref_slice %arg9[%dma_wait3A_663, %dma_wait3A_666, %dma_wait3A_667] : memref<5x125x64xf32, #tpu.memory_space<vmem>> -> memref<1x125x64xf32, #tpu.memory_space<vmem>>
          %dma_wait3A_669 = tpu.memref_squeeze %dma_wait3A_668 : memref<1x125x64xf32, #tpu.memory_space<vmem>> -> memref<125x64xf32, #tpu.memory_space<vmem>>
          %dma_wait3A_670 = arith.constant 0 : i32
          %dma_wait3A_671 = tpu.memref_slice %arg8[%dma_wait3A_664, %add3A_662, %dma_wait3A_670] : memref<2x10x125xi32, #tpu.memory_space<vmem>> -> memref<1x1x125xi32, #tpu.memory_space<vmem>>
          %dma_wait3A_672 = tpu.memref_squeeze %dma_wait3A_671 : memref<1x1x125xi32, #tpu.memory_space<vmem>> -> memref<125xi32, #tpu.memory_space<vmem>>
          %dma_wait3A_673 = arith.constant 0 : i32
          %dma_wait3A_674 = arith.constant 0 : i32
          %dma_wait3A_675 = tpu.memref_slice %arg10[%dma_wait3A_673, %dma_wait3A_674] : memref<20000x64xf32, #tpu.memory_space<vmem_shared>> -> memref<20000x64xf32, #tpu.memory_space<vmem_shared>>
          %dma_wait3A_676 = tpu.memref_slice %arg13[%dma_wait3A_665] : memref<5x!tpu.dma_semaphore, #tpu.memory_space<semaphore_mem>> -> memref<1x!tpu.dma_semaphore, #tpu.memory_space<semaphore_mem>>
          %dma_wait3A_677 = tpu.memref_squeeze %dma_wait3A_676 : memref<1x!tpu.dma_semaphore, #tpu.memory_space<semaphore_mem>> -> memref<!tpu.dma_semaphore, #tpu.memory_space<semaphore_mem>>
          tpu.wait_indirect_dma semaphore(%dma_wait3A_677 : memref<!tpu.dma_semaphore, #tpu.memory_space<semaphore_mem>>) src(%dma_wait3A_669 : memref<125x64xf32, #tpu.memory_space<vmem>>) dst(%dma_wait3A_675 : memref<20000x64xf32, #tpu.memory_space<vmem_shared>>)
        } else {
        }
        %mul3A_389 = arith.constant 5 : i32
        %mul3A_390 = arith.muli %scan3A_328, %mul3A_389 : i32
        %add3A_391 = arith.constant 2 : i32
        %add3A_392 = arith.addi %mul3A_390, %add3A_391 : i32
        %dma_start3A_393 = arith.constant 1 : i32
        %dma_start3A_394 = arith.constant 2 : i32
        %dma_start3A_395 = arith.constant 2 : i32
        %dma_start3A_396 = arith.constant 0 : i32
        %dma_start3A_397 = arith.constant 0 : i32
        %dma_start3A_398 = tpu.memref_slice %arg9[%dma_start3A_394, %dma_start3A_396, %dma_start3A_397] : memref<5x125x64xf32, #tpu.memory_space<vmem>> -> memref<1x125x64xf32, #tpu.memory_space<vmem>>
        %dma_start3A_399 = tpu.memref_squeeze %dma_start3A_398 : memref<1x125x64xf32, #tpu.memory_space<vmem>> -> memref<125x64xf32, #tpu.memory_space<vmem>>
        %dma_start3A_400 = arith.constant 0 : i32
        %dma_start3A_401 = tpu.memref_slice %arg7[%dma_start3A_393, %add3A_392, %dma_start3A_400] : memref<2x10x125xi32, #tpu.memory_space<vmem>> -> memref<1x1x125xi32, #tpu.memory_space<vmem>>
        %dma_start3A_402 = tpu.memref_squeeze %dma_start3A_401 : memref<1x1x125xi32, #tpu.memory_space<vmem>> -> memref<125xi32, #tpu.memory_space<vmem>>
        %dma_start3A_403 = arith.constant 0 : i32
        %dma_start3A_404 = arith.constant 0 : i32
        %dma_start3A_405 = tpu.memref_slice %arg2[%arg0, %dma_start3A_403, %dma_start3A_404] : memref<2x20000x64xf32, #tpu.memory_space<hbm>> -> memref<1x20000x64xf32, #tpu.memory_space<hbm>>
        %dma_start3A_406 = tpu.memref_squeeze %dma_start3A_405 : memref<1x20000x64xf32, #tpu.memory_space<hbm>> -> memref<20000x64xf32, #tpu.memory_space<hbm>>
        %dma_start3A_407 = arith.constant 0 : i32
        %dma_start3A_408 = arith.constant 0 : i32
        %dma_start3A_409 = tpu.memref_slice %dma_start3A_406[%dma_start3A_407, %dma_start3A_408] : memref<20000x64xf32, #tpu.memory_space<hbm>> -> memref<20000x64xf32, #tpu.memory_space<hbm>>
        %dma_start3A_410 = tpu.memref_slice %arg12[%dma_start3A_395] : memref<5x!tpu.dma_semaphore, #tpu.memory_space<semaphore_mem>> -> memref<1x!tpu.dma_semaphore, #tpu.memory_space<semaphore_mem>>
        %dma_start3A_411 = tpu.memref_squeeze %dma_start3A_410 : memref<1x!tpu.dma_semaphore, #tpu.memory_space<semaphore_mem>> -> memref<!tpu.dma_semaphore, #tpu.memory_space<semaphore_mem>>
        tpu.enqueue_indirect_dma source(%dma_start3A_409 : memref<20000x64xf32, #tpu.memory_space<hbm>>) target(%dma_start3A_399 : memref<125x64xf32, #tpu.memory_space<vmem>>) offsets(%dma_start3A_402 : memref<125xi32, #tpu.memory_space<vmem>>) semaphore(%dma_start3A_411 : memref<!tpu.dma_semaphore, #tpu.memory_space<semaphore_mem>>)
        %gt3A_412 = arith.constant 0 : i32
        %gt3A_413 = arith.cmpi sgt, %scan3A_328, %gt3A_412 : i32
        %convert_element_type3A_414 = arith.extui %gt3A_413 : i1 to i32
        %cond3A_415 = arith.constant 0 : i32
        %cond3A_416 = arith.cmpi ne, %convert_element_type3A_414, %cond3A_415 : i32
        scf.if %cond3A_416 {
          %sub3A = arith.constant 1 : i32
          %sub3A_658 = arith.subi %scan3A_328, %sub3A : i32
          %mul3A_659 = arith.constant 5 : i32
          %mul3A_660 = arith.muli %sub3A_658, %mul3A_659 : i32
          %add3A_661 = arith.constant 3 : i32
          %add3A_662 = arith.addi %mul3A_660, %add3A_661 : i32
          %dma_wait3A_663 = arith.constant 3 : i32
          %dma_wait3A_664 = arith.constant 1 : i32
          %dma_wait3A_665 = arith.constant 3 : i32
          %dma_wait3A_666 = arith.constant 0 : i32
          %dma_wait3A_667 = arith.constant 0 : i32
          %dma_wait3A_668 = tpu.memref_slice %arg9[%dma_wait3A_663, %dma_wait3A_666, %dma_wait3A_667] : memref<5x125x64xf32, #tpu.memory_space<vmem>> -> memref<1x125x64xf32, #tpu.memory_space<vmem>>
          %dma_wait3A_669 = tpu.memref_squeeze %dma_wait3A_668 : memref<1x125x64xf32, #tpu.memory_space<vmem>> -> memref<125x64xf32, #tpu.memory_space<vmem>>
          %dma_wait3A_670 = arith.constant 0 : i32
          %dma_wait3A_671 = tpu.memref_slice %arg8[%dma_wait3A_664, %add3A_662, %dma_wait3A_670] : memref<2x10x125xi32, #tpu.memory_space<vmem>> -> memref<1x1x125xi32, #tpu.memory_space<vmem>>
          %dma_wait3A_672 = tpu.memref_squeeze %dma_wait3A_671 : memref<1x1x125xi32, #tpu.memory_space<vmem>> -> memref<125xi32, #tpu.memory_space<vmem>>
          %dma_wait3A_673 = arith.constant 0 : i32
          %dma_wait3A_674 = arith.constant 0 : i32
          %dma_wait3A_675 = tpu.memref_slice %arg10[%dma_wait3A_673, %dma_wait3A_674] : memref<20000x64xf32, #tpu.memory_space<vmem_shared>> -> memref<20000x64xf32, #tpu.memory_space<vmem_shared>>
          %dma_wait3A_676 = tpu.memref_slice %arg13[%dma_wait3A_665] : memref<5x!tpu.dma_semaphore, #tpu.memory_space<semaphore_mem>> -> memref<1x!tpu.dma_semaphore, #tpu.memory_space<semaphore_mem>>
          %dma_wait3A_677 = tpu.memref_squeeze %dma_wait3A_676 : memref<1x!tpu.dma_semaphore, #tpu.memory_space<semaphore_mem>> -> memref<!tpu.dma_semaphore, #tpu.memory_space<semaphore_mem>>
          tpu.wait_indirect_dma semaphore(%dma_wait3A_677 : memref<!tpu.dma_semaphore, #tpu.memory_space<semaphore_mem>>) src(%dma_wait3A_669 : memref<125x64xf32, #tpu.memory_space<vmem>>) dst(%dma_wait3A_675 : memref<20000x64xf32, #tpu.memory_space<vmem_shared>>)
        } else {
        }
        %mul3A_417 = arith.constant 5 : i32
        %mul3A_418 = arith.muli %scan3A_328, %mul3A_417 : i32
        %add3A_419 = arith.constant 3 : i32
        %add3A_420 = arith.addi %mul3A_418, %add3A_419 : i32
        %dma_start3A_421 = arith.constant 1 : i32
        %dma_start3A_422 = arith.constant 3 : i32
        %dma_start3A_423 = arith.constant 3 : i32
        %dma_start3A_424 = arith.constant 0 : i32
        %dma_start3A_425 = arith.constant 0 : i32
        %dma_start3A_426 = tpu.memref_slice %arg9[%dma_start3A_422, %dma_start3A_424, %dma_start3A_425] : memref<5x125x64xf32, #tpu.memory_space<vmem>> -> memref<1x125x64xf32, #tpu.memory_space<vmem>>
        %dma_start3A_427 = tpu.memref_squeeze %dma_start3A_426 : memref<1x125x64xf32, #tpu.memory_space<vmem>> -> memref<125x64xf32, #tpu.memory_space<vmem>>
        %dma_start3A_428 = arith.constant 0 : i32
        %dma_start3A_429 = tpu.memref_slice %arg7[%dma_start3A_421, %add3A_420, %dma_start3A_428] : memref<2x10x125xi32, #tpu.memory_space<vmem>> -> memref<1x1x125xi32, #tpu.memory_space<vmem>>
        %dma_start3A_430 = tpu.memref_squeeze %dma_start3A_429 : memref<1x1x125xi32, #tpu.memory_space<vmem>> -> memref<125xi32, #tpu.memory_space<vmem>>
        %dma_start3A_431 = arith.constant 0 : i32
        %dma_start3A_432 = arith.constant 0 : i32
        %dma_start3A_433 = tpu.memref_slice %arg2[%arg0, %dma_start3A_431, %dma_start3A_432] : memref<2x20000x64xf32, #tpu.memory_space<hbm>> -> memref<1x20000x64xf32, #tpu.memory_space<hbm>>
        %dma_start3A_434 = tpu.memref_squeeze %dma_start3A_433 : memref<1x20000x64xf32, #tpu.memory_space<hbm>> -> memref<20000x64xf32, #tpu.memory_space<hbm>>
        %dma_start3A_435 = arith.constant 0 : i32
        %dma_start3A_436 = arith.constant 0 : i32
        %dma_start3A_437 = tpu.memref_slice %dma_start3A_434[%dma_start3A_435, %dma_start3A_436] : memref<20000x64xf32, #tpu.memory_space<hbm>> -> memref<20000x64xf32, #tpu.memory_space<hbm>>
        %dma_start3A_438 = tpu.memref_slice %arg12[%dma_start3A_423] : memref<5x!tpu.dma_semaphore, #tpu.memory_space<semaphore_mem>> -> memref<1x!tpu.dma_semaphore, #tpu.memory_space<semaphore_mem>>
        %dma_start3A_439 = tpu.memref_squeeze %dma_start3A_438 : memref<1x!tpu.dma_semaphore, #tpu.memory_space<semaphore_mem>> -> memref<!tpu.dma_semaphore, #tpu.memory_space<semaphore_mem>>
        tpu.enqueue_indirect_dma source(%dma_start3A_437 : memref<20000x64xf32, #tpu.memory_space<hbm>>) target(%dma_start3A_427 : memref<125x64xf32, #tpu.memory_space<vmem>>) offsets(%dma_start3A_430 : memref<125xi32, #tpu.memory_space<vmem>>) semaphore(%dma_start3A_439 : memref<!tpu.dma_semaphore, #tpu.memory_space<semaphore_mem>>)
        %gt3A_440 = arith.constant 0 : i32
        %gt3A_441 = arith.cmpi sgt, %scan3A_328, %gt3A_440 : i32
        %convert_element_type3A_442 = arith.extui %gt3A_441 : i1 to i32
        %cond3A_443 = arith.constant 0 : i32
        %cond3A_444 = arith.cmpi ne, %convert_element_type3A_442, %cond3A_443 : i32
        scf.if %cond3A_444 {
          %sub3A = arith.constant 1 : i32
          %sub3A_658 = arith.subi %scan3A_328, %sub3A : i32
          %mul3A_659 = arith.constant 5 : i32
          %mul3A_660 = arith.muli %sub3A_658, %mul3A_659 : i32
          %add3A_661 = arith.constant 4 : i32
          %add3A_662 = arith.addi %mul3A_660, %add3A_661 : i32
          %dma_wait3A_663 = arith.constant 4 : i32
          %dma_wait3A_664 = arith.constant 1 : i32
          %dma_wait3A_665 = arith.constant 4 : i32
          %dma_wait3A_666 = arith.constant 0 : i32
          %dma_wait3A_667 = arith.constant 0 : i32
          %dma_wait3A_668 = tpu.memref_slice %arg9[%dma_wait3A_663, %dma_wait3A_666, %dma_wait3A_667] : memref<5x125x64xf32, #tpu.memory_space<vmem>> -> memref<1x125x64xf32, #tpu.memory_space<vmem>>
          %dma_wait3A_669 = tpu.memref_squeeze %dma_wait3A_668 : memref<1x125x64xf32, #tpu.memory_space<vmem>> -> memref<125x64xf32, #tpu.memory_space<vmem>>
          %dma_wait3A_670 = arith.constant 0 : i32
          %dma_wait3A_671 = tpu.memref_slice %arg8[%dma_wait3A_664, %add3A_662, %dma_wait3A_670] : memref<2x10x125xi32, #tpu.memory_space<vmem>> -> memref<1x1x125xi32, #tpu.memory_space<vmem>>
          %dma_wait3A_672 = tpu.memref_squeeze %dma_wait3A_671 : memref<1x1x125xi32, #tpu.memory_space<vmem>> -> memref<125xi32, #tpu.memory_space<vmem>>
          %dma_wait3A_673 = arith.constant 0 : i32
          %dma_wait3A_674 = arith.constant 0 : i32
          %dma_wait3A_675 = tpu.memref_slice %arg10[%dma_wait3A_673, %dma_wait3A_674] : memref<20000x64xf32, #tpu.memory_space<vmem_shared>> -> memref<20000x64xf32, #tpu.memory_space<vmem_shared>>
          %dma_wait3A_676 = tpu.memref_slice %arg13[%dma_wait3A_665] : memref<5x!tpu.dma_semaphore, #tpu.memory_space<semaphore_mem>> -> memref<1x!tpu.dma_semaphore, #tpu.memory_space<semaphore_mem>>
          %dma_wait3A_677 = tpu.memref_squeeze %dma_wait3A_676 : memref<1x!tpu.dma_semaphore, #tpu.memory_space<semaphore_mem>> -> memref<!tpu.dma_semaphore, #tpu.memory_space<semaphore_mem>>
          tpu.wait_indirect_dma semaphore(%dma_wait3A_677 : memref<!tpu.dma_semaphore, #tpu.memory_space<semaphore_mem>>) src(%dma_wait3A_669 : memref<125x64xf32, #tpu.memory_space<vmem>>) dst(%dma_wait3A_675 : memref<20000x64xf32, #tpu.memory_space<vmem_shared>>)
        } else {
        }
        %mul3A_445 = arith.constant 5 : i32
        %mul3A_446 = arith.muli %scan3A_328, %mul3A_445 : i32
        %add3A_447 = arith.constant 4 : i32
        %add3A_448 = arith.addi %mul3A_446, %add3A_447 : i32
        %dma_start3A_449 = arith.constant 1 : i32
        %dma_start3A_450 = arith.constant 4 : i32
        %dma_start3A_451 = arith.constant 4 : i32
        %dma_start3A_452 = arith.constant 0 : i32
        %dma_start3A_453 = arith.constant 0 : i32
        %dma_start3A_454 = tpu.memref_slice %arg9[%dma_start3A_450, %dma_start3A_452, %dma_start3A_453] : memref<5x125x64xf32, #tpu.memory_space<vmem>> -> memref<1x125x64xf32, #tpu.memory_space<vmem>>
        %dma_start3A_455 = tpu.memref_squeeze %dma_start3A_454 : memref<1x125x64xf32, #tpu.memory_space<vmem>> -> memref<125x64xf32, #tpu.memory_space<vmem>>
        %dma_start3A_456 = arith.constant 0 : i32
        %dma_start3A_457 = tpu.memref_slice %arg7[%dma_start3A_449, %add3A_448, %dma_start3A_456] : memref<2x10x125xi32, #tpu.memory_space<vmem>> -> memref<1x1x125xi32, #tpu.memory_space<vmem>>
        %dma_start3A_458 = tpu.memref_squeeze %dma_start3A_457 : memref<1x1x125xi32, #tpu.memory_space<vmem>> -> memref<125xi32, #tpu.memory_space<vmem>>
        %dma_start3A_459 = arith.constant 0 : i32
        %dma_start3A_460 = arith.constant 0 : i32
        %dma_start3A_461 = tpu.memref_slice %arg2[%arg0, %dma_start3A_459, %dma_start3A_460] : memref<2x20000x64xf32, #tpu.memory_space<hbm>> -> memref<1x20000x64xf32, #tpu.memory_space<hbm>>
        %dma_start3A_462 = tpu.memref_squeeze %dma_start3A_461 : memref<1x20000x64xf32, #tpu.memory_space<hbm>> -> memref<20000x64xf32, #tpu.memory_space<hbm>>
        %dma_start3A_463 = arith.constant 0 : i32
        %dma_start3A_464 = arith.constant 0 : i32
        %dma_start3A_465 = tpu.memref_slice %dma_start3A_462[%dma_start3A_463, %dma_start3A_464] : memref<20000x64xf32, #tpu.memory_space<hbm>> -> memref<20000x64xf32, #tpu.memory_space<hbm>>
        %dma_start3A_466 = tpu.memref_slice %arg12[%dma_start3A_451] : memref<5x!tpu.dma_semaphore, #tpu.memory_space<semaphore_mem>> -> memref<1x!tpu.dma_semaphore, #tpu.memory_space<semaphore_mem>>
        %dma_start3A_467 = tpu.memref_squeeze %dma_start3A_466 : memref<1x!tpu.dma_semaphore, #tpu.memory_space<semaphore_mem>> -> memref<!tpu.dma_semaphore, #tpu.memory_space<semaphore_mem>>
        tpu.enqueue_indirect_dma source(%dma_start3A_465 : memref<20000x64xf32, #tpu.memory_space<hbm>>) target(%dma_start3A_455 : memref<125x64xf32, #tpu.memory_space<vmem>>) offsets(%dma_start3A_458 : memref<125xi32, #tpu.memory_space<vmem>>) semaphore(%dma_start3A_467 : memref<!tpu.dma_semaphore, #tpu.memory_space<semaphore_mem>>)
        %mul3A_468 = arith.constant 5 : i32
        %mul3A_469 = arith.muli %scan3A_328, %mul3A_468 : i32
        %add3A_470 = arith.constant 0 : i32
        %add3A_471 = arith.addi %mul3A_469, %add3A_470 : i32
        %dma_wait3A_472 = arith.constant 1 : i32
        %dma_wait3A_473 = arith.constant 0 : i32
        %dma_wait3A_474 = arith.constant 0 : i32
        %dma_wait3A_475 = arith.constant 0 : i32
        %dma_wait3A_476 = arith.constant 0 : i32
        %dma_wait3A_477 = tpu.memref_slice %arg9[%dma_wait3A_473, %dma_wait3A_475, %dma_wait3A_476] : memref<5x125x64xf32, #tpu.memory_space<vmem>> -> memref<1x125x64xf32, #tpu.memory_space<vmem>>
        %dma_wait3A_478 = tpu.memref_squeeze %dma_wait3A_477 : memref<1x125x64xf32, #tpu.memory_space<vmem>> -> memref<125x64xf32, #tpu.memory_space<vmem>>
        %dma_wait3A_479 = arith.constant 0 : i32
        %dma_wait3A_480 = tpu.memref_slice %arg7[%dma_wait3A_472, %add3A_471, %dma_wait3A_479] : memref<2x10x125xi32, #tpu.memory_space<vmem>> -> memref<1x1x125xi32, #tpu.memory_space<vmem>>
        %dma_wait3A_481 = tpu.memref_squeeze %dma_wait3A_480 : memref<1x1x125xi32, #tpu.memory_space<vmem>> -> memref<125xi32, #tpu.memory_space<vmem>>
        %dma_wait3A_482 = arith.constant 0 : i32
        %dma_wait3A_483 = arith.constant 0 : i32
        %dma_wait3A_484 = tpu.memref_slice %arg2[%arg0, %dma_wait3A_482, %dma_wait3A_483] : memref<2x20000x64xf32, #tpu.memory_space<hbm>> -> memref<1x20000x64xf32, #tpu.memory_space<hbm>>
        %dma_wait3A_485 = tpu.memref_squeeze %dma_wait3A_484 : memref<1x20000x64xf32, #tpu.memory_space<hbm>> -> memref<20000x64xf32, #tpu.memory_space<hbm>>
        %dma_wait3A_486 = arith.constant 0 : i32
        %dma_wait3A_487 = arith.constant 0 : i32
        %dma_wait3A_488 = tpu.memref_slice %dma_wait3A_485[%dma_wait3A_486, %dma_wait3A_487] : memref<20000x64xf32, #tpu.memory_space<hbm>> -> memref<20000x64xf32, #tpu.memory_space<hbm>>
        %dma_wait3A_489 = tpu.memref_slice %arg12[%dma_wait3A_474] : memref<5x!tpu.dma_semaphore, #tpu.memory_space<semaphore_mem>> -> memref<1x!tpu.dma_semaphore, #tpu.memory_space<semaphore_mem>>
        %dma_wait3A_490 = tpu.memref_squeeze %dma_wait3A_489 : memref<1x!tpu.dma_semaphore, #tpu.memory_space<semaphore_mem>> -> memref<!tpu.dma_semaphore, #tpu.memory_space<semaphore_mem>>
        tpu.wait_indirect_dma semaphore(%dma_wait3A_490 : memref<!tpu.dma_semaphore, #tpu.memory_space<semaphore_mem>>) src(%dma_wait3A_488 : memref<20000x64xf32, #tpu.memory_space<hbm>>) dst(%dma_wait3A_478 : memref<125x64xf32, #tpu.memory_space<vmem>>)
        %dma_start3A_491 = arith.constant 0 : i32
        %dma_start3A_492 = arith.constant 1 : i32
        %dma_start3A_493 = arith.constant 0 : i32
        %dma_start3A_494 = arith.constant 0 : i32
        %dma_start3A_495 = arith.constant 0 : i32
        %dma_start3A_496 = tpu.memref_slice %arg9[%dma_start3A_491, %dma_start3A_494, %dma_start3A_495] : memref<5x125x64xf32, #tpu.memory_space<vmem>> -> memref<1x125x64xf32, #tpu.memory_space<vmem>>
        %dma_start3A_497 = tpu.memref_squeeze %dma_start3A_496 : memref<1x125x64xf32, #tpu.memory_space<vmem>> -> memref<125x64xf32, #tpu.memory_space<vmem>>
        %dma_start3A_498 = arith.constant 0 : i32
        %dma_start3A_499 = tpu.memref_slice %arg8[%dma_start3A_492, %add3A_471, %dma_start3A_498] : memref<2x10x125xi32, #tpu.memory_space<vmem>> -> memref<1x1x125xi32, #tpu.memory_space<vmem>>
        %dma_start3A_500 = tpu.memref_squeeze %dma_start3A_499 : memref<1x1x125xi32, #tpu.memory_space<vmem>> -> memref<125xi32, #tpu.memory_space<vmem>>
        %dma_start3A_501 = arith.constant 0 : i32
        %dma_start3A_502 = arith.constant 0 : i32
        %dma_start3A_503 = tpu.memref_slice %arg10[%dma_start3A_501, %dma_start3A_502] : memref<20000x64xf32, #tpu.memory_space<vmem_shared>> -> memref<20000x64xf32, #tpu.memory_space<vmem_shared>>
        %dma_start3A_504 = tpu.memref_slice %arg13[%dma_start3A_493] : memref<5x!tpu.dma_semaphore, #tpu.memory_space<semaphore_mem>> -> memref<1x!tpu.dma_semaphore, #tpu.memory_space<semaphore_mem>>
        %dma_start3A_505 = tpu.memref_squeeze %dma_start3A_504 : memref<1x!tpu.dma_semaphore, #tpu.memory_space<semaphore_mem>> -> memref<!tpu.dma_semaphore, #tpu.memory_space<semaphore_mem>>
        tpu.enqueue_indirect_dma source(%dma_start3A_497 : memref<125x64xf32, #tpu.memory_space<vmem>>) target(%dma_start3A_503 : memref<20000x64xf32, #tpu.memory_space<vmem_shared>>) offsets(%dma_start3A_500 : memref<125xi32, #tpu.memory_space<vmem>>) semaphore(%dma_start3A_505 : memref<!tpu.dma_semaphore, #tpu.memory_space<semaphore_mem>>) {add = true}
        %mul3A_506 = arith.constant 5 : i32
        %mul3A_507 = arith.muli %scan3A_328, %mul3A_506 : i32
        %add3A_508 = arith.constant 1 : i32
        %add3A_509 = arith.addi %mul3A_507, %add3A_508 : i32
        %dma_wait3A_510 = arith.constant 1 : i32
        %dma_wait3A_511 = arith.constant 1 : i32
        %dma_wait3A_512 = arith.constant 1 : i32
        %dma_wait3A_513 = arith.constant 0 : i32
        %dma_wait3A_514 = arith.constant 0 : i32
        %dma_wait3A_515 = tpu.memref_slice %arg9[%dma_wait3A_511, %dma_wait3A_513, %dma_wait3A_514] : memref<5x125x64xf32, #tpu.memory_space<vmem>> -> memref<1x125x64xf32, #tpu.memory_space<vmem>>
        %dma_wait3A_516 = tpu.memref_squeeze %dma_wait3A_515 : memref<1x125x64xf32, #tpu.memory_space<vmem>> -> memref<125x64xf32, #tpu.memory_space<vmem>>
        %dma_wait3A_517 = arith.constant 0 : i32
        %dma_wait3A_518 = tpu.memref_slice %arg7[%dma_wait3A_510, %add3A_509, %dma_wait3A_517] : memref<2x10x125xi32, #tpu.memory_space<vmem>> -> memref<1x1x125xi32, #tpu.memory_space<vmem>>
        %dma_wait3A_519 = tpu.memref_squeeze %dma_wait3A_518 : memref<1x1x125xi32, #tpu.memory_space<vmem>> -> memref<125xi32, #tpu.memory_space<vmem>>
        %dma_wait3A_520 = arith.constant 0 : i32
        %dma_wait3A_521 = arith.constant 0 : i32
        %dma_wait3A_522 = tpu.memref_slice %arg2[%arg0, %dma_wait3A_520, %dma_wait3A_521] : memref<2x20000x64xf32, #tpu.memory_space<hbm>> -> memref<1x20000x64xf32, #tpu.memory_space<hbm>>
        %dma_wait3A_523 = tpu.memref_squeeze %dma_wait3A_522 : memref<1x20000x64xf32, #tpu.memory_space<hbm>> -> memref<20000x64xf32, #tpu.memory_space<hbm>>
        %dma_wait3A_524 = arith.constant 0 : i32
        %dma_wait3A_525 = arith.constant 0 : i32
        %dma_wait3A_526 = tpu.memref_slice %dma_wait3A_523[%dma_wait3A_524, %dma_wait3A_525] : memref<20000x64xf32, #tpu.memory_space<hbm>> -> memref<20000x64xf32, #tpu.memory_space<hbm>>
        %dma_wait3A_527 = tpu.memref_slice %arg12[%dma_wait3A_512] : memref<5x!tpu.dma_semaphore, #tpu.memory_space<semaphore_mem>> -> memref<1x!tpu.dma_semaphore, #tpu.memory_space<semaphore_mem>>
        %dma_wait3A_528 = tpu.memref_squeeze %dma_wait3A_527 : memref<1x!tpu.dma_semaphore, #tpu.memory_space<semaphore_mem>> -> memref<!tpu.dma_semaphore, #tpu.memory_space<semaphore_mem>>
        tpu.wait_indirect_dma semaphore(%dma_wait3A_528 : memref<!tpu.dma_semaphore, #tpu.memory_space<semaphore_mem>>) src(%dma_wait3A_526 : memref<20000x64xf32, #tpu.memory_space<hbm>>) dst(%dma_wait3A_516 : memref<125x64xf32, #tpu.memory_space<vmem>>)
        %dma_start3A_529 = arith.constant 1 : i32
        %dma_start3A_530 = arith.constant 1 : i32
        %dma_start3A_531 = arith.constant 1 : i32
        %dma_start3A_532 = arith.constant 0 : i32
        %dma_start3A_533 = arith.constant 0 : i32
        %dma_start3A_534 = tpu.memref_slice %arg9[%dma_start3A_529, %dma_start3A_532, %dma_start3A_533] : memref<5x125x64xf32, #tpu.memory_space<vmem>> -> memref<1x125x64xf32, #tpu.memory_space<vmem>>
        %dma_start3A_535 = tpu.memref_squeeze %dma_start3A_534 : memref<1x125x64xf32, #tpu.memory_space<vmem>> -> memref<125x64xf32, #tpu.memory_space<vmem>>
        %dma_start3A_536 = arith.constant 0 : i32
        %dma_start3A_537 = tpu.memref_slice %arg8[%dma_start3A_530, %add3A_509, %dma_start3A_536] : memref<2x10x125xi32, #tpu.memory_space<vmem>> -> memref<1x1x125xi32, #tpu.memory_space<vmem>>
        %dma_start3A_538 = tpu.memref_squeeze %dma_start3A_537 : memref<1x1x125xi32, #tpu.memory_space<vmem>> -> memref<125xi32, #tpu.memory_space<vmem>>
        %dma_start3A_539 = arith.constant 0 : i32
        %dma_start3A_540 = arith.constant 0 : i32
        %dma_start3A_541 = tpu.memref_slice %arg10[%dma_start3A_539, %dma_start3A_540] : memref<20000x64xf32, #tpu.memory_space<vmem_shared>> -> memref<20000x64xf32, #tpu.memory_space<vmem_shared>>
        %dma_start3A_542 = tpu.memref_slice %arg13[%dma_start3A_531] : memref<5x!tpu.dma_semaphore, #tpu.memory_space<semaphore_mem>> -> memref<1x!tpu.dma_semaphore, #tpu.memory_space<semaphore_mem>>
        %dma_start3A_543 = tpu.memref_squeeze %dma_start3A_542 : memref<1x!tpu.dma_semaphore, #tpu.memory_space<semaphore_mem>> -> memref<!tpu.dma_semaphore, #tpu.memory_space<semaphore_mem>>
        tpu.enqueue_indirect_dma source(%dma_start3A_535 : memref<125x64xf32, #tpu.memory_space<vmem>>) target(%dma_start3A_541 : memref<20000x64xf32, #tpu.memory_space<vmem_shared>>) offsets(%dma_start3A_538 : memref<125xi32, #tpu.memory_space<vmem>>) semaphore(%dma_start3A_543 : memref<!tpu.dma_semaphore, #tpu.memory_space<semaphore_mem>>) {add = true}
        %mul3A_544 = arith.constant 5 : i32
        %mul3A_545 = arith.muli %scan3A_328, %mul3A_544 : i32
        %add3A_546 = arith.constant 2 : i32
        %add3A_547 = arith.addi %mul3A_545, %add3A_546 : i32
        %dma_wait3A_548 = arith.constant 1 : i32
        %dma_wait3A_549 = arith.constant 2 : i32
        %dma_wait3A_550 = arith.constant 2 : i32
        %dma_wait3A_551 = arith.constant 0 : i32
        %dma_wait3A_552 = arith.constant 0 : i32
        %dma_wait3A_553 = tpu.memref_slice %arg9[%dma_wait3A_549, %dma_wait3A_551, %dma_wait3A_552] : memref<5x125x64xf32, #tpu.memory_space<vmem>> -> memref<1x125x64xf32, #tpu.memory_space<vmem>>
        %dma_wait3A_554 = tpu.memref_squeeze %dma_wait3A_553 : memref<1x125x64xf32, #tpu.memory_space<vmem>> -> memref<125x64xf32, #tpu.memory_space<vmem>>
        %dma_wait3A_555 = arith.constant 0 : i32
        %dma_wait3A_556 = tpu.memref_slice %arg7[%dma_wait3A_548, %add3A_547, %dma_wait3A_555] : memref<2x10x125xi32, #tpu.memory_space<vmem>> -> memref<1x1x125xi32, #tpu.memory_space<vmem>>
        %dma_wait3A_557 = tpu.memref_squeeze %dma_wait3A_556 : memref<1x1x125xi32, #tpu.memory_space<vmem>> -> memref<125xi32, #tpu.memory_space<vmem>>
        %dma_wait3A_558 = arith.constant 0 : i32
        %dma_wait3A_559 = arith.constant 0 : i32
        %dma_wait3A_560 = tpu.memref_slice %arg2[%arg0, %dma_wait3A_558, %dma_wait3A_559] : memref<2x20000x64xf32, #tpu.memory_space<hbm>> -> memref<1x20000x64xf32, #tpu.memory_space<hbm>>
        %dma_wait3A_561 = tpu.memref_squeeze %dma_wait3A_560 : memref<1x20000x64xf32, #tpu.memory_space<hbm>> -> memref<20000x64xf32, #tpu.memory_space<hbm>>
        %dma_wait3A_562 = arith.constant 0 : i32
        %dma_wait3A_563 = arith.constant 0 : i32
        %dma_wait3A_564 = tpu.memref_slice %dma_wait3A_561[%dma_wait3A_562, %dma_wait3A_563] : memref<20000x64xf32, #tpu.memory_space<hbm>> -> memref<20000x64xf32, #tpu.memory_space<hbm>>
        %dma_wait3A_565 = tpu.memref_slice %arg12[%dma_wait3A_550] : memref<5x!tpu.dma_semaphore, #tpu.memory_space<semaphore_mem>> -> memref<1x!tpu.dma_semaphore, #tpu.memory_space<semaphore_mem>>
        %dma_wait3A_566 = tpu.memref_squeeze %dma_wait3A_565 : memref<1x!tpu.dma_semaphore, #tpu.memory_space<semaphore_mem>> -> memref<!tpu.dma_semaphore, #tpu.memory_space<semaphore_mem>>
        tpu.wait_indirect_dma semaphore(%dma_wait3A_566 : memref<!tpu.dma_semaphore, #tpu.memory_space<semaphore_mem>>) src(%dma_wait3A_564 : memref<20000x64xf32, #tpu.memory_space<hbm>>) dst(%dma_wait3A_554 : memref<125x64xf32, #tpu.memory_space<vmem>>)
        %dma_start3A_567 = arith.constant 2 : i32
        %dma_start3A_568 = arith.constant 1 : i32
        %dma_start3A_569 = arith.constant 2 : i32
        %dma_start3A_570 = arith.constant 0 : i32
        %dma_start3A_571 = arith.constant 0 : i32
        %dma_start3A_572 = tpu.memref_slice %arg9[%dma_start3A_567, %dma_start3A_570, %dma_start3A_571] : memref<5x125x64xf32, #tpu.memory_space<vmem>> -> memref<1x125x64xf32, #tpu.memory_space<vmem>>
        %dma_start3A_573 = tpu.memref_squeeze %dma_start3A_572 : memref<1x125x64xf32, #tpu.memory_space<vmem>> -> memref<125x64xf32, #tpu.memory_space<vmem>>
        %dma_start3A_574 = arith.constant 0 : i32
        %dma_start3A_575 = tpu.memref_slice %arg8[%dma_start3A_568, %add3A_547, %dma_start3A_574] : memref<2x10x125xi32, #tpu.memory_space<vmem>> -> memref<1x1x125xi32, #tpu.memory_space<vmem>>
        %dma_start3A_576 = tpu.memref_squeeze %dma_start3A_575 : memref<1x1x125xi32, #tpu.memory_space<vmem>> -> memref<125xi32, #tpu.memory_space<vmem>>
        %dma_start3A_577 = arith.constant 0 : i32
        %dma_start3A_578 = arith.constant 0 : i32
        %dma_start3A_579 = tpu.memref_slice %arg10[%dma_start3A_577, %dma_start3A_578] : memref<20000x64xf32, #tpu.memory_space<vmem_shared>> -> memref<20000x64xf32, #tpu.memory_space<vmem_shared>>
        %dma_start3A_580 = tpu.memref_slice %arg13[%dma_start3A_569] : memref<5x!tpu.dma_semaphore, #tpu.memory_space<semaphore_mem>> -> memref<1x!tpu.dma_semaphore, #tpu.memory_space<semaphore_mem>>
        %dma_start3A_581 = tpu.memref_squeeze %dma_start3A_580 : memref<1x!tpu.dma_semaphore, #tpu.memory_space<semaphore_mem>> -> memref<!tpu.dma_semaphore, #tpu.memory_space<semaphore_mem>>
        tpu.enqueue_indirect_dma source(%dma_start3A_573 : memref<125x64xf32, #tpu.memory_space<vmem>>) target(%dma_start3A_579 : memref<20000x64xf32, #tpu.memory_space<vmem_shared>>) offsets(%dma_start3A_576 : memref<125xi32, #tpu.memory_space<vmem>>) semaphore(%dma_start3A_581 : memref<!tpu.dma_semaphore, #tpu.memory_space<semaphore_mem>>) {add = true}
        %mul3A_582 = arith.constant 5 : i32
        %mul3A_583 = arith.muli %scan3A_328, %mul3A_582 : i32
        %add3A_584 = arith.constant 3 : i32
        %add3A_585 = arith.addi %mul3A_583, %add3A_584 : i32
        %dma_wait3A_586 = arith.constant 1 : i32
        %dma_wait3A_587 = arith.constant 3 : i32
        %dma_wait3A_588 = arith.constant 3 : i32
        %dma_wait3A_589 = arith.constant 0 : i32
        %dma_wait3A_590 = arith.constant 0 : i32
        %dma_wait3A_591 = tpu.memref_slice %arg9[%dma_wait3A_587, %dma_wait3A_589, %dma_wait3A_590] : memref<5x125x64xf32, #tpu.memory_space<vmem>> -> memref<1x125x64xf32, #tpu.memory_space<vmem>>
        %dma_wait3A_592 = tpu.memref_squeeze %dma_wait3A_591 : memref<1x125x64xf32, #tpu.memory_space<vmem>> -> memref<125x64xf32, #tpu.memory_space<vmem>>
        %dma_wait3A_593 = arith.constant 0 : i32
        %dma_wait3A_594 = tpu.memref_slice %arg7[%dma_wait3A_586, %add3A_585, %dma_wait3A_593] : memref<2x10x125xi32, #tpu.memory_space<vmem>> -> memref<1x1x125xi32, #tpu.memory_space<vmem>>
        %dma_wait3A_595 = tpu.memref_squeeze %dma_wait3A_594 : memref<1x1x125xi32, #tpu.memory_space<vmem>> -> memref<125xi32, #tpu.memory_space<vmem>>
        %dma_wait3A_596 = arith.constant 0 : i32
        %dma_wait3A_597 = arith.constant 0 : i32
        %dma_wait3A_598 = tpu.memref_slice %arg2[%arg0, %dma_wait3A_596, %dma_wait3A_597] : memref<2x20000x64xf32, #tpu.memory_space<hbm>> -> memref<1x20000x64xf32, #tpu.memory_space<hbm>>
        %dma_wait3A_599 = tpu.memref_squeeze %dma_wait3A_598 : memref<1x20000x64xf32, #tpu.memory_space<hbm>> -> memref<20000x64xf32, #tpu.memory_space<hbm>>
        %dma_wait3A_600 = arith.constant 0 : i32
        %dma_wait3A_601 = arith.constant 0 : i32
        %dma_wait3A_602 = tpu.memref_slice %dma_wait3A_599[%dma_wait3A_600, %dma_wait3A_601] : memref<20000x64xf32, #tpu.memory_space<hbm>> -> memref<20000x64xf32, #tpu.memory_space<hbm>>
        %dma_wait3A_603 = tpu.memref_slice %arg12[%dma_wait3A_588] : memref<5x!tpu.dma_semaphore, #tpu.memory_space<semaphore_mem>> -> memref<1x!tpu.dma_semaphore, #tpu.memory_space<semaphore_mem>>
        %dma_wait3A_604 = tpu.memref_squeeze %dma_wait3A_603 : memref<1x!tpu.dma_semaphore, #tpu.memory_space<semaphore_mem>> -> memref<!tpu.dma_semaphore, #tpu.memory_space<semaphore_mem>>
        tpu.wait_indirect_dma semaphore(%dma_wait3A_604 : memref<!tpu.dma_semaphore, #tpu.memory_space<semaphore_mem>>) src(%dma_wait3A_602 : memref<20000x64xf32, #tpu.memory_space<hbm>>) dst(%dma_wait3A_592 : memref<125x64xf32, #tpu.memory_space<vmem>>)
        %dma_start3A_605 = arith.constant 3 : i32
        %dma_start3A_606 = arith.constant 1 : i32
        %dma_start3A_607 = arith.constant 3 : i32
        %dma_start3A_608 = arith.constant 0 : i32
        %dma_start3A_609 = arith.constant 0 : i32
        %dma_start3A_610 = tpu.memref_slice %arg9[%dma_start3A_605, %dma_start3A_608, %dma_start3A_609] : memref<5x125x64xf32, #tpu.memory_space<vmem>> -> memref<1x125x64xf32, #tpu.memory_space<vmem>>
        %dma_start3A_611 = tpu.memref_squeeze %dma_start3A_610 : memref<1x125x64xf32, #tpu.memory_space<vmem>> -> memref<125x64xf32, #tpu.memory_space<vmem>>
        %dma_start3A_612 = arith.constant 0 : i32
        %dma_start3A_613 = tpu.memref_slice %arg8[%dma_start3A_606, %add3A_585, %dma_start3A_612] : memref<2x10x125xi32, #tpu.memory_space<vmem>> -> memref<1x1x125xi32, #tpu.memory_space<vmem>>
        %dma_start3A_614 = tpu.memref_squeeze %dma_start3A_613 : memref<1x1x125xi32, #tpu.memory_space<vmem>> -> memref<125xi32, #tpu.memory_space<vmem>>
        %dma_start3A_615 = arith.constant 0 : i32
        %dma_start3A_616 = arith.constant 0 : i32
        %dma_start3A_617 = tpu.memref_slice %arg10[%dma_start3A_615, %dma_start3A_616] : memref<20000x64xf32, #tpu.memory_space<vmem_shared>> -> memref<20000x64xf32, #tpu.memory_space<vmem_shared>>
        %dma_start3A_618 = tpu.memref_slice %arg13[%dma_start3A_607] : memref<5x!tpu.dma_semaphore, #tpu.memory_space<semaphore_mem>> -> memref<1x!tpu.dma_semaphore, #tpu.memory_space<semaphore_mem>>
        %dma_start3A_619 = tpu.memref_squeeze %dma_start3A_618 : memref<1x!tpu.dma_semaphore, #tpu.memory_space<semaphore_mem>> -> memref<!tpu.dma_semaphore, #tpu.memory_space<semaphore_mem>>
        tpu.enqueue_indirect_dma source(%dma_start3A_611 : memref<125x64xf32, #tpu.memory_space<vmem>>) target(%dma_start3A_617 : memref<20000x64xf32, #tpu.memory_space<vmem_shared>>) offsets(%dma_start3A_614 : memref<125xi32, #tpu.memory_space<vmem>>) semaphore(%dma_start3A_619 : memref<!tpu.dma_semaphore, #tpu.memory_space<semaphore_mem>>) {add = true}
        %mul3A_620 = arith.constant 5 : i32
        %mul3A_621 = arith.muli %scan3A_328, %mul3A_620 : i32
        %add3A_622 = arith.constant 4 : i32
        %add3A_623 = arith.addi %mul3A_621, %add3A_622 : i32
        %dma_wait3A_624 = arith.constant 1 : i32
        %dma_wait3A_625 = arith.constant 4 : i32
        %dma_wait3A_626 = arith.constant 4 : i32
        %dma_wait3A_627 = arith.constant 0 : i32
        %dma_wait3A_628 = arith.constant 0 : i32
        %dma_wait3A_629 = tpu.memref_slice %arg9[%dma_wait3A_625, %dma_wait3A_627, %dma_wait3A_628] : memref<5x125x64xf32, #tpu.memory_space<vmem>> -> memref<1x125x64xf32, #tpu.memory_space<vmem>>
        %dma_wait3A_630 = tpu.memref_squeeze %dma_wait3A_629 : memref<1x125x64xf32, #tpu.memory_space<vmem>> -> memref<125x64xf32, #tpu.memory_space<vmem>>
        %dma_wait3A_631 = arith.constant 0 : i32
        %dma_wait3A_632 = tpu.memref_slice %arg7[%dma_wait3A_624, %add3A_623, %dma_wait3A_631] : memref<2x10x125xi32, #tpu.memory_space<vmem>> -> memref<1x1x125xi32, #tpu.memory_space<vmem>>
        %dma_wait3A_633 = tpu.memref_squeeze %dma_wait3A_632 : memref<1x1x125xi32, #tpu.memory_space<vmem>> -> memref<125xi32, #tpu.memory_space<vmem>>
        %dma_wait3A_634 = arith.constant 0 : i32
        %dma_wait3A_635 = arith.constant 0 : i32
        %dma_wait3A_636 = tpu.memref_slice %arg2[%arg0, %dma_wait3A_634, %dma_wait3A_635] : memref<2x20000x64xf32, #tpu.memory_space<hbm>> -> memref<1x20000x64xf32, #tpu.memory_space<hbm>>
        %dma_wait3A_637 = tpu.memref_squeeze %dma_wait3A_636 : memref<1x20000x64xf32, #tpu.memory_space<hbm>> -> memref<20000x64xf32, #tpu.memory_space<hbm>>
        %dma_wait3A_638 = arith.constant 0 : i32
        %dma_wait3A_639 = arith.constant 0 : i32
        %dma_wait3A_640 = tpu.memref_slice %dma_wait3A_637[%dma_wait3A_638, %dma_wait3A_639] : memref<20000x64xf32, #tpu.memory_space<hbm>> -> memref<20000x64xf32, #tpu.memory_space<hbm>>
        %dma_wait3A_641 = tpu.memref_slice %arg12[%dma_wait3A_626] : memref<5x!tpu.dma_semaphore, #tpu.memory_space<semaphore_mem>> -> memref<1x!tpu.dma_semaphore, #tpu.memory_space<semaphore_mem>>
        %dma_wait3A_642 = tpu.memref_squeeze %dma_wait3A_641 : memref<1x!tpu.dma_semaphore, #tpu.memory_space<semaphore_mem>> -> memref<!tpu.dma_semaphore, #tpu.memory_space<semaphore_mem>>
        tpu.wait_indirect_dma semaphore(%dma_wait3A_642 : memref<!tpu.dma_semaphore, #tpu.memory_space<semaphore_mem>>) src(%dma_wait3A_640 : memref<20000x64xf32, #tpu.memory_space<hbm>>) dst(%dma_wait3A_630 : memref<125x64xf32, #tpu.memory_space<vmem>>)
        %dma_start3A_643 = arith.constant 4 : i32
        %dma_start3A_644 = arith.constant 1 : i32
        %dma_start3A_645 = arith.constant 4 : i32
        %dma_start3A_646 = arith.constant 0 : i32
        %dma_start3A_647 = arith.constant 0 : i32
        %dma_start3A_648 = tpu.memref_slice %arg9[%dma_start3A_643, %dma_start3A_646, %dma_start3A_647] : memref<5x125x64xf32, #tpu.memory_space<vmem>> -> memref<1x125x64xf32, #tpu.memory_space<vmem>>
        %dma_start3A_649 = tpu.memref_squeeze %dma_start3A_648 : memref<1x125x64xf32, #tpu.memory_space<vmem>> -> memref<125x64xf32, #tpu.memory_space<vmem>>
        %dma_start3A_650 = arith.constant 0 : i32
        %dma_start3A_651 = tpu.memref_slice %arg8[%dma_start3A_644, %add3A_623, %dma_start3A_650] : memref<2x10x125xi32, #tpu.memory_space<vmem>> -> memref<1x1x125xi32, #tpu.memory_space<vmem>>
        %dma_start3A_652 = tpu.memref_squeeze %dma_start3A_651 : memref<1x1x125xi32, #tpu.memory_space<vmem>> -> memref<125xi32, #tpu.memory_space<vmem>>
        %dma_start3A_653 = arith.constant 0 : i32
        %dma_start3A_654 = arith.constant 0 : i32
        %dma_start3A_655 = tpu.memref_slice %arg10[%dma_start3A_653, %dma_start3A_654] : memref<20000x64xf32, #tpu.memory_space<vmem_shared>> -> memref<20000x64xf32, #tpu.memory_space<vmem_shared>>
        %dma_start3A_656 = tpu.memref_slice %arg13[%dma_start3A_645] : memref<5x!tpu.dma_semaphore, #tpu.memory_space<semaphore_mem>> -> memref<1x!tpu.dma_semaphore, #tpu.memory_space<semaphore_mem>>
        %dma_start3A_657 = tpu.memref_squeeze %dma_start3A_656 : memref<1x!tpu.dma_semaphore, #tpu.memory_space<semaphore_mem>> -> memref<!tpu.dma_semaphore, #tpu.memory_space<semaphore_mem>>
        tpu.enqueue_indirect_dma source(%dma_start3A_649 : memref<125x64xf32, #tpu.memory_space<vmem>>) target(%dma_start3A_655 : memref<20000x64xf32, #tpu.memory_space<vmem_shared>>) offsets(%dma_start3A_652 : memref<125xi32, #tpu.memory_space<vmem>>) semaphore(%dma_start3A_657 : memref<!tpu.dma_semaphore, #tpu.memory_space<semaphore_mem>>) {add = true}
      }
      %scan3A_247 = arith.constant 2 : i32
      %dma_wait3A_248 = arith.constant 0 : i32
      %dma_wait3A_249 = arith.constant 1 : i32
      %dma_wait3A_250 = arith.constant 5 : i32
      %dma_wait3A_251 = arith.constant 0 : i32
      %dma_wait3A_252 = arith.constant 0 : i32
      %dma_wait3A_253 = arith.constant 0 : i32
      %dma_wait3A_254 = tpu.memref_slice %arg9[%dma_wait3A_248, %dma_wait3A_252, %dma_wait3A_253] : memref<5x125x64xf32, #tpu.memory_space<vmem>> -> memref<1x125x64xf32, #tpu.memory_space<vmem>>
      %dma_wait3A_255 = tpu.memref_squeeze %dma_wait3A_254 : memref<1x125x64xf32, #tpu.memory_space<vmem>> -> memref<125x64xf32, #tpu.memory_space<vmem>>
      %dma_wait3A_256 = arith.constant 0 : i32
      %dma_wait3A_257 = tpu.memref_slice %arg8[%dma_wait3A_249, %dma_wait3A_250, %dma_wait3A_256] : memref<2x10x125xi32, #tpu.memory_space<vmem>> -> memref<1x1x125xi32, #tpu.memory_space<vmem>>
      %dma_wait3A_258 = tpu.memref_squeeze %dma_wait3A_257 : memref<1x1x125xi32, #tpu.memory_space<vmem>> -> memref<125xi32, #tpu.memory_space<vmem>>
      %dma_wait3A_259 = arith.constant 0 : i32
      %dma_wait3A_260 = arith.constant 0 : i32
      %dma_wait3A_261 = tpu.memref_slice %arg10[%dma_wait3A_259, %dma_wait3A_260] : memref<20000x64xf32, #tpu.memory_space<vmem_shared>> -> memref<20000x64xf32, #tpu.memory_space<vmem_shared>>
      %dma_wait3A_262 = tpu.memref_slice %arg13[%dma_wait3A_251] : memref<5x!tpu.dma_semaphore, #tpu.memory_space<semaphore_mem>> -> memref<1x!tpu.dma_semaphore, #tpu.memory_space<semaphore_mem>>
      %dma_wait3A_263 = tpu.memref_squeeze %dma_wait3A_262 : memref<1x!tpu.dma_semaphore, #tpu.memory_space<semaphore_mem>> -> memref<!tpu.dma_semaphore, #tpu.memory_space<semaphore_mem>>
      tpu.wait_indirect_dma semaphore(%dma_wait3A_263 : memref<!tpu.dma_semaphore, #tpu.memory_space<semaphore_mem>>) src(%dma_wait3A_255 : memref<125x64xf32, #tpu.memory_space<vmem>>) dst(%dma_wait3A_261 : memref<20000x64xf32, #tpu.memory_space<vmem_shared>>)
      %dma_wait3A_264 = arith.constant 1 : i32
      %dma_wait3A_265 = arith.constant 1 : i32
      %dma_wait3A_266 = arith.constant 6 : i32
      %dma_wait3A_267 = arith.constant 1 : i32
      %dma_wait3A_268 = arith.constant 0 : i32
      %dma_wait3A_269 = arith.constant 0 : i32
      %dma_wait3A_270 = tpu.memref_slice %arg9[%dma_wait3A_264, %dma_wait3A_268, %dma_wait3A_269] : memref<5x125x64xf32, #tpu.memory_space<vmem>> -> memref<1x125x64xf32, #tpu.memory_space<vmem>>
      %dma_wait3A_271 = tpu.memref_squeeze %dma_wait3A_270 : memref<1x125x64xf32, #tpu.memory_space<vmem>> -> memref<125x64xf32, #tpu.memory_space<vmem>>
      %dma_wait3A_272 = arith.constant 0 : i32
      %dma_wait3A_273 = tpu.memref_slice %arg8[%dma_wait3A_265, %dma_wait3A_266, %dma_wait3A_272] : memref<2x10x125xi32, #tpu.memory_space<vmem>> -> memref<1x1x125xi32, #tpu.memory_space<vmem>>
      %dma_wait3A_274 = tpu.memref_squeeze %dma_wait3A_273 : memref<1x1x125xi32, #tpu.memory_space<vmem>> -> memref<125xi32, #tpu.memory_space<vmem>>
      %dma_wait3A_275 = arith.constant 0 : i32
      %dma_wait3A_276 = arith.constant 0 : i32
      %dma_wait3A_277 = tpu.memref_slice %arg10[%dma_wait3A_275, %dma_wait3A_276] : memref<20000x64xf32, #tpu.memory_space<vmem_shared>> -> memref<20000x64xf32, #tpu.memory_space<vmem_shared>>
      %dma_wait3A_278 = tpu.memref_slice %arg13[%dma_wait3A_267] : memref<5x!tpu.dma_semaphore, #tpu.memory_space<semaphore_mem>> -> memref<1x!tpu.dma_semaphore, #tpu.memory_space<semaphore_mem>>
      %dma_wait3A_279 = tpu.memref_squeeze %dma_wait3A_278 : memref<1x!tpu.dma_semaphore, #tpu.memory_space<semaphore_mem>> -> memref<!tpu.dma_semaphore, #tpu.memory_space<semaphore_mem>>
      tpu.wait_indirect_dma semaphore(%dma_wait3A_279 : memref<!tpu.dma_semaphore, #tpu.memory_space<semaphore_mem>>) src(%dma_wait3A_271 : memref<125x64xf32, #tpu.memory_space<vmem>>) dst(%dma_wait3A_277 : memref<20000x64xf32, #tpu.memory_space<vmem_shared>>)
      %dma_wait3A_280 = arith.constant 2 : i32
      %dma_wait3A_281 = arith.constant 1 : i32
      %dma_wait3A_282 = arith.constant 7 : i32
      %dma_wait3A_283 = arith.constant 2 : i32
      %dma_wait3A_284 = arith.constant 0 : i32
      %dma_wait3A_285 = arith.constant 0 : i32
      %dma_wait3A_286 = tpu.memref_slice %arg9[%dma_wait3A_280, %dma_wait3A_284, %dma_wait3A_285] : memref<5x125x64xf32, #tpu.memory_space<vmem>> -> memref<1x125x64xf32, #tpu.memory_space<vmem>>
      %dma_wait3A_287 = tpu.memref_squeeze %dma_wait3A_286 : memref<1x125x64xf32, #tpu.memory_space<vmem>> -> memref<125x64xf32, #tpu.memory_space<vmem>>
      %dma_wait3A_288 = arith.constant 0 : i32
      %dma_wait3A_289 = tpu.memref_slice %arg8[%dma_wait3A_281, %dma_wait3A_282, %dma_wait3A_288] : memref<2x10x125xi32, #tpu.memory_space<vmem>> -> memref<1x1x125xi32, #tpu.memory_space<vmem>>
      %dma_wait3A_290 = tpu.memref_squeeze %dma_wait3A_289 : memref<1x1x125xi32, #tpu.memory_space<vmem>> -> memref<125xi32, #tpu.memory_space<vmem>>
      %dma_wait3A_291 = arith.constant 0 : i32
      %dma_wait3A_292 = arith.constant 0 : i32
      %dma_wait3A_293 = tpu.memref_slice %arg10[%dma_wait3A_291, %dma_wait3A_292] : memref<20000x64xf32, #tpu.memory_space<vmem_shared>> -> memref<20000x64xf32, #tpu.memory_space<vmem_shared>>
      %dma_wait3A_294 = tpu.memref_slice %arg13[%dma_wait3A_283] : memref<5x!tpu.dma_semaphore, #tpu.memory_space<semaphore_mem>> -> memref<1x!tpu.dma_semaphore, #tpu.memory_space<semaphore_mem>>
      %dma_wait3A_295 = tpu.memref_squeeze %dma_wait3A_294 : memref<1x!tpu.dma_semaphore, #tpu.memory_space<semaphore_mem>> -> memref<!tpu.dma_semaphore, #tpu.memory_space<semaphore_mem>>
      tpu.wait_indirect_dma semaphore(%dma_wait3A_295 : memref<!tpu.dma_semaphore, #tpu.memory_space<semaphore_mem>>) src(%dma_wait3A_287 : memref<125x64xf32, #tpu.memory_space<vmem>>) dst(%dma_wait3A_293 : memref<20000x64xf32, #tpu.memory_space<vmem_shared>>)
      %dma_wait3A_296 = arith.constant 3 : i32
      %dma_wait3A_297 = arith.constant 1 : i32
      %dma_wait3A_298 = arith.constant 8 : i32
      %dma_wait3A_299 = arith.constant 3 : i32
      %dma_wait3A_300 = arith.constant 0 : i32
      %dma_wait3A_301 = arith.constant 0 : i32
      %dma_wait3A_302 = tpu.memref_slice %arg9[%dma_wait3A_296, %dma_wait3A_300, %dma_wait3A_301] : memref<5x125x64xf32, #tpu.memory_space<vmem>> -> memref<1x125x64xf32, #tpu.memory_space<vmem>>
      %dma_wait3A_303 = tpu.memref_squeeze %dma_wait3A_302 : memref<1x125x64xf32, #tpu.memory_space<vmem>> -> memref<125x64xf32, #tpu.memory_space<vmem>>
      %dma_wait3A_304 = arith.constant 0 : i32
      %dma_wait3A_305 = tpu.memref_slice %arg8[%dma_wait3A_297, %dma_wait3A_298, %dma_wait3A_304] : memref<2x10x125xi32, #tpu.memory_space<vmem>> -> memref<1x1x125xi32, #tpu.memory_space<vmem>>
      %dma_wait3A_306 = tpu.memref_squeeze %dma_wait3A_305 : memref<1x1x125xi32, #tpu.memory_space<vmem>> -> memref<125xi32, #tpu.memory_space<vmem>>
      %dma_wait3A_307 = arith.constant 0 : i32
      %dma_wait3A_308 = arith.constant 0 : i32
      %dma_wait3A_309 = tpu.memref_slice %arg10[%dma_wait3A_307, %dma_wait3A_308] : memref<20000x64xf32, #tpu.memory_space<vmem_shared>> -> memref<20000x64xf32, #tpu.memory_space<vmem_shared>>
      %dma_wait3A_310 = tpu.memref_slice %arg13[%dma_wait3A_299] : memref<5x!tpu.dma_semaphore, #tpu.memory_space<semaphore_mem>> -> memref<1x!tpu.dma_semaphore, #tpu.memory_space<semaphore_mem>>
      %dma_wait3A_311 = tpu.memref_squeeze %dma_wait3A_310 : memref<1x!tpu.dma_semaphore, #tpu.memory_space<semaphore_mem>> -> memref<!tpu.dma_semaphore, #tpu.memory_space<semaphore_mem>>
      tpu.wait_indirect_dma semaphore(%dma_wait3A_311 : memref<!tpu.dma_semaphore, #tpu.memory_space<semaphore_mem>>) src(%dma_wait3A_303 : memref<125x64xf32, #tpu.memory_space<vmem>>) dst(%dma_wait3A_309 : memref<20000x64xf32, #tpu.memory_space<vmem_shared>>)
      %dma_wait3A_312 = arith.constant 4 : i32
      %dma_wait3A_313 = arith.constant 1 : i32
      %dma_wait3A_314 = arith.constant 9 : i32
      %dma_wait3A_315 = arith.constant 4 : i32
      %dma_wait3A_316 = arith.constant 0 : i32
      %dma_wait3A_317 = arith.constant 0 : i32
      %dma_wait3A_318 = tpu.memref_slice %arg9[%dma_wait3A_312, %dma_wait3A_316, %dma_wait3A_317] : memref<5x125x64xf32, #tpu.memory_space<vmem>> -> memref<1x125x64xf32, #tpu.memory_space<vmem>>
      %dma_wait3A_319 = tpu.memref_squeeze %dma_wait3A_318 : memref<1x125x64xf32, #tpu.memory_space<vmem>> -> memref<125x64xf32, #tpu.memory_space<vmem>>
      %dma_wait3A_320 = arith.constant 0 : i32
      %dma_wait3A_321 = tpu.memref_slice %arg8[%dma_wait3A_313, %dma_wait3A_314, %dma_wait3A_320] : memref<2x10x125xi32, #tpu.memory_space<vmem>> -> memref<1x1x125xi32, #tpu.memory_space<vmem>>
      %dma_wait3A_322 = tpu.memref_squeeze %dma_wait3A_321 : memref<1x1x125xi32, #tpu.memory_space<vmem>> -> memref<125xi32, #tpu.memory_space<vmem>>
      %dma_wait3A_323 = arith.constant 0 : i32
      %dma_wait3A_324 = arith.constant 0 : i32
      %dma_wait3A_325 = tpu.memref_slice %arg10[%dma_wait3A_323, %dma_wait3A_324] : memref<20000x64xf32, #tpu.memory_space<vmem_shared>> -> memref<20000x64xf32, #tpu.memory_space<vmem_shared>>
      %dma_wait3A_326 = tpu.memref_slice %arg13[%dma_wait3A_315] : memref<5x!tpu.dma_semaphore, #tpu.memory_space<semaphore_mem>> -> memref<1x!tpu.dma_semaphore, #tpu.memory_space<semaphore_mem>>
      %dma_wait3A_327 = tpu.memref_squeeze %dma_wait3A_326 : memref<1x!tpu.dma_semaphore, #tpu.memory_space<semaphore_mem>> -> memref<!tpu.dma_semaphore, #tpu.memory_space<semaphore_mem>>
      tpu.wait_indirect_dma semaphore(%dma_wait3A_327 : memref<!tpu.dma_semaphore, #tpu.memory_space<semaphore_mem>>) src(%dma_wait3A_319 : memref<125x64xf32, #tpu.memory_space<vmem>>) dst(%dma_wait3A_325 : memref<20000x64xf32, #tpu.memory_space<vmem_shared>>)
    }
    %scan3A_51 = arith.constant 16 : i32
    %barrier3A_52 = arith.constant 0 : index
    tpu.barrier barrier_id(%barrier3A_52)
    %mul3A_53 = arith.constant 1250 : i32
    %mul3A_54 = arith.muli %arg1, %mul3A_53 : i32
    %mul3A_55 = arith.constant 1250 : i32
    %mul3A_56 = arith.muli %arg1, %mul3A_55 : i32
    %mul3A_57 = arith.constant 64 : i32
    %mul3A_58 = arith.muli %arg0, %mul3A_57 : i32
    "tpu.region"() ({
      %run_scoped3A = tpu.sem_alloc : memref<!tpu.dma_semaphore, #tpu.memory_space<semaphore_mem>>
      %dma_start3A_59 = tpu.memref_slice %arg6[%mul3A_56, %mul3A_58] : memref<20000x128xf32, #tpu.memory_space<hbm>> -> memref<1250x64xf32, #tpu.memory_space<hbm>>
      %dma_start3A_60 = arith.constant 0 : i32
      %dma_start3A_61 = tpu.memref_slice %arg10[%mul3A_54, %dma_start3A_60] : memref<20000x64xf32, #tpu.memory_space<vmem_shared>> -> memref<1250x64xf32, #tpu.memory_space<vmem_shared>>
      tpu.enqueue_dma source(%dma_start3A_61 : memref<1250x64xf32, #tpu.memory_space<vmem_shared>>) target(%dma_start3A_59 : memref<1250x64xf32, #tpu.memory_space<hbm>>) target_semaphore(%run_scoped3A : memref<!tpu.dma_semaphore, #tpu.memory_space<semaphore_mem>>)
      %dma_wait3A_62 = tpu.memref_slice %arg6[%mul3A_56, %mul3A_58] : memref<20000x128xf32, #tpu.memory_space<hbm>> -> memref<1250x64xf32, #tpu.memory_space<hbm>>
      %dma_wait3A_63 = arith.constant 0 : i32
      %dma_wait3A_64 = tpu.memref_slice %arg10[%mul3A_54, %dma_wait3A_63] : memref<20000x64xf32, #tpu.memory_space<vmem_shared>> -> memref<1250x64xf32, #tpu.memory_space<vmem_shared>>
      tpu.wait_dma2 semaphore(%run_scoped3A : memref<!tpu.dma_semaphore, #tpu.memory_space<semaphore_mem>>) src(%dma_wait3A_64 : memref<1250x64xf32, #tpu.memory_space<vmem_shared>>) dst(%dma_wait3A_62 : memref<1250x64xf32, #tpu.memory_space<hbm>>)
      tpu.yield
    }) : () -> ()
    return
  }
}

module attributes {stable_mosaic.version = 14 : i64} {
  func.func @body(%arg0: i32, %arg1: memref<1x1000x128xf32, #tpu.memory_space<vmem>>, %arg2: memref<256x128xf32, #tpu.memory_space<vmem>>, %arg3: memref<1000x8xf32, #tpu.memory_space<vmem>>, %arg4: memref<4x1000x64xf32, #tpu.memory_space<vmem>>, %arg5: memref<1000x128xf32, #tpu.memory_space<vmem>>, %arg6: memref<1000x2xf32, #tpu.memory_space<vmem>>) attributes {dimension_semantics = [#tpu.dimension_semantics<arbitrary>], iteration_bounds = array<i64: 10>, scalar_prefetch = 0 : i64, scratch_operands = 0 : i64, tpu.core_type = #tpu.core_type<tc>, window_params = [{transform_indices = @transform_0, window_bounds = array<i64: 1, 1000, 128>}, {pipeline_mode = #tpu.pipeline_mode<synchronous>, transform_indices = @transform_1, window_bounds = array<i64: 256, 128>}, {transform_indices = @transform_2, window_bounds = array<i64: 1000, 8>}, {transform_indices = @transform_3, window_bounds = array<i64: 4, 1000, 64>}, {transform_indices = @transform_4, window_bounds = array<i64: 1000, 128>}, {transform_indices = @transform_5, window_bounds = array<i64: 1000, 2>}]} {
    %get3A = arith.constant 0 : index
    %get3A_0 = arith.constant 0 : index
    %get3A_1 = vector.load %arg3[%get3A, %get3A_0] : memref<1000x8xf32, #tpu.memory_space<vmem>>, vector<1000x8xf32>
    %slice3A = vector.extract_strided_slice %get3A_1 {offsets = [0, 0], sizes = [1000, 1], strides = [1, 1]} : vector<1000x8xf32> to vector<1000x1xf32>
    %squeeze3A = vector.shape_cast %slice3A : vector<1000x1xf32> to vector<1000xf32>
    %slice3A_2 = vector.extract_strided_slice %get3A_1 {offsets = [0, 4], sizes = [1000, 1], strides = [1, 1]} : vector<1000x8xf32> to vector<1000x1xf32>
    %squeeze3A_3 = vector.shape_cast %slice3A_2 : vector<1000x1xf32> to vector<1000xf32>
    %add3A = arith.addf %squeeze3A, %squeeze3A_3 : vector<1000xf32>
    %add3A_4 = arith.constant 2.000000e+00 : f32
    %add3A_5 = vector.broadcast %add3A_4 : f32 to vector<1000xf32>
    %add3A_6 = arith.addf %add3A, %add3A_5 : vector<1000xf32>
    %rsqrt3A = math.rsqrt %add3A_6 : vector<1000xf32>
    %slice3A_7 = vector.extract_strided_slice %get3A_1 {offsets = [0, 1], sizes = [1000, 1], strides = [1, 1]} : vector<1000x8xf32> to vector<1000x1xf32>
    %squeeze3A_8 = vector.shape_cast %slice3A_7 : vector<1000x1xf32> to vector<1000xf32>
    %slice3A_9 = vector.extract_strided_slice %get3A_1 {offsets = [0, 5], sizes = [1000, 1], strides = [1, 1]} : vector<1000x8xf32> to vector<1000x1xf32>
    %squeeze3A_10 = vector.shape_cast %slice3A_9 : vector<1000x1xf32> to vector<1000xf32>
    %add3A_11 = arith.addf %squeeze3A_8, %squeeze3A_10 : vector<1000xf32>
    %add3A_12 = arith.constant 2.000000e+00 : f32
    %add3A_13 = vector.broadcast %add3A_12 : f32 to vector<1000xf32>
    %add3A_14 = arith.addf %add3A_11, %add3A_13 : vector<1000xf32>
    %rsqrt3A_15 = math.rsqrt %add3A_14 : vector<1000xf32>
    %slice3A_16 = vector.extract_strided_slice %get3A_1 {offsets = [0, 2], sizes = [1000, 1], strides = [1, 1]} : vector<1000x8xf32> to vector<1000x1xf32>
    %squeeze3A_17 = vector.shape_cast %slice3A_16 : vector<1000x1xf32> to vector<1000xf32>
    %slice3A_18 = vector.extract_strided_slice %get3A_1 {offsets = [0, 6], sizes = [1000, 1], strides = [1, 1]} : vector<1000x8xf32> to vector<1000x1xf32>
    %squeeze3A_19 = vector.shape_cast %slice3A_18 : vector<1000x1xf32> to vector<1000xf32>
    %add3A_20 = arith.addf %squeeze3A_17, %squeeze3A_19 : vector<1000xf32>
    %add3A_21 = arith.constant 2.000000e+00 : f32
    %add3A_22 = vector.broadcast %add3A_21 : f32 to vector<1000xf32>
    %add3A_23 = arith.addf %add3A_20, %add3A_22 : vector<1000xf32>
    %rsqrt3A_24 = math.rsqrt %add3A_23 : vector<1000xf32>
    %slice3A_25 = vector.extract_strided_slice %get3A_1 {offsets = [0, 3], sizes = [1000, 1], strides = [1, 1]} : vector<1000x8xf32> to vector<1000x1xf32>
    %squeeze3A_26 = vector.shape_cast %slice3A_25 : vector<1000x1xf32> to vector<1000xf32>
    %slice3A_27 = vector.extract_strided_slice %get3A_1 {offsets = [0, 7], sizes = [1000, 1], strides = [1, 1]} : vector<1000x8xf32> to vector<1000x1xf32>
    %squeeze3A_28 = vector.shape_cast %slice3A_27 : vector<1000x1xf32> to vector<1000xf32>
    %add3A_29 = arith.addf %squeeze3A_26, %squeeze3A_28 : vector<1000xf32>
    %add3A_30 = arith.constant 2.000000e+00 : f32
    %add3A_31 = vector.broadcast %add3A_30 : f32 to vector<1000xf32>
    %add3A_32 = arith.addf %add3A_29, %add3A_31 : vector<1000xf32>
    %rsqrt3A_33 = math.rsqrt %add3A_32 : vector<1000xf32>
    %stack3A = vector.shape_cast %rsqrt3A_24 : vector<1000xf32> to vector<1000x1xf32>
    %stack3A_34 = vector.shape_cast %rsqrt3A_33 : vector<1000xf32> to vector<1000x1xf32>
    %stack3A_35 = tpu.concatenate %stack3A, %stack3A_34 in 1 : vector<1000x1xf32>, vector<1000x1xf32> -> vector<1000x2xf32>
    %swap3A = arith.constant 0 : index
    %swap3A_36 = arith.constant 0 : index
    %swap3A_37 = vector.load %arg6[%swap3A, %swap3A_36] : memref<1000x2xf32, #tpu.memory_space<vmem>>, vector<1000x2xf32>
    tpu.vector_store %arg6[%swap3A, %swap3A_36], %stack3A_35 {strides = array<i32>} : memref<1000x2xf32, #tpu.memory_space<vmem>>, vector<1000x2xf32>,
    %get3A_38 = arith.constant 0 : index
    %get3A_39 = arith.constant 0 : index
    %get3A_40 = arith.constant 0 : index
    %get3A_41 = vector.load %arg1[%get3A_38, %get3A_39, %get3A_40] : memref<1x1000x128xf32, #tpu.memory_space<vmem>>, vector<1x1000x128xf32>
    %get3A_42 = vector.shape_cast %get3A_41 : vector<1x1000x128xf32> to vector<1000x128xf32>
    %get3A_43 = arith.constant 0 : index
    %get3A_44 = arith.constant 0 : index
    %get3A_45 = vector.load %arg2[%get3A_43, %get3A_44] : memref<256x128xf32, #tpu.memory_space<vmem>>, vector<256x128xf32>
    %dot_general3A = arith.constant dense<0.000000e+00> : vector<1000x256xf32>
    %dot_general3A_46 = tpu.matmul %get3A_42, %get3A_45, %dot_general3A {dimension_numbers = #tpu.dot_dimension_numbers<[1], [1], [0], [0], [0, 0, 1, 0], [], []>, transpose_lhs_hint = false} : vector<1000x128xf32>, vector<256x128xf32>, vector<1000x256xf32> -> vector<1000x256xf32>
    %slice3A_47 = vector.extract_strided_slice %dot_general3A_46 {offsets = [0, 0], sizes = [1000, 128], strides = [1, 1]} : vector<1000x256xf32> to vector<1000x128xf32>
    %broadcast_in_dim3A = vector.shape_cast %rsqrt3A : vector<1000xf32> to vector<1000x1xf32>
    %mul3A = vector.broadcast %broadcast_in_dim3A : vector<1000x1xf32> to vector<1000x128xf32>
    %mul3A_48 = arith.mulf %slice3A_47, %mul3A : vector<1000x128xf32>
    %slice3A_49 = vector.extract_strided_slice %dot_general3A_46 {offsets = [0, 128], sizes = [1000, 128], strides = [1, 1]} : vector<1000x256xf32> to vector<1000x128xf32>
    %broadcast_in_dim3A_50 = vector.shape_cast %rsqrt3A_15 : vector<1000xf32> to vector<1000x1xf32>
    %mul3A_51 = vector.broadcast %broadcast_in_dim3A_50 : vector<1000x1xf32> to vector<1000x128xf32>
    %mul3A_52 = arith.mulf %slice3A_49, %mul3A_51 : vector<1000x128xf32>
    %add3A_53 = arith.addf %mul3A_48, %mul3A_52 : vector<1000x128xf32>
    %swap3A_54 = arith.constant 0 : index
    %swap3A_55 = arith.constant 0 : index
    %swap3A_56 = vector.load %arg5[%swap3A_54, %swap3A_55] : memref<1000x128xf32, #tpu.memory_space<vmem>>, vector<1000x128xf32>
    tpu.vector_store %arg5[%swap3A_54, %swap3A_55], %add3A_53 {strides = array<i32>} : memref<1000x128xf32, #tpu.memory_space<vmem>>, vector<1000x128xf32>,
    %slice3A_57 = vector.extract_strided_slice %mul3A_48 {offsets = [0, 0], sizes = [1000, 64], strides = [1, 1]} : vector<1000x128xf32> to vector<1000x64xf32>
    %swap3A_58 = arith.constant 0 : index
    %swap3A_59 = arith.constant 0 : index
    %swap3A_60 = arith.constant 0 : index
    %swap3A_61 = vector.load %arg4[%swap3A_58, %swap3A_59, %swap3A_60] : memref<4x1000x64xf32, #tpu.memory_space<vmem>>, vector<1x1000x64xf32>
    %swap3A_62 = vector.shape_cast %swap3A_61 : vector<1x1000x64xf32> to vector<1000x64xf32>
    %swap3A_63 = vector.shape_cast %slice3A_57 : vector<1000x64xf32> to vector<1x1000x64xf32>
    tpu.vector_store %arg4[%swap3A_58, %swap3A_59, %swap3A_60], %swap3A_63 {strides = array<i32>} : memref<4x1000x64xf32, #tpu.memory_space<vmem>>, vector<1x1000x64xf32>,
    %slice3A_64 = vector.extract_strided_slice %mul3A_52 {offsets = [0, 0], sizes = [1000, 64], strides = [1, 1]} : vector<1000x128xf32> to vector<1000x64xf32>
    %swap3A_65 = arith.constant 1 : index
    %swap3A_66 = arith.constant 0 : index
    %swap3A_67 = arith.constant 0 : index
    %swap3A_68 = vector.load %arg4[%swap3A_65, %swap3A_66, %swap3A_67] : memref<4x1000x64xf32, #tpu.memory_space<vmem>>, vector<1x1000x64xf32>
    %swap3A_69 = vector.shape_cast %swap3A_68 : vector<1x1000x64xf32> to vector<1000x64xf32>
    %swap3A_70 = vector.shape_cast %slice3A_64 : vector<1000x64xf32> to vector<1x1000x64xf32>
    tpu.vector_store %arg4[%swap3A_65, %swap3A_66, %swap3A_67], %swap3A_70 {strides = array<i32>} : memref<4x1000x64xf32, #tpu.memory_space<vmem>>, vector<1x1000x64xf32>,
    %slice3A_71 = vector.extract_strided_slice %mul3A_48 {offsets = [0, 64], sizes = [1000, 64], strides = [1, 1]} : vector<1000x128xf32> to vector<1000x64xf32>
    %swap3A_72 = arith.constant 2 : index
    %swap3A_73 = arith.constant 0 : index
    %swap3A_74 = arith.constant 0 : index
    %swap3A_75 = vector.load %arg4[%swap3A_72, %swap3A_73, %swap3A_74] : memref<4x1000x64xf32, #tpu.memory_space<vmem>>, vector<1x1000x64xf32>
    %swap3A_76 = vector.shape_cast %swap3A_75 : vector<1x1000x64xf32> to vector<1000x64xf32>
    %swap3A_77 = vector.shape_cast %slice3A_71 : vector<1000x64xf32> to vector<1x1000x64xf32>
    tpu.vector_store %arg4[%swap3A_72, %swap3A_73, %swap3A_74], %swap3A_77 {strides = array<i32>} : memref<4x1000x64xf32, #tpu.memory_space<vmem>>, vector<1x1000x64xf32>,
    %slice3A_78 = vector.extract_strided_slice %mul3A_52 {offsets = [0, 64], sizes = [1000, 64], strides = [1, 1]} : vector<1000x128xf32> to vector<1000x64xf32>
    %swap3A_79 = arith.constant 3 : index
    %swap3A_80 = arith.constant 0 : index
    %swap3A_81 = arith.constant 0 : index
    %swap3A_82 = vector.load %arg4[%swap3A_79, %swap3A_80, %swap3A_81] : memref<4x1000x64xf32, #tpu.memory_space<vmem>>, vector<1x1000x64xf32>
    %swap3A_83 = vector.shape_cast %swap3A_82 : vector<1x1000x64xf32> to vector<1000x64xf32>
    %swap3A_84 = vector.shape_cast %slice3A_78 : vector<1000x64xf32> to vector<1x1000x64xf32>
    tpu.vector_store %arg4[%swap3A_79, %swap3A_80, %swap3A_81], %swap3A_84 {strides = array<i32>} : memref<4x1000x64xf32, #tpu.memory_space<vmem>>, vector<1x1000x64xf32>,
    return
  }
  func.func @transform_0(%arg0: i32) -> (i32, i32, i32) {
    %c0_i32 = arith.constant 0 : i32
    %c0_i32_0 = arith.constant 0 : i32
    %c0_i32_1 = arith.constant 0 : i32
    return %c0_i32, %arg0, %c0_i32_0 : i32, i32, i32
  }
  func.func @transform_1(%arg0: i32) -> (i32, i32) {
    %c0_i32 = arith.constant 0 : i32
    %c0_i32_0 = arith.constant 0 : i32
    %c0_i32_1 = arith.constant 0 : i32
    return %c0_i32, %c0_i32_0 : i32, i32
  }
  func.func @transform_2(%arg0: i32) -> (i32, i32) {
    %c0_i32 = arith.constant 0 : i32
    %c0_i32_0 = arith.constant 0 : i32
    return %arg0, %c0_i32 : i32, i32
  }
  func.func @transform_3(%arg0: i32) -> (i32, i32, i32) {
    %c0_i32 = arith.constant 0 : i32
    %c0_i32_0 = arith.constant 0 : i32
    %c0_i32_1 = arith.constant 0 : i32
    return %c0_i32, %arg0, %c0_i32_0 : i32, i32, i32
  }
  func.func @transform_4(%arg0: i32) -> (i32, i32) {
    %c0_i32 = arith.constant 0 : i32
    %c0_i32_0 = arith.constant 0 : i32
    return %arg0, %c0_i32 : i32, i32
  }
  func.func @transform_5(%arg0: i32) -> (i32, i32) {
    %c0_i32 = arith.constant 0 : i32
    %c0_i32_0 = arith.constant 0 : i32
    return %arg0, %c0_i32 : i32, i32
  }
}

module attributes {stable_mosaic.version = 14 : i64} {
  func.func @body(%arg0: i32, %arg1: memref<1000x128xf32, #tpu.memory_space<vmem>>, %arg2: memref<1000x128xf32, #tpu.memory_space<vmem>>, %arg3: memref<1000x128xf32, #tpu.memory_space<vmem>>, %arg4: memref<1000x2xf32, #tpu.memory_space<vmem>>, %arg5: memref<2x128xf32, #tpu.memory_space<vmem>>, %arg6: memref<128x256xf32, #tpu.memory_space<vmem>>, %arg7: memref<1x1000x128xf32, #tpu.memory_space<vmem>>) attributes {dimension_semantics = [#tpu.dimension_semantics<arbitrary>], iteration_bounds = array<i64: 10>, scalar_prefetch = 0 : i64, scratch_operands = 0 : i64, tpu.core_type = #tpu.core_type<tc>, window_params = [{transform_indices = @transform_0, window_bounds = array<i64: 1000, 128>}, {transform_indices = @transform_1, window_bounds = array<i64: 1000, 128>}, {transform_indices = @transform_2, window_bounds = array<i64: 1000, 128>}, {transform_indices = @transform_3, window_bounds = array<i64: 1000, 2>}, {pipeline_mode = #tpu.pipeline_mode<synchronous>, transform_indices = @transform_4, window_bounds = array<i64: 2, 128>}, {pipeline_mode = #tpu.pipeline_mode<synchronous>, transform_indices = @transform_5, window_bounds = array<i64: 128, 256>}, {transform_indices = @transform_6, window_bounds = array<i64: 1, 1000, 128>}]} {
    %get3A = arith.constant 0 : index
    %get3A_0 = arith.constant 0 : index
    %get3A_1 = vector.load %arg3[%get3A, %get3A_0] : memref<1000x128xf32, #tpu.memory_space<vmem>>, vector<1000x128xf32>
    %get3A_2 = arith.constant 0 : index
    %get3A_3 = arith.constant 0 : index
    %get3A_4 = vector.load %arg1[%get3A_2, %get3A_3] : memref<1000x128xf32, #tpu.memory_space<vmem>>, vector<1000x128xf32>
    %add3A = arith.addf %get3A_4, %get3A_1 : vector<1000x128xf32>
    %get3A_5 = arith.constant 0 : index
    %get3A_6 = arith.constant 0 : index
    %get3A_7 = vector.load %arg2[%get3A_5, %get3A_6] : memref<1000x128xf32, #tpu.memory_space<vmem>>, vector<1000x128xf32>
    %add3A_8 = arith.addf %get3A_7, %get3A_1 : vector<1000x128xf32>
    %get3A_9 = arith.constant 0 : index
    %get3A_10 = arith.constant 0 : index
    %get3A_11 = vector.load %arg4[%get3A_9, %get3A_10] : memref<1000x2xf32, #tpu.memory_space<vmem>>, vector<1000x1xf32>
    %get3A_12 = vector.shape_cast %get3A_11 : vector<1000x1xf32> to vector<1000xf32>
    %get3A_13 = arith.constant 0 : index
    %get3A_14 = arith.constant 1 : index
    %get3A_15 = vector.load %arg4[%get3A_13, %get3A_14] : memref<1000x2xf32, #tpu.memory_space<vmem>>, vector<1000x1xf32>
    %get3A_16 = vector.shape_cast %get3A_15 : vector<1000x1xf32> to vector<1000xf32>
    %broadcast_in_dim3A = vector.shape_cast %get3A_12 : vector<1000xf32> to vector<1000x1xf32>
    %mul3A = vector.broadcast %broadcast_in_dim3A : vector<1000x1xf32> to vector<1000x128xf32>
    %mul3A_17 = arith.mulf %add3A, %mul3A : vector<1000x128xf32>
    %get3A_18 = arith.constant 0 : index
    %get3A_19 = arith.constant 0 : index
    %get3A_20 = vector.load %arg5[%get3A_18, %get3A_19] : memref<2x128xf32, #tpu.memory_space<vmem>>, vector<1x128xf32>
    %get3A_21 = vector.shape_cast %get3A_20 : vector<1x128xf32> to vector<128xf32>
    %broadcast_in_dim3A_22 = vector.shape_cast %get3A_21 : vector<128xf32> to vector<1x128xf32>
    %add3A_23 = vector.broadcast %broadcast_in_dim3A_22 : vector<1x128xf32> to vector<1000x128xf32>
    %add3A_24 = arith.addf %mul3A_17, %add3A_23 : vector<1000x128xf32>
    %broadcast_in_dim3A_25 = vector.shape_cast %get3A_16 : vector<1000xf32> to vector<1000x1xf32>
    %mul3A_26 = vector.broadcast %broadcast_in_dim3A_25 : vector<1000x1xf32> to vector<1000x128xf32>
    %mul3A_27 = arith.mulf %add3A_8, %mul3A_26 : vector<1000x128xf32>
    %get3A_28 = arith.constant 1 : index
    %get3A_29 = arith.constant 0 : index
    %get3A_30 = vector.load %arg5[%get3A_28, %get3A_29] : memref<2x128xf32, #tpu.memory_space<vmem>>, vector<1x128xf32>
    %get3A_31 = vector.shape_cast %get3A_30 : vector<1x128xf32> to vector<128xf32>
    %broadcast_in_dim3A_32 = vector.shape_cast %get3A_31 : vector<128xf32> to vector<1x128xf32>
    %add3A_33 = vector.broadcast %broadcast_in_dim3A_32 : vector<1x128xf32> to vector<1000x128xf32>
    %add3A_34 = arith.addf %mul3A_27, %add3A_33 : vector<1000x128xf32>
    %ge3A = arith.constant 0.000000e+00 : f32
    %ge3A_35 = vector.broadcast %ge3A : f32 to vector<1000x128xf32>
    %ge3A_36 = arith.cmpf oge, %add3A_24, %ge3A_35 : vector<1000x128xf32>
    %mul3A_37 = arith.constant 2.000000e-01 : f32
    %mul3A_38 = vector.broadcast %mul3A_37 : f32 to vector<1000x128xf32>
    %mul3A_39 = arith.mulf %mul3A_38, %add3A_24 : vector<1000x128xf32>
    %select_n3A = arith.select %ge3A_36, %add3A_24, %mul3A_39 : vector<1000x128xi1>, vector<1000x128xf32>
    %ge3A_40 = arith.constant 0.000000e+00 : f32
    %ge3A_41 = vector.broadcast %ge3A_40 : f32 to vector<1000x128xf32>
    %ge3A_42 = arith.cmpf oge, %add3A_34, %ge3A_41 : vector<1000x128xf32>
    %mul3A_43 = arith.constant 2.000000e-01 : f32
    %mul3A_44 = vector.broadcast %mul3A_43 : f32 to vector<1000x128xf32>
    %mul3A_45 = arith.mulf %mul3A_44, %add3A_34 : vector<1000x128xf32>
    %select_n3A_46 = arith.select %ge3A_42, %add3A_34, %mul3A_45 : vector<1000x128xi1>, vector<1000x128xf32>
    %concatenate3A = tpu.concatenate %select_n3A, %select_n3A_46 in 1 : vector<1000x128xf32>, vector<1000x128xf32> -> vector<1000x256xf32>
    %get3A_47 = arith.constant 0 : index
    %get3A_48 = arith.constant 0 : index
    %get3A_49 = vector.load %arg6[%get3A_47, %get3A_48] : memref<128x256xf32, #tpu.memory_space<vmem>>, vector<128x256xf32>
    %dot_general3A = arith.constant dense<0.000000e+00> : vector<1000x128xf32>
    %dot_general3A_50 = tpu.matmul %concatenate3A, %get3A_49, %dot_general3A {dimension_numbers = #tpu.dot_dimension_numbers<[1], [1], [0], [0], [0, 0, 1, 0], [], []>, transpose_lhs_hint = false} : vector<1000x256xf32>, vector<128x256xf32>, vector<1000x128xf32> -> vector<1000x128xf32>
    %swap3A = arith.constant 0 : index
    %swap3A_51 = arith.constant 0 : index
    %swap3A_52 = arith.constant 0 : index
    %swap3A_53 = vector.load %arg7[%swap3A, %swap3A_51, %swap3A_52] : memref<1x1000x128xf32, #tpu.memory_space<vmem>>, vector<1x1000x128xf32>
    %swap3A_54 = vector.shape_cast %swap3A_53 : vector<1x1000x128xf32> to vector<1000x128xf32>
    %swap3A_55 = vector.shape_cast %dot_general3A_50 : vector<1000x128xf32> to vector<1x1000x128xf32>
    tpu.vector_store %arg7[%swap3A, %swap3A_51, %swap3A_52], %swap3A_55 {strides = array<i32>} : memref<1x1000x128xf32, #tpu.memory_space<vmem>>, vector<1x1000x128xf32>,
    return
  }
  func.func @transform_0(%arg0: i32) -> (i32, i32) {
    %c0_i32 = arith.constant 0 : i32
    %c0_i32_0 = arith.constant 0 : i32
    return %arg0, %c0_i32 : i32, i32
  }
  func.func @transform_1(%arg0: i32) -> (i32, i32) {
    %add3A = arith.constant 10 : i32
    %add3A_0 = arith.addi %add3A, %arg0 : i32
    %c0_i32 = arith.constant 0 : i32
    %c0_i32_1 = arith.constant 0 : i32
    return %add3A_0, %c0_i32 : i32, i32
  }
  func.func @transform_2(%arg0: i32) -> (i32, i32) {
    %c0_i32 = arith.constant 0 : i32
    %c0_i32_0 = arith.constant 0 : i32
    return %arg0, %c0_i32 : i32, i32
  }
  func.func @transform_3(%arg0: i32) -> (i32, i32) {
    %c0_i32 = arith.constant 0 : i32
    %c0_i32_0 = arith.constant 0 : i32
    return %arg0, %c0_i32 : i32, i32
  }
  func.func @transform_4(%arg0: i32) -> (i32, i32) {
    %c0_i32 = arith.constant 0 : i32
    %c0_i32_0 = arith.constant 0 : i32
    %c0_i32_1 = arith.constant 0 : i32
    return %c0_i32, %c0_i32_0 : i32, i32
  }
  func.func @transform_5(%arg0: i32) -> (i32, i32) {
    %c0_i32 = arith.constant 0 : i32
    %c0_i32_0 = arith.constant 0 : i32
    %c0_i32_1 = arith.constant 0 : i32
    return %c0_i32, %c0_i32_0 : i32, i32
  }
  func.func @transform_6(%arg0: i32) -> (i32, i32, i32) {
    %c0_i32 = arith.constant 0 : i32
    %c0_i32_0 = arith.constant 0 : i32
    %c0_i32_1 = arith.constant 0 : i32
    return %c0_i32, %arg0, %c0_i32_0 : i32, i32, i32
  }
}

</mosaic_0001>

<sc_bundles>
// kernel: kernel.6.cloned.1.call-start
scs
__scs_entry_jumppad:
0x0: {  	(pc) =	sbr.rel $0x88, $3  }
0x1: {  	(tag) =	ssettag $0x0;
	lr =	simm.s32 $0x1  }
0x2: {  	[smem:$0x3F9B] =	sst lr;
	_ =	strace $0xD0000000  }
0x3: {  	_ = 	snop  }
0x4: {  	_ = 	snop  }
0x5: {  	_ = 	snop  }
0x6: {  	_ = 	snop  }
0x7: {  	_ = 	snop  }
__scs_overlays_trampoline_lowered:
0x8: {  	[smem:$0x3FAA] =	sst s0  }
0x9: {  	[smem:$0x3FAB] =	sst s1  }
0xa: {  	[smem:$0x3FAC] =	sst s2  }
0xb: {  	[smem:$0x3FAD] =	sst s3  }
0xc: {  	[smem:$0x3FAE] =	sst s4  }
0xd: {  	[smem:$0x3FAF] =	sst s5  }
0xe: {  	[smem:$0x3FB0] =	sst s6  }
0xf: {  	[smem:$0x3FB1] =	sst s7  }
0x10: {  	[smem:$0x3FB2] =	sst s8  }
0x11: {  	[smem:$0x3FB3] =	sst s9;
	s0 =	simm.s32 @!p0 $0x0  }
0x12: {  	s1 =	sld [smem:$0x3F99];
	s0 =	simm.s32 @p0 $0x1  }
0x13: {  	[smem:$0x3FB4] =	sst s0;
	s0 =	simm.s32 @!p1 $0x0  }
0x14: {  	s2 =	sld [smem:$0x3F98];
	s0 =	simm.s32 @p1 $0x1  }
0x15: {  	[smem:$0x3FB5] =	sst s0;
	s0 =	simm.s32 @!p2 $0x0  }
0x16: {  	s3 =	sld [smem:$0x3FDB];
	s0 =	simm.s32 @p2 $0x1  }
0x17: {  	s4 =	simm.s32 $0x1BF5;
	[smem:$0x3FB7] =	sst s0  }
0x18: {  	s0 =	sld [smem:$0x3F9A];
	_ =	swait.ge [sflag:s4], $0x0  }
0x19: {  	s7 =	sld [smem:$0x3F9B]  }
0x1a: {  	s8 =	sadd.s32 $0xFFFFE003, lr  }
0x1b: {  	s9 =	sadd.s32 $0xFFFFFEF7, lr;
	s5 =	simm.s32 $0xFFFFFFFF;
	p2 =	slt.u32 s8, $0xFFFFF086  }
0x1c: {  	p1 =	slt.u32 s9, $0xF7A;
	s5 =	simm.s32 @!p2 $0x0  }
0x1d: {  	s5 =	simm.s32 @p1 $0x1;
	p0 =	seq.s32 s7, s2  }
0x1e: {  	s7 =	smul.u32 @!p0 $0xF7A, s2;
	p2 =	seq.s32 @!p0 s5, $0x0  }
0x1f: {  	s9 =	smul.u32 $0xF7A, s1;
	s8 =	simm.s32 @!p0 $0x1BF5;
	p2 =	por !p2, p0  }
0x20: {  	[sflag:s8] =	ssyncset.s32 @!p0 $0xFFFFF086;
	s6 =	sadd.s32 @!p0 s3, s7;
	s7 =	simm.s32 @!p0 $0x108  }
0x21: {  	s3 =	sadd.s32 s3, s9;
	s6 =	sadd.s32 @!p0 $0x88, s6;
	s7 =	simm.s32 @p2 $0x1082  }
0x22: {  	[simem:s7], [sflag:s8] =	dma.local @!p0 [hbm:s6], $0xF7A  }
0x23: {  	s9 =	sor.u32 $0xD0000000, s2;
	s6 =	simm.s32 $0x108;
	_ =	swait.ge @!p0 [sflag:s8], $0x0  }
0x24: {  	s3 =	sadd.s32 $0x88, s3;
	s6 =	simm.s32 @!p1 $0x1082;
	[sflag:s4] =	ssyncset.s32 $0xFFFFF086  }
0x25: {  	[simem:s6], [sflag:s4] =	dma.local [hbm:s3], $0xF7A  }
0x26: {  	[smem:$0x3F9B] =	sst s1;
	(tag) =	ssettag s2;
	_ =	strace s9  }
0x27: {  	s1 =	sld [smem:$0x3FAB]  }
0x28: {  	s2 =	sld [smem:$0x3FAC]  }
0x29: {  	s4 =	sld [smem:$0x3FAE]  }
0x2a: {  	p0 =	seq.s32 s5, $0x0;
	s5 =	sld [smem:$0x3FAF]  }
0x2b: {  	s6 =	sld [smem:$0x3FB0]  }
0x2c: {  	s7 =	sld [smem:$0x3FB1]  }
0x2d: {  	s3 =	simm.s32 $0x108;
	s8 =	sld [smem:$0x3FB2]  }
0x2e: {  	s3 =	simm.s32 @!p0 $0x1082;
	s9 =	sld [smem:$0x3FB3]  }
0x2f: {  	lr =	sadd.s32 s0, s3;
	s0 =	sld [smem:$0x3FAA]  }
0x30: {  	s3 =	sld [smem:$0x3FAD]  }
0x31: {  	[smem:$0x3FB6] =	sst s10  }
0x32: {  	s10 =	sld [smem:$0x3FB4];
	_ =	sdelay $0x3  }
0x33: {  	p0 =	seq.s32 s10, $0x1;
	s10 =	sld [smem:$0x3FB6];
	_ =	sdelay $0x3  }
0x34: {  	[smem:$0x3FB6] =	sst s10  }
0x35: {  	s10 =	sld [smem:$0x3FB5];
	_ =	sdelay $0x3  }
0x36: {  	p1 =	seq.s32 s10, $0x1;
	s10 =	sld [smem:$0x3FB6];
	_ =	sdelay $0x3  }
0x37: {  	[smem:$0x3FB6] =	sst s10  }
0x38: {  	s10 =	sld [smem:$0x3FB7]  }
0x39: {  	_ = 	snop;
	(pc) =	sbr.ind lr, $3  }
0x3a: {  	_ = 	snop  }
0x3b: {  	_ = 	snop  }
0x3c: {  	p2 =	seq.s32 s10, $0x1;
	s10 =	sld [smem:$0x3FB6]  }
0x3d: {  	_ =	shalt  }
0x3e: {  	_ =	shalt  }
0x3f: {  	_ =	shalt  }
0x40: {  	_ =	shalt  }
0x41: {  	_ =	shalt  }
0x42: {  	_ =	shalt  }
0x43: {  	_ =	shalt  }
0x44: {  	_ =	shalt  }
0x45: {  	_ =	shalt  }
0x46: {  	_ =	shalt  }
0x47: {  	_ =	shalt  }
0x48: {  	_ =	shalt  }
0x49: {  	_ =	shalt  }
0x4a: {  	_ =	shalt  }
0x4b: {  	_ =	shalt  }
0x4c: {  	_ =	shalt  }
0x4d: {  	_ =	shalt  }
0x4e: {  	_ =	shalt  }
0x4f: {  	_ =	shalt  }
0x50: {  	_ =	shalt  }
0x51: {  	_ =	shalt  }
0x52: {  	_ =	shalt  }
0x53: {  	_ =	shalt  }
0x54: {  	_ =	shalt  }
0x55: {  	_ =	shalt  }
0x56: {  	_ =	shalt  }
0x57: {  	_ =	shalt  }
0x58: {  	_ =	shalt  }
0x59: {  	_ =	shalt  }
0x5a: {  	_ =	shalt  }
0x5b: {  	_ =	shalt  }
0x5c: {  	_ =	shalt  }
0x5d: {  	_ =	shalt  }
0x5e: {  	_ =	shalt  }
0x5f: {  	_ =	shalt  }
0x60: {  	_ =	shalt  }
0x61: {  	_ =	shalt  }
0x62: {  	_ =	shalt  }
0x63: {  	_ =	shalt  }
0x64: {  	_ =	shalt  }
0x65: {  	_ =	shalt  }
0x66: {  	_ =	shalt  }
0x67: {  	_ =	shalt  }
0x68: {  	_ =	shalt  }
0x69: {  	_ =	shalt  }
0x6a: {  	_ =	shalt  }
0x6b: {  	_ =	shalt  }
0x6c: {  	_ =	shalt  }
0x6d: {  	_ =	shalt  }
0x6e: {  	_ =	shalt  }
0x6f: {  	_ =	shalt  }
0x70: {  	_ =	shalt  }
0x71: {  	_ =	shalt  }
0x72: {  	_ =	shalt  }
0x73: {  	_ =	shalt  }
0x74: {  	_ =	shalt  }
0x75: {  	_ =	shalt  }
0x76: {  	_ =	shalt  }
0x77: {  	_ =	shalt  }
0x78: {  	_ =	shalt  }
0x79: {  	_ =	shalt  }
0x7a: {  	_ =	shalt  }
0x7b: {  	_ =	shalt  }
0x7c: {  	_ =	shalt  }
0x7d: {  	_ =	shalt  }
0x7e: {  	_ =	shalt  }
0x7f: {  	_ =	shalt  }
0x80: {  	_ =	shalt  }
0x81: {  	_ =	shalt  }
0x82: {  	_ =	shalt  }
0x83: {  	_ =	shalt  }
0x84: {  	_ =	shalt  }
0x85: {  	_ =	shalt  }
0x86: {  	_ =	shalt  }
0x87: {  	_ =	shalt  }
.Lfunc_end0:
.L_simem_size_0:
called_computation_lowered:
.L_overlay_start_0:
0x88: {  	s2 =	sld [smem:$0x3FD9]  }
0x89: {  	s3 =	sld [smem:$0x3FFE];
	_ =	sdelay $0x1  }
0x8a: {  	s1 =	srdreg.scid  }
0x8b: {  	s0 =	sand.u32 $0x1, s1  }
0x8c: {  	s17 =	sshll.u32 s0, $0xA;
	s2 =	sadd.s32 s3, s2  }
0x8d: {  	s2 =	sadd.s32 s2, s17  }
0x8e: {  	[smem:$0x3FC2] =	sst s2  }
0x8f: {  	_ = 	snop  }
0x90: {  	s2 =	sld [smem:$0x3FD0];
	(tm) =	ssettm $0x1  }
0x91: {  	s18 =	sld [smem:$0x3FFB];
	_ =	sdelay $0x3  }
0x92: {  	_ =	strace s18  }
0x93: {  	s3 =	sld [smem:$0x3FFC];
	_ =	sdelay $0x3  }
0x94: {  	_ =	strace s3  }
0x95: {  	s3 =	sld [smem:$0x3FFD];
	_ =	sdelay $0x3  }
0x96: {  	_ =	strace s3  }
0x97: {  	_ =	strace $0x8FFFFFFF  }
0x98: {  	s19 =	sld [smem:$0x3FDB];
	_ =	sdelay $0x1  }
0x99: {  	s4 =	simm.s32 $_scs_section_size  }
0x9a: {  	s5 =	simm.s32 $_size__tile_overlayer_lowered;
	s6 =	simm.s32 $_tile_overlayer_lowered  }
0x9b: {  	s22 =	simm.s32 $0x1BFF;
	s21 =	sshll.u32 s6, $0x1;
	s3 =	sadd.s32 s4, s19  }
0x9c: {  	s7 =	simm.s32 $0x0;
	s20 =	sshll.u32 s5, $0x1;
	s5 =	sadd.s32 s21, s3  }
0x9d: {  	[timem:s7], [sflag:s22] =	dma.local [hbm:s5], s20  }
0x9e: {  	_ =	swait.ge [sflag:s22], s20  }
0x9f: {  	s4 =	ssub.s32 $0x0, s20;
	[sflag:s22] =	ssyncset.done $0x0  }
0xa0: {  	[sflag:s22] =	ssyncadd.s32 s4;
	_ =	sdelay $0x1  }
0xa1: {  	s23 =	simm.s32 $0x1B8B  }
0xa2: {  	_ =	swait.ge [sflag:s23], $0x1  }
0xa3: {  	[sflag:s23] =	ssyncset.done $0x0  }
0xa4: {  	s25 =	simm.s32 $0x1B8E;
	s24 =	sld [smem:$0x3FFE];
	[sflag:s23] =	ssyncadd.s32 $0xFFFFFFFF  }
0xa5: {  	s26 =	simm.s32 $execute0_lowered;
	[smem:$0x3FD2] =	sst s25  }
0xa6: {  	s5 =	sshll.u32 s26, $0x1;
	_ =	strace $0x80000046;
	[dreg:$0x1] =	wrdreg $0xFFFFFFFF  }
0xa7: {  	s28 =	simm.s32 $_size_execute0_lowered;
	s3 =	sadd.s32 s3, s5;
	[dreg:$0x0] =	wrdreg $0x0  }
0xa8: {  	s5 =	sshll.u32 s28, $0x1;
	[dreg:$0x2] =	wrdreg s3  }
0xa9: {  	[dreg:$0x3] =	wrdreg s5  }
0xaa: {  	[dreg:$0x4] =	wrdreg $0xC0  }
0xab: {  	_ =	task [dreg:s7], $0x5FFFF  }
0xac: {  	[dreg:$0x1] =	wrdreg $0xFFFFFFFF  }
0xad: {  	[dreg:$0x0] =	wrdreg $0x60  }
0xae: {  	[dreg:$0x2] =	wrdreg s2  }
0xaf: {  	[dreg:$0x3] =	wrdreg s24  }
0xb0: {  	[dreg:$0x4] =	wrdreg $0x100800  }
0xb1: {  	[dreg:$0x5] =	wrdreg $0x105800  }
0xb2: {  	[dreg:$0x6] =	wrdreg $0x9  }
0xb3: {  	_ =	task.clear_ibuf [dreg:s7], $0x7FFFF;
	_ =	strace $0x90000046  }
0xb4: {  	s29 =	simm.s32 $0x9;
	_ =	strace $0x80000048  }
0xb5: {  	_ =	swait.ge [sflag:s29], $0x1  }
0xb6: {  	[sflag:s29] =	ssyncadd.s32 $0xFFFFFFFF  }
0xb7: {  	_ =	strace $0x90000048  }
0xb8: {  	_ =	sfence  }
0xb9: {  	s30 =	sld [smem:$0x0];
	_ =	sdelay $0x2  }
0xba: {  	s31 =	sshll.u32 s1, $0xD;
	s1 =	sshrl.u32 s1, $0x2  }
0xbb: {  	s3 =	sand.u32 $0x4000, s31;
	s1 =	sadd.s32 s1, s30  }
0xbc: {  	s0 =	sor.u32 s3, s0;
	s1 =	sshll.u32 s1, $0x11  }
0xbd: {  	s0 =	sor.u32 s1, s0  }
0xbe: {  	s0 =	sadd.s32 $0x8F2B, s0  }
0xbf: {  	[sflag:s0] =	ssyncadd.remote.s32 $0x1  }
0xc0: {  	_ =	sfence.sel $0xFFFF  }
0xc1: {  	[dreg:$0x0] =	wrdreg $0xFFFFFFFF;
	(pc) =	sbr.abs _section_cstart, $3  }
0xc2: {  	[dreg:$0x1] =	wrdreg $0xFFFFFFFF  }
0xc3: {  	_ =	task.clear_ibuf [dreg:s7], $0x2FFFF;
	_ =	strace $0x9FFFFFFF  }
0xc4: {  	(tm) =	ssettm $0x7FFFFFFF  }
0xc5: {  	_ =	shalt  }
tec
execute0_lowered:
.L_overlay_start_1:
0x0: {  	(tag) =	ssettag $0x1  }
0x1: {  	s0 =	rddreg [dreg:$0x0]  }
0x2: {  	s3 =	rddreg [dreg:$0x1]  }
0x3: {  	s1 =	rddreg [dreg:$0x2]  }
0x4: {  	s2 =	rddreg [dreg:$0x3];
	s4 =	simm.s32 $0x0;
	s5 =	srdreg.scid  }
0x5: {  	s12 =	stileid.u32;
	s14 =	simm.s32 $0x4;
	s16 =	simm.s32 $0x1  }
0x6: {  	s17 =	simm.s32 $0x50;
	s18 =	simm.s32 $0x10000;
	s28 =	simm.s32 $0x280  }
0x7: {  	s29 =	simm.s32 $0x8280;
	s30 =	simm.s32 $0x300;
	s31 =	simm.s32 $0x8300  }
0x8: {  	s19 =	simm.s32 $0x2;
	s20 =	simm.s32 $0x3;
	s21 =	simm.s32 $0x20  }
0x9: {  	s22 =	simm.s32 $0x10;
	s23 =	simm.s32 $0x0;
	[smem:$0x7FF] =	sst s4  }
0xa: {  	s5 =	sand.u32 $0x1, s5;
	s7 =	sshll.u32 s12, $0xD;
	s9 =	smul.u32 $0xA00, s12  }
0xb: {  	s10 =	smul.u32 $0x500, s12;
	s25 =	sshll.u32 s12, $0x6;
	s12 =	simm.s32 $0x8000  }
0xc: {  	s6 =	smul.u32 $0xA000, s5;
	s8 =	sshll.u32 s5, $0xC;
	_ =	strace $0x80000047  }
0xd: {  	s5 =	ssub.s32 $0x2, s5;
	s7 =	sor.u32 s8, s7;
	s24 =	sshrl.u32 s10, $0x3  }
0xe: {  	s11 =	sshrl.u32 s5, $0x1;
	s13 =	sadd.s32 s10, s1;
	s26 =	sadd.s32 s10, s2  }
0xf: {  	s8 =	sadd.s32 s7, s3;
	s6 =	sadd.s32 s9, s6;
	s9 =	sadd.s32 s24, s3  }
0x10: {  	s11 =	ssub.s32 s5, s11;
	s5 =	sadd.s32 s0, s7;
	s13 =	sshrl.u32 s13, $0x3  }
0x11: {  	s15 =	sshrl.u32 s26, $0x3;
	s26 =	simm.s32 $0x8200;
	s0 =	simm.s32 $0x380  }
0x12: {  	s6 =	sshrl.u32 s6, $0x3;
	s7 =	sadd.s32 $0x20C00, s9;
	s11 =	smax.u32 s11, $0x1  }
0x13: {  	s3 =	sadd.s32 s6, s3;
	s6 =	sadd.s32 $0xC00, s8;
	s8 =	sor.u32 $0x1C04, s25  }
0x14: {  	v0 =	vimm.f32 $1.000000000e+00;
	s9 =	sadd.s32 $0x21600, s3;
	s10 =	sadd.s32 $0x21610, s3;
	s3 =	simm.s32 $0x8380  }
.LBB2_1:
0x15: {  	[tilespmem:$0x10000] =	vst v0  }
0x16: {  	[tilespmem:$0x10010] =	vst v0  }
0x17: {  	[tilespmem:$0x10020] =	vst v0  }
0x18: {  	[tilespmem:$0x10030] =	vst v0  }
0x19: {  	[tilespmem:$0x10040] =	vst v0  }
0x1a: {  	[tilespmem:s4], [sflag:$0x1] =	stream.linear.gather [hbm4b:s5+s4], $0x7D00, $0x38;
	[tilespmem:$0x10A80] =	vst v63  }
0x1b: {  	_ = 	snop  }
0x1c: {  	[tilespmem:s12], [sflag:$0x1] =	stream.linear.gather [hbm4b:s6+s4], $0x7D00, $0x38;
	[tilespmem:$0x10A80] =	vst v63  }
0x1d: {  	[spmem:s13], [sflag:s8] =	dma.local [hbm:s7], $0xA0  }
0x1e: {  	_ =	swait.ge [sflag:s14], $0xA0  }
0x1f: {  	[sflag:s14] =	ssyncset.done $0x0  }
0x20: {  	[sflag:s14] =	ssyncadd.s32 $0xFFFFFF60  }
0x21: {  	[spmem:s15], [sflag:s8] =	dma.local [hbm:s7], $0xA0  }
0x22: {  	_ =	swait.ge [sflag:s14], $0xA0  }
0x23: {  	[sflag:s14] =	ssyncset.done $0x0  }
0x24: {  	[sflag:s14] =	ssyncadd.s32 $0xFFFFFF60  }
0x25: {  	_ =	swait.ge [sflag:s16], $0x7D00  }
0x26: {  	[sflag:s16] =	ssyncset.done $0x0  }
0x27: {  	[sflag:s16] =	ssyncadd.s32 $0xFFFF8300  }
0x28: {  	_ =	swait.ge [sflag:s16], $0x7D00  }
0x29: {  	[sflag:s16] =	ssyncset.done $0x0  }
0x2a: {  	[sflag:s16] =	ssyncadd.s32 $0xFFFF8300  }
0x2b: {  	[bflag:$0x0] =	sbarrier.arrive $0xFFFF  }
0x2c: {  	[spmem:s1] =	stream.indirect.scatter.add.f32 [tilespmem:s18], [sflag:$0x2], $0x1, s4, s17, $0xb8;
	[tilespmem:$0x10A80] =	vst v63  }
0x2d: {  	_ = 	snop  }
0x2e: {  	[spmem:s2] =	stream.indirect.scatter.add.f32 [tilespmem:s18], [sflag:$0x3], $0x1, s12, s17, $0xb8;
	[tilespmem:$0x10A80] =	vst v63  }
0x2f: {  	s24 =	simm.s32 $0x80  }
0x30: {  	[spmem:s1] =	stream.indirect.scatter.add.f32 [tilespmem:s18], [sflag:$0x2], $0x1, s24, s17, $0xb8;
	[tilespmem:$0x10A80] =	vst v63  }
0x31: {  	s25 =	simm.s32 $0x8080  }
0x32: {  	[spmem:s2] =	stream.indirect.scatter.add.f32 [tilespmem:s18], [sflag:$0x3], $0x1, s25, s17, $0xb8;
	[tilespmem:$0x10A80] =	vst v63  }
0x33: {  	s25 =	simm.s32 $0x100  }
0x34: {  	[spmem:s1] =	stream.indirect.scatter.add.f32 [tilespmem:s18], [sflag:$0x2], $0x1, s25, s17, $0xb8;
	[tilespmem:$0x10A80] =	vst v63  }
0x35: {  	s25 =	simm.s32 $0x8100  }
0x36: {  	[spmem:s2] =	stream.indirect.scatter.add.f32 [tilespmem:s18], [sflag:$0x3], $0x1, s25, s17, $0xb8;
	[tilespmem:$0x10A80] =	vst v63  }
0x37: {  	s25 =	simm.s32 $0x180  }
0x38: {  	[spmem:s1] =	stream.indirect.scatter.add.f32 [tilespmem:s18], [sflag:$0x2], $0x1, s25, s17, $0xb8;
	[tilespmem:$0x10A80] =	vst v63  }
0x39: {  	s25 =	simm.s32 $0x8180  }
0x3a: {  	[spmem:s2] =	stream.indirect.scatter.add.f32 [tilespmem:s18], [sflag:$0x3], $0x1, s25, s17, $0xb8;
	[tilespmem:$0x10A80] =	vst v63  }
0x3b: {  	s25 =	simm.s32 $0x200  }
0x3c: {  	[spmem:s1] =	stream.indirect.scatter.add.f32 [tilespmem:s18], [sflag:$0x2], $0x1, s25, s17, $0xb8;
	[tilespmem:$0x10A80] =	vst v63  }
0x3d: {  	_ = 	snop  }
0x3e: {  	[spmem:s2] =	stream.indirect.scatter.add.f32 [tilespmem:s18], [sflag:$0x3], $0x1, s26, s17, $0xb8;
	[tilespmem:$0x10A80] =	vst v63  }
0x3f: {  	_ = 	snop  }
0x40: {  	[spmem:s1] =	stream.indirect.scatter.add.f32 [tilespmem:s18], [sflag:$0x2], $0x1, s28, s17, $0xb8;
	[tilespmem:$0x10A80] =	vst v63  }
0x41: {  	_ = 	snop  }
0x42: {  	[spmem:s2] =	stream.indirect.scatter.add.f32 [tilespmem:s18], [sflag:$0x3], $0x1, s29, s17, $0xb8;
	[tilespmem:$0x10A80] =	vst v63  }
0x43: {  	_ = 	snop  }
0x44: {  	[spmem:s1] =	stream.indirect.scatter.add.f32 [tilespmem:s18], [sflag:$0x2], $0x1, s30, s17, $0xb8;
	[tilespmem:$0x10A80] =	vst v63  }
0x45: {  	_ = 	snop  }
0x46: {  	[spmem:s2] =	stream.indirect.scatter.add.f32 [tilespmem:s18], [sflag:$0x3], $0x1, s31, s17, $0xb8;
	[tilespmem:$0x10A80] =	vst v63  }
0x47: {  	_ = 	snop  }
0x48: {  	[spmem:s1] =	stream.indirect.scatter.add.f32 [tilespmem:s18], [sflag:$0x2], $0x1, s0, s17, $0xb8;
	[tilespmem:$0x10A80] =	vst v63  }
0x49: {  	_ = 	snop  }
0x4a: {  	[spmem:s2] =	stream.indirect.scatter.add.f32 [tilespmem:s18], [sflag:$0x3], $0x1, s3, s17, $0xb8;
	[tilespmem:$0x10A80] =	vst v63  }
0x4b: {  	_ =	swait.ge [sflag:s19], $0x50  }
0x4c: {  	[sflag:s19] =	ssyncset.done $0x0  }
0x4d: {  	[sflag:s19] =	ssyncadd.s32 $0xFFFFFFB0  }
0x4e: {  	_ =	swait.ge [sflag:s20], $0x50  }
0x4f: {  	[sflag:s20] =	ssyncset.done $0x0  }
0x50: {  	s25 =	simm.s32 $0x400;
	[sflag:s20] =	ssyncadd.s32 $0xFFFFFFB0  }
0x51: {  	[spmem:s1] =	stream.indirect.scatter.add.f32 [tilespmem:s18], [sflag:$0x2], $0x1, s25, s17, $0xb8;
	[tilespmem:$0x10A80] =	vst v63  }
0x52: {  	s24 =	simm.s32 $0x1200;
	s25 =	simm.s32 $0x8400  }
.LBB2_2:
0x53: {  	[spmem:s2] =	stream.indirect.scatter.add.f32 [tilespmem:s18], [sflag:$0x3], $0x1, s25, s17, $0xb8;
	[tilespmem:$0x10A80] =	vst v63  }
0x54: {  	s25 =	smov.u32 s24  }
0x55: {  	p0 =	sne.s32 s24, $0x1F200;
	s24 =	sadd.s32 $0x200, s24;
	_ =	swait.ge [sflag:s19], $0x50  }
0x56: {  	[sflag:s19] =	ssyncset.done $0x0  }
0x57: {  	[sflag:s19] =	ssyncadd.s32 $0xFFFFFFB0  }
.Ltmp0:
0x58: {  	_ =	swait.ge [sflag:s20], $0x50;
	(pc) =	sbr.rel @p0 .LBB2_2-.Ltmp0, $4  }
0x59: {  	[sflag:s20] =	ssyncset.done $0x0  }
0x5a: {  	s25 =	sshra.s32 s25, $0x2;
	[sflag:s20] =	ssyncadd.s32 $0xFFFFFFB0  }
0x5b: {  	[spmem:s1] =	stream.indirect.scatter.add.f32 [tilespmem:s18], [sflag:$0x2], $0x1, s25, s17, $0xb8;
	[tilespmem:$0x10A80] =	vst v63  }
0x5c: {  	s25 =	sadd.s32 $0x8000, s25  }
0x5d: {  	[spmem:s2] =	stream.indirect.scatter.add.f32 [tilespmem:s18], [sflag:$0x3], $0x1, s25, s17, $0xb8;
	[tilespmem:$0x10A80] =	vst v63  }
0x5e: {  	_ =	swait.ge [sflag:s19], $0x50  }
0x5f: {  	[sflag:s19] =	ssyncset.done $0x0  }
0x60: {  	[sflag:s19] =	ssyncadd.s32 $0xFFFFFFB0  }
0x61: {  	_ =	swait.ge [sflag:s20], $0x50  }
0x62: {  	[sflag:s20] =	ssyncset.done $0x0  }
0x63: {  	[sflag:s20] =	ssyncadd.s32 $0xFFFFFFB0  }
0x64: {  	_ =	swait.ge [sflag:s19], $0x50  }
0x65: {  	[sflag:s19] =	ssyncset.done $0x0  }
0x66: {  	[sflag:s19] =	ssyncadd.s32 $0xFFFFFFB0  }
0x67: {  	_ =	swait.ge [sflag:s20], $0x50  }
0x68: {  	[sflag:s20] =	ssyncset.done $0x0  }
0x69: {  	[sflag:s20] =	ssyncadd.s32 $0xFFFFFFB0  }
0x6a: {  	_ =	swait.ge [sflag:s19], $0x50  }
0x6b: {  	[sflag:s19] =	ssyncset.done $0x0  }
0x6c: {  	[sflag:s19] =	ssyncadd.s32 $0xFFFFFFB0  }
0x6d: {  	_ =	swait.ge [sflag:s20], $0x50  }
0x6e: {  	[sflag:s20] =	ssyncset.done $0x0  }
0x6f: {  	[sflag:s20] =	ssyncadd.s32 $0xFFFFFFB0  }
0x70: {  	_ =	swait.ge [sflag:s19], $0x50  }
0x71: {  	[sflag:s19] =	ssyncset.done $0x0  }
0x72: {  	[sflag:s19] =	ssyncadd.s32 $0xFFFFFFB0  }
0x73: {  	_ =	swait.ge [sflag:s20], $0x50  }
0x74: {  	[sflag:s20] =	ssyncset.done $0x0  }
0x75: {  	[sflag:s20] =	ssyncadd.s32 $0xFFFFFFB0  }
0x76: {  	_ =	swait.ge [sflag:s19], $0x50  }
0x77: {  	[sflag:s19] =	ssyncset.done $0x0  }
0x78: {  	[sflag:s19] =	ssyncadd.s32 $0xFFFFFFB0  }
0x79: {  	_ =	swait.ge [sflag:s20], $0x50  }
0x7a: {  	[sflag:s20] =	ssyncset.done $0x0  }
0x7b: {  	[sflag:s20] =	ssyncadd.s32 $0xFFFFFFB0  }
0x7c: {  	_ =	swait.ge [sflag:s19], $0x50  }
0x7d: {  	[sflag:s19] =	ssyncset.done $0x0  }
0x7e: {  	[sflag:s19] =	ssyncadd.s32 $0xFFFFFFB0  }
0x7f: {  	_ =	swait.ge [sflag:s20], $0x50  }
0x80: {  	[sflag:s20] =	ssyncset.done $0x0  }
0x81: {  	[sflag:s20] =	ssyncadd.s32 $0xFFFFFFB0  }
0x82: {  	_ =	swait.ge [sflag:s19], $0x50  }
0x83: {  	[sflag:s19] =	ssyncset.done $0x0  }
0x84: {  	[sflag:s19] =	ssyncadd.s32 $0xFFFFFFB0  }
0x85: {  	_ =	swait.ge [sflag:s20], $0x50  }
0x86: {  	[sflag:s20] =	ssyncset.done $0x0  }
0x87: {  	[sflag:s20] =	ssyncadd.s32 $0xFFFFFFB0  }
0x88: {  	_ =	swait.ge [sflag:s19], $0x50  }
0x89: {  	[sflag:s19] =	ssyncset.done $0x0  }
0x8a: {  	[sflag:s19] =	ssyncadd.s32 $0xFFFFFFB0  }
0x8b: {  	_ =	swait.ge [sflag:s20], $0x50  }
0x8c: {  	[sflag:s20] =	ssyncset.done $0x0  }
0x8d: {  	[sflag:s20] =	ssyncadd.s32 $0xFFFFFFB0  }
0x8e: {  	[bflag:$0x0] =	sbarrier.arrive $0xFFFF  }
0x8f: {  	[hbm:s9@s21], [sflag:s8] =	dma.strided [spmem:s13@s22], $0xA0, s16, $0x10   }
0x90: {  	s23 =	sadd.s32 $0x1, s23;
	_ =	swait.ge [sflag:s14], $0xA0  }
0x91: {  	p0 =	sne.s32 s23, s11;
	[sflag:s14] =	ssyncset.done $0x0  }
.Ltmp1:
0x92: {  	[sflag:s14] =	ssyncadd.s32 $0xFFFFFF60;
	(pc) =	sbr.rel @p0 .LBB2_1-.Ltmp1, $4  }
0x93: {  	[hbm:s10@s21], [sflag:s8] =	dma.strided [spmem:s15@s22], $0xA0, s16, $0x10   }
0x94: {  	_ =	swait.ge [sflag:s14], $0xA0  }
0x95: {  	[sflag:s14] =	ssyncset.done $0x0  }
0x96: {  	[sflag:s14] =	ssyncadd.s32 $0xFFFFFF60  }
0x97: {  	_ =	sfence.sel $0x180000  }
0x98: {  	[bflag:$0x0] =	sbarrier.arrive $0xFFFF  }
0x99: {  	_ =	strace $0x90000047  }
0x9a: {  	s0 =	stileid.u32;
	[bflag:$0x2] =	sbarrier.arrive $0xFFFF  }
0x9b: {  	p0 =	sne.s32 s0, $0x0;
	s0 =	rddreg [dreg:$0x4]  }
0x9c: {  	s0 =	sadd.s32 @!p0 $0x100000, s0  }
0x9d: {  	[sflag:s0] =	ssyncadd.tile.s32 @!p0 $0x1;
	_ =	shalt  }
.Lfunc_end2:
_tile_overlayer_lowered:
.L_overlay_start_2:
0x9e: {  	(tag) =	ssettag $0x2  }
0x9f: {  	s0 =	rddreg [dreg:$0x0];
	s2 =	stileid.u32  }
0xa0: {  	s1 =	rddreg [dreg:$0x1];
	p0 =	sne.s32 s2, $0x0  }
0xa1: {  	s3 =	rddreg [dreg:$0x2];
	[bflag:$0x3] =	sbarrier.arrive $0xFFFF;
	s2 =	simm.s32 @!p0 $0x1C04  }
0xa2: {  	[timem:s3], [sflag:s2] =	dma.local @!p0 [hbm:s0], s1  }
0xa3: {  	s0 =	simm.s32 @!p0 $0x4  }
0xa4: {  	_ =	swait.ge @!p0 [sflag:s0], s1  }
0xa5: {  	s1 =	ssub.s32 @!p0 $0x0, s1;
	[sflag:s0] =	ssyncset.done @!p0 $0x0  }
0xa6: {  	[sflag:s0] =	ssyncadd.s32 @!p0 s1  }
0xa7: {  	[bflag:$0x3] =	sbarrier.arrive $0xFFFF  }
0xa8: {  	_ =	shalt  }

// kernel: kernel.9.cloned.1.call-start
scs
__scs_entry_jumppad:
0x0: {  	(pc) =	sbr.rel $0x88, $3  }
0x1: {  	(tag) =	ssettag $0x0;
	lr =	simm.s32 $0x1  }
0x2: {  	[smem:$0x3F9B] =	sst lr;
	_ =	strace $0xD0000000  }
0x3: {  	_ = 	snop  }
0x4: {  	_ = 	snop  }
0x5: {  	_ = 	snop  }
0x6: {  	_ = 	snop  }
0x7: {  	_ = 	snop  }
__scs_overlays_trampoline_lowered:
0x8: {  	[smem:$0x3FAA] =	sst s0  }
0x9: {  	[smem:$0x3FAB] =	sst s1  }
0xa: {  	[smem:$0x3FAC] =	sst s2  }
0xb: {  	[smem:$0x3FAD] =	sst s3  }
0xc: {  	[smem:$0x3FAE] =	sst s4  }
0xd: {  	[smem:$0x3FAF] =	sst s5  }
0xe: {  	[smem:$0x3FB0] =	sst s6  }
0xf: {  	[smem:$0x3FB1] =	sst s7  }
0x10: {  	[smem:$0x3FB2] =	sst s8  }
0x11: {  	[smem:$0x3FB3] =	sst s9;
	s0 =	simm.s32 @!p0 $0x0  }
0x12: {  	s1 =	sld [smem:$0x3F99];
	s0 =	simm.s32 @p0 $0x1  }
0x13: {  	[smem:$0x3FB4] =	sst s0;
	s0 =	simm.s32 @!p1 $0x0  }
0x14: {  	s2 =	sld [smem:$0x3F98];
	s0 =	simm.s32 @p1 $0x1  }
0x15: {  	[smem:$0x3FB5] =	sst s0;
	s0 =	simm.s32 @!p2 $0x0  }
0x16: {  	s3 =	sld [smem:$0x3FDB];
	s0 =	simm.s32 @p2 $0x1  }
0x17: {  	s4 =	simm.s32 $0x1BF5;
	[smem:$0x3FB7] =	sst s0  }
0x18: {  	s0 =	sld [smem:$0x3F9A];
	_ =	swait.ge [sflag:s4], $0x0  }
0x19: {  	s7 =	sld [smem:$0x3F9B]  }
0x1a: {  	s8 =	sadd.s32 $0xFFFFE003, lr  }
0x1b: {  	s9 =	sadd.s32 $0xFFFFFEF7, lr;
	s5 =	simm.s32 $0xFFFFFFFF;
	p2 =	slt.u32 s8, $0xFFFFF086  }
0x1c: {  	p1 =	slt.u32 s9, $0xF7A;
	s5 =	simm.s32 @!p2 $0x0  }
0x1d: {  	s5 =	simm.s32 @p1 $0x1;
	p0 =	seq.s32 s7, s2  }
0x1e: {  	s7 =	smul.u32 @!p0 $0xF7A, s2;
	p2 =	seq.s32 @!p0 s5, $0x0  }
0x1f: {  	s9 =	smul.u32 $0xF7A, s1;
	s8 =	simm.s32 @!p0 $0x1BF5;
	p2 =	por !p2, p0  }
0x20: {  	[sflag:s8] =	ssyncset.s32 @!p0 $0xFFFFF086;
	s6 =	sadd.s32 @!p0 s3, s7;
	s7 =	simm.s32 @!p0 $0x108  }
0x21: {  	s3 =	sadd.s32 s3, s9;
	s6 =	sadd.s32 @!p0 $0x88, s6;
	s7 =	simm.s32 @p2 $0x1082  }
0x22: {  	[simem:s7], [sflag:s8] =	dma.local @!p0 [hbm:s6], $0xF7A  }
0x23: {  	s9 =	sor.u32 $0xD0000000, s2;
	s6 =	simm.s32 $0x108;
	_ =	swait.ge @!p0 [sflag:s8], $0x0  }
0x24: {  	s3 =	sadd.s32 $0x88, s3;
	s6 =	simm.s32 @!p1 $0x1082;
	[sflag:s4] =	ssyncset.s32 $0xFFFFF086  }
0x25: {  	[simem:s6], [sflag:s4] =	dma.local [hbm:s3], $0xF7A  }
0x26: {  	[smem:$0x3F9B] =	sst s1;
	(tag) =	ssettag s2;
	_ =	strace s9  }
0x27: {  	s1 =	sld [smem:$0x3FAB]  }
0x28: {  	s2 =	sld [smem:$0x3FAC]  }
0x29: {  	s4 =	sld [smem:$0x3FAE]  }
0x2a: {  	p0 =	seq.s32 s5, $0x0;
	s5 =	sld [smem:$0x3FAF]  }
0x2b: {  	s6 =	sld [smem:$0x3FB0]  }
0x2c: {  	s7 =	sld [smem:$0x3FB1]  }
0x2d: {  	s3 =	simm.s32 $0x108;
	s8 =	sld [smem:$0x3FB2]  }
0x2e: {  	s3 =	simm.s32 @!p0 $0x1082;
	s9 =	sld [smem:$0x3FB3]  }
0x2f: {  	lr =	sadd.s32 s0, s3;
	s0 =	sld [smem:$0x3FAA]  }
0x30: {  	s3 =	sld [smem:$0x3FAD]  }
0x31: {  	[smem:$0x3FB6] =	sst s10  }
0x32: {  	s10 =	sld [smem:$0x3FB4];
	_ =	sdelay $0x3  }
0x33: {  	p0 =	seq.s32 s10, $0x1;
	s10 =	sld [smem:$0x3FB6];
	_ =	sdelay $0x3  }
0x34: {  	[smem:$0x3FB6] =	sst s10  }
0x35: {  	s10 =	sld [smem:$0x3FB5];
	_ =	sdelay $0x3  }
0x36: {  	p1 =	seq.s32 s10, $0x1;
	s10 =	sld [smem:$0x3FB6];
	_ =	sdelay $0x3  }
0x37: {  	[smem:$0x3FB6] =	sst s10  }
0x38: {  	s10 =	sld [smem:$0x3FB7]  }
0x39: {  	_ = 	snop;
	(pc) =	sbr.ind lr, $3  }
0x3a: {  	_ = 	snop  }
0x3b: {  	_ = 	snop  }
0x3c: {  	p2 =	seq.s32 s10, $0x1;
	s10 =	sld [smem:$0x3FB6]  }
0x3d: {  	_ =	shalt  }
0x3e: {  	_ =	shalt  }
0x3f: {  	_ =	shalt  }
0x40: {  	_ =	shalt  }
0x41: {  	_ =	shalt  }
0x42: {  	_ =	shalt  }
0x43: {  	_ =	shalt  }
0x44: {  	_ =	shalt  }
0x45: {  	_ =	shalt  }
0x46: {  	_ =	shalt  }
0x47: {  	_ =	shalt  }
0x48: {  	_ =	shalt  }
0x49: {  	_ =	shalt  }
0x4a: {  	_ =	shalt  }
0x4b: {  	_ =	shalt  }
0x4c: {  	_ =	shalt  }
0x4d: {  	_ =	shalt  }
0x4e: {  	_ =	shalt  }
0x4f: {  	_ =	shalt  }
0x50: {  	_ =	shalt  }
0x51: {  	_ =	shalt  }
0x52: {  	_ =	shalt  }
0x53: {  	_ =	shalt  }
0x54: {  	_ =	shalt  }
0x55: {  	_ =	shalt  }
0x56: {  	_ =	shalt  }
0x57: {  	_ =	shalt  }
0x58: {  	_ =	shalt  }
0x59: {  	_ =	shalt  }
0x5a: {  	_ =	shalt  }
0x5b: {  	_ =	shalt  }
0x5c: {  	_ =	shalt  }
0x5d: {  	_ =	shalt  }
0x5e: {  	_ =	shalt  }
0x5f: {  	_ =	shalt  }
0x60: {  	_ =	shalt  }
0x61: {  	_ =	shalt  }
0x62: {  	_ =	shalt  }
0x63: {  	_ =	shalt  }
0x64: {  	_ =	shalt  }
0x65: {  	_ =	shalt  }
0x66: {  	_ =	shalt  }
0x67: {  	_ =	shalt  }
0x68: {  	_ =	shalt  }
0x69: {  	_ =	shalt  }
0x6a: {  	_ =	shalt  }
0x6b: {  	_ =	shalt  }
0x6c: {  	_ =	shalt  }
0x6d: {  	_ =	shalt  }
0x6e: {  	_ =	shalt  }
0x6f: {  	_ =	shalt  }
0x70: {  	_ =	shalt  }
0x71: {  	_ =	shalt  }
0x72: {  	_ =	shalt  }
0x73: {  	_ =	shalt  }
0x74: {  	_ =	shalt  }
0x75: {  	_ =	shalt  }
0x76: {  	_ =	shalt  }
0x77: {  	_ =	shalt  }
0x78: {  	_ =	shalt  }
0x79: {  	_ =	shalt  }
0x7a: {  	_ =	shalt  }
0x7b: {  	_ =	shalt  }
0x7c: {  	_ =	shalt  }
0x7d: {  	_ =	shalt  }
0x7e: {  	_ =	shalt  }
0x7f: {  	_ =	shalt  }
0x80: {  	_ =	shalt  }
0x81: {  	_ =	shalt  }
0x82: {  	_ =	shalt  }
0x83: {  	_ =	shalt  }
0x84: {  	_ =	shalt  }
0x85: {  	_ =	shalt  }
0x86: {  	_ =	shalt  }
0x87: {  	_ =	shalt  }
.Lfunc_end0:
.L_simem_size_0:
called_computation.1_lowered:
.L_overlay_start_0:
0x88: {  	s2 =	sld [smem:$0x3FD9]  }
0x89: {  	s3 =	sld [smem:$0x3FFE];
	_ =	sdelay $0x1  }
0x8a: {  	s1 =	srdreg.scid  }
0x8b: {  	s0 =	sand.u32 $0x1, s1  }
0x8c: {  	s17 =	sshll.u32 s0, $0xA;
	s2 =	sadd.s32 s3, s2  }
0x8d: {  	s2 =	sadd.s32 s2, s17  }
0x8e: {  	[smem:$0x3FC2] =	sst s2  }
0x8f: {  	_ = 	snop  }
0x90: {  	s2 =	sld [smem:$0x3FD0];
	(tm) =	ssettm $0x1  }
0x91: {  	s18 =	sld [smem:$0x3FFB];
	_ =	sdelay $0x3  }
0x92: {  	_ =	strace s18  }
0x93: {  	s3 =	sld [smem:$0x3FFC];
	_ =	sdelay $0x3  }
0x94: {  	_ =	strace s3  }
0x95: {  	s3 =	sld [smem:$0x3FFD];
	_ =	sdelay $0x3  }
0x96: {  	_ =	strace s3  }
0x97: {  	_ =	strace $0x8FFFFFFF  }
0x98: {  	s19 =	sld [smem:$0x3FDB];
	_ =	sdelay $0x1  }
0x99: {  	s4 =	simm.s32 $_scs_section_size  }
0x9a: {  	s5 =	simm.s32 $_size__tile_overlayer_lowered;
	s6 =	simm.s32 $_tile_overlayer_lowered  }
0x9b: {  	s22 =	simm.s32 $0x1BFF;
	s21 =	sshll.u32 s6, $0x1;
	s3 =	sadd.s32 s4, s19  }
0x9c: {  	s7 =	simm.s32 $0x0;
	s20 =	sshll.u32 s5, $0x1;
	s5 =	sadd.s32 s21, s3  }
0x9d: {  	[timem:s7], [sflag:s22] =	dma.local [hbm:s5], s20  }
0x9e: {  	_ =	swait.ge [sflag:s22], s20  }
0x9f: {  	s4 =	ssub.s32 $0x0, s20;
	[sflag:s22] =	ssyncset.done $0x0  }
0xa0: {  	[sflag:s22] =	ssyncadd.s32 s4;
	_ =	sdelay $0x1  }
0xa1: {  	s23 =	simm.s32 $0x1B8B  }
0xa2: {  	_ =	swait.ge [sflag:s23], $0x1  }
0xa3: {  	[sflag:s23] =	ssyncset.done $0x0  }
0xa4: {  	s25 =	simm.s32 $0x1B8E;
	s24 =	sld [smem:$0x3FFE];
	[sflag:s23] =	ssyncadd.s32 $0xFFFFFFFF  }
0xa5: {  	s26 =	simm.s32 $execute0_lowered;
	[smem:$0x3FD2] =	sst s25  }
0xa6: {  	s5 =	sshll.u32 s26, $0x1;
	_ =	strace $0x80000049;
	[dreg:$0x1] =	wrdreg $0xFFFFFFFF  }
0xa7: {  	s28 =	simm.s32 $_size_execute0_lowered;
	s3 =	sadd.s32 s3, s5;
	[dreg:$0x0] =	wrdreg $0x0  }
0xa8: {  	s5 =	sshll.u32 s28, $0x1;
	[dreg:$0x2] =	wrdreg s3  }
0xa9: {  	[dreg:$0x3] =	wrdreg s5  }
0xaa: {  	[dreg:$0x4] =	wrdreg $0xC0  }
0xab: {  	_ =	task [dreg:s7], $0x5FFFF  }
0xac: {  	[dreg:$0x1] =	wrdreg $0xFFFFFFFF  }
0xad: {  	[dreg:$0x0] =	wrdreg $0x60  }
0xae: {  	[dreg:$0x2] =	wrdreg s24  }
0xaf: {  	[dreg:$0x3] =	wrdreg s2  }
0xb0: {  	[dreg:$0x4] =	wrdreg $0xB0400  }
0xb1: {  	[dreg:$0x5] =	wrdreg $0x9  }
0xb2: {  	_ =	task.clear_ibuf [dreg:s7], $0x6FFFF;
	_ =	strace $0x90000049  }
0xb3: {  	s29 =	simm.s32 $0x9;
	_ =	strace $0x8000004B  }
0xb4: {  	_ =	swait.ge [sflag:s29], $0x1  }
0xb5: {  	[sflag:s29] =	ssyncadd.s32 $0xFFFFFFFF  }
0xb6: {  	_ =	strace $0x9000004B  }
0xb7: {  	_ =	sfence  }
0xb8: {  	s30 =	sld [smem:$0x0];
	_ =	sdelay $0x2  }
0xb9: {  	s31 =	sshll.u32 s1, $0xD;
	s1 =	sshrl.u32 s1, $0x2  }
0xba: {  	s3 =	sand.u32 $0x4000, s31;
	s1 =	sadd.s32 s1, s30  }
0xbb: {  	s0 =	sor.u32 s3, s0;
	s1 =	sshll.u32 s1, $0x11  }
0xbc: {  	s0 =	sor.u32 s1, s0  }
0xbd: {  	s0 =	sadd.s32 $0x8F2B, s0  }
0xbe: {  	[sflag:s0] =	ssyncadd.remote.s32 $0x1  }
0xbf: {  	_ =	sfence.sel $0xFFFF  }
0xc0: {  	[dreg:$0x0] =	wrdreg $0xFFFFFFFF;
	(pc) =	sbr.abs _section_cstart, $3  }
0xc1: {  	[dreg:$0x1] =	wrdreg $0xFFFFFFFF  }
0xc2: {  	_ =	task.clear_ibuf [dreg:s7], $0x2FFFF;
	_ =	strace $0x9FFFFFFF  }
0xc3: {  	(tm) =	ssettm $0x7FFFFFFF  }
tec
execute0_lowered:
.L_overlay_start_1:
0x0: {  	(tag) =	ssettag $0x1  }
0x1: {  	s4 =	rddreg [dreg:$0x0]  }
0x2: {  	s2 =	rddreg [dreg:$0x2];
	s3 =	simm.s32 $0x0  }
0x3: {  	s1 =	simm.s32 $0x80;
	[smem:$0x7FF] =	sst s3  }
0x4: {  	s7 =	simm.s32 $0x100;
	_ =	strace $0x8000004A;
	[dreg:$0x4] =	wrdreg s1  }
0x5: {  	s20 =	simm.s32 $0x180;
	[dreg:$0x5] =	wrdreg s7  }
0x6: {  	s21 =	simm.s32 $0x200;
	[dreg:$0x6] =	wrdreg s20  }
0x7: {  	s22 =	simm.s32 $0xA80;
	[dreg:$0x7] =	wrdreg s21  }
0x8: {  	s0 =	srdreg.scid;
	s23 =	simm.s32 $0xB00;
	[dreg:$0x8] =	wrdreg s22  }
0x9: {  	s10 =	stileid.u32;
	s24 =	simm.s32 $0xB80;
	[dreg:$0x9] =	wrdreg s23  }
0xa: {  	s25 =	simm.s32 $0xC00;
	s26 =	simm.s32 $0x280;
	[dreg:$0xa] =	wrdreg s24  }
0xb: {  	s11 =	simm.s32 $0x380;
	s13 =	simm.s32 $0x400;
	[dreg:$0xb] =	wrdreg s25  }
0xc: {  	s14 =	simm.s32 $0x480;
	s16 =	simm.s32 $0xC80;
	[dreg:$0xc] =	wrdreg s26  }
0xd: {  	s17 =	simm.s32 $0xD00;
	s19 =	simm.s32 $0xD80;
	[dreg:$0xe] =	wrdreg s11  }
0xe: {  	s28 =	simm.s32 $0x4;
	s29 =	simm.s32 $0x5;
	[dreg:$0xf] =	wrdreg s13  }
0xf: {  	s30 =	simm.s32 $0x6;
	s8 =	smul.u32 $0x27100, s10;
	[dreg:$0x10] =	wrdreg s14  }
0x10: {  	s31 =	simm.s32 $0x7;
	s12 =	smul.u32 $0xA000, s10;
	[dreg:$0x11] =	wrdreg s16  }
0x11: {  	s5 =	sand.u32 $0x1, s0;
	s18 =	smul.u32 $0x4E200, s10;
	[dreg:$0x12] =	wrdreg s17  }
0x12: {  	s0 =	smul.u32 $0x27100, s5;
	[dreg:$0x13] =	wrdreg s19;
	s20 =	simm.s32 $0xE00  }
0x13: {  	s1 =	sadd.s32 $0x23E00, s4;
	s22 =	simm.s32 $0xE80;
	[dreg:$0x14] =	wrdreg s20  }
0x14: {  	s9 =	sshll.u32 s5, $0x6;
	s23 =	simm.s32 $0x580;
	[dreg:$0x15] =	wrdreg s22  }
0x15: {  	s5 =	ssub.s32 $0x2, s5;
	s24 =	sshll.u32 s10, $0x6;
	[dreg:$0x16] =	wrdreg s23  }
0x16: {  	s25 =	simm.s32 $0x600;
	s26 =	simm.s32 $0x680;
	[smem:$0x7F1] =	sst s24  }
0x17: {  	s11 =	simm.s32 $0x700;
	s13 =	smul.u32 $0x1400, s10;
	[dreg:$0x17] =	wrdreg s25  }
0x18: {  	s14 =	simm.s32 $0x1000;
	s16 =	simm.s32 $0x1100;
	[dreg:$0x18] =	wrdreg s26  }
0x19: {  	s17 =	simm.s32 $0x780;
	s19 =	simm.s32 $0x880;
	[dreg:$0x19] =	wrdreg s11  }
0x1a: {  	s8 =	sor.u32 s9, s8;
	s9 =	sshrl.u32 s5, $0x1;
	[dreg:$0x1b] =	wrdreg s14  }
0x1b: {  	s15 =	sshrl.u32 s12, $0x3;
	s21 =	sshrl.u32 s18, $0x2;
	[dreg:$0x1d] =	wrdreg s16  }
0x1c: {  	s12 =	simm.s32 $0xF80;
	s14 =	simm.s32 $0xA00;
	[dreg:$0x1e] =	wrdreg s17  }
0x1d: {  	s18 =	simm.s32 $0x800;
	[smem:$0x7F5] =	sst s19;
	s20 =	simm.s32 $0x900  }
0x1e: {  	s17 =	simm.s32 $0x1;
	s22 =	simm.s32 $0x1180;
	s19 =	simm.s32 $0xF00  }
0x1f: {  	s23 =	simm.s32 $0x1200;
	s25 =	simm.s32 $0x1300;
	[dreg:$0x1a] =	wrdreg s12  }
0x20: {  	s26 =	simm.s32 $0x1380;
	s11 =	simm.s32 $0x0;
	[dreg:$0x1f] =	wrdreg s18  }
0x21: {  	s6 =	sadd.s32 s0, s4;
	s0 =	sadd.s32 $0x37E00, s4;
	[smem:$0x7F6] =	sst s20  }
0x22: {  	s8 =	sshrl.u32 s8, $0x3;
	s5 =	ssub.s32 s5, s9;
	[smem:$0x7F8] =	sst s22  }
0x23: {  	s12 =	sadd.s32 s13, s1;
	s18 =	simm.s32 $0x500;
	[smem:$0x7F9] =	sst s23  }
0x24: {  	s20 =	simm.s32 $0x7D;
	s22 =	simm.s32 $0x3340;
	[smem:$0x7FB] =	sst s25  }
0x25: {  	s23 =	simm.s32 $0x5280;
	[smem:$0x7FC] =	sst s26;
	s25 =	simm.s32 $0x9100  }
0x26: {  	s26 =	simm.s32 $0x3;
	s4 =	sadd.s32 s8, s4;
	s8 =	simm.s32 $0x300  }
0x27: {  	s9 =	sadd.s32 s0, s15;
	s5 =	smax.u32 s5, $0x1;
	[dreg:$0xd] =	wrdreg s8  }
0x28: {  	s13 =	sadd.s32 s13, s0;
	s0 =	simm.s32 $0x8;
	[smem:$0x7EF] =	sst s9  }
0x29: {  	s8 =	sadd.s32 s1, s15;
	s9 =	sor.u32 $0x1C0D, s24;
	[smem:$0x7F4] =	sst s5  }
0x2a: {  	s4 =	sadd.s32 $0x4BE00, s4;
	s15 =	simm.s32 $0x1080;
	[smem:$0x7F0] =	sst s8  }
0x2b: {  	s24 =	simm.s32 $0x1280;
	s1 =	simm.s32 $0xA;
	[smem:$0x7F2] =	sst s9  }
0x2c: {  	s5 =	simm.s32 $0xB;
	s8 =	sadd.s32 s21, s2;
	[smem:$0x7F3] =	sst s4  }
0x2d: {  	s9 =	sadd.s32 $0xE8200, s6;
	[dreg:$0x1c] =	wrdreg s15;
	s21 =	simm.s32 $0x980  }
0x2e: {  	[smem:$0x7FA] =	sst s24;
	s24 =	simm.s32 $0x71C0;
	s4 =	simm.s32 $0x9  }
0x2f: {  	s6 =	simm.s32 $0xC;
	s15 =	sshrl.u32 s8, $0x3;
	[smem:$0x7F7] =	sst s21  }
0x30: {  	s21 =	simm.s32 $0x1400;
	s8 =	simm.s32 $0x2;
	[smem:$0x7FD] =	sst s15  }
.LBB2_1:
0x31: {  	s7 =	sld [smem:$0x7EF];
	_ =	sdelay $0x1  }
0x32: {  	s10 =	sld [smem:$0x7F0]  }
0x33: {  	[tilespmem:s3], [sflag:$0x1] =	stream.linear.gather [hbm4b:s7+s3], $0x500, $0x38;
	[tilespmem:$0x1E8C0] =	vst v63  }
0x34: {  	_ = 	snop  }
0x35: {  	[tilespmem:s14], [sflag:$0x1] =	stream.linear.gather [hbm4b:s10+s3], $0x500, $0x38;
	[tilespmem:$0x1E8C0] =	vst v63  }
0x36: {  	s10 =	sld [smem:$0x7F2];
	_ =	sdelay $0x1  }
0x37: {  	s16 =	rddreg [dreg:$0x1]  }
0x38: {  	[spmem:s15], [sflag:s10] =	dma.local [hbm:s16], $0x2710  }
0x39: {  	s10 =	simm.s32 $0xD  }
0x3a: {  	_ =	swait.ge [sflag:s10], $0x2710  }
0x3b: {  	[sflag:s10] =	ssyncset.done $0x0  }
0x3c: {  	[sflag:s10] =	ssyncadd.s32 $0xFFFFD8F0  }
0x3d: {  	[bflag:$0x0] =	sbarrier.arrive $0xFFFF  }
0x3e: {  	_ =	swait.ge [sflag:s17], $0x500  }
0x3f: {  	[sflag:s17] =	ssyncset.done $0x0  }
0x40: {  	[sflag:s17] =	ssyncadd.s32 $0xFFFFFB00  }
0x41: {  	_ =	swait.ge [sflag:s17], $0x500  }
0x42: {  	s15 =	sadd.s32 $0x0, s13;
	[sflag:s17] =	ssyncset.done $0x0  }
0x43: {  	s16 =	sadd.s32 $0x0, s12;
	s7 =	sadd.s32 $0xA0, s15;
	[sflag:s17] =	ssyncadd.s32 $0xFFFFFB00  }
0x44: {  	[tilespmem:s18], [sflag:$0x2] =	stream.linear.gather [hbm4b:s7+s3], $0x500, $0x38;
	[tilespmem:$0x1E8C0] =	vst v63  }
0x45: {  	s16 =	sadd.s32 $0xA0, s16  }
0x46: {  	[tilespmem:s19], [sflag:$0x2] =	stream.linear.gather [hbm4b:s16+s3], $0x500, $0x38;
	[tilespmem:$0x1E8C0] =	vst v63  }
0x47: {  	_ = 	snop  }
0x48: {  	[tilespmem:s21], [sflag:$0x3] =	stream.indirect.gather [hbm4b:s9+s20], $0x40, s3, s20, $0xb8;
	[tilespmem:$0x1E8C0] =	vst v63  }
0x49: {  	s10 =	rddreg [dreg:$0x4]  }
0x4a: {  	[tilespmem:s22], [sflag:$0x4] =	stream.indirect.gather [hbm4b:s9+s20], $0x40, s10, s20, $0xb8;
	[tilespmem:$0x1E8C0] =	vst v63  }
0x4b: {  	s15 =	rddreg [dreg:$0x5]  }
0x4c: {  	[tilespmem:s23], [sflag:$0x5] =	stream.indirect.gather [hbm4b:s9+s20], $0x40, s15, s20, $0xb8;
	[tilespmem:$0x1E8C0] =	vst v63  }
0x4d: {  	s10 =	rddreg [dreg:$0x6]  }
0x4e: {  	[tilespmem:s24], [sflag:$0x6] =	stream.indirect.gather [hbm4b:s9+s20], $0x40, s10, s20, $0xb8;
	[tilespmem:$0x1E8C0] =	vst v63  }
0x4f: {  	s15 =	rddreg [dreg:$0x7]  }
0x50: {  	[tilespmem:s25], [sflag:$0x7] =	stream.indirect.gather [hbm4b:s9+s20], $0x40, s15, s20, $0xb8;
	[tilespmem:$0x1E8C0] =	vst v63  }
0x51: {  	_ =	swait.ge [sflag:s26], $0x1F40  }
0x52: {  	[sflag:s26] =	ssyncset.done $0x0  }
0x53: {  	[sflag:s26] =	ssyncadd.s32 $0xFFFFE0C0  }
0x54: {  	[spmem:s2] =	stream.indirect.scatter.add.f32 [tilespmem:s21], [sflag:$0x8], $0x40, s14, s20, $0xb8;
	[tilespmem:$0x1E8C0] =	vst v63  }
0x55: {  	_ =	swait.ge [sflag:s28], $0x1F40  }
0x56: {  	[sflag:s28] =	ssyncset.done $0x0  }
0x57: {  	s16 =	rddreg [dreg:$0x8];
	[sflag:s28] =	ssyncadd.s32 $0xFFFFE0C0  }
0x58: {  	[spmem:s2] =	stream.indirect.scatter.add.f32 [tilespmem:s22], [sflag:$0x9], $0x40, s16, s20, $0xb8;
	[tilespmem:$0x1E8C0] =	vst v63  }
0x59: {  	_ =	swait.ge [sflag:s29], $0x1F40  }
0x5a: {  	[sflag:s29] =	ssyncset.done $0x0  }
0x5b: {  	s10 =	rddreg [dreg:$0x9];
	[sflag:s29] =	ssyncadd.s32 $0xFFFFE0C0  }
0x5c: {  	[spmem:s2] =	stream.indirect.scatter.add.f32 [tilespmem:s23], [sflag:$0xA], $0x40, s10, s20, $0xb8;
	[tilespmem:$0x1E8C0] =	vst v63  }
0x5d: {  	_ =	swait.ge [sflag:s30], $0x1F40  }
0x5e: {  	[sflag:s30] =	ssyncset.done $0x0  }
0x5f: {  	s15 =	rddreg [dreg:$0xa];
	[sflag:s30] =	ssyncadd.s32 $0xFFFFE0C0  }
0x60: {  	[spmem:s2] =	stream.indirect.scatter.add.f32 [tilespmem:s24], [sflag:$0xB], $0x40, s15, s20, $0xb8;
	[tilespmem:$0x1E8C0] =	vst v63  }
0x61: {  	_ =	swait.ge [sflag:s31], $0x1F40  }
0x62: {  	[sflag:s31] =	ssyncset.done $0x0  }
0x63: {  	s16 =	rddreg [dreg:$0xb];
	[sflag:s31] =	ssyncadd.s32 $0xFFFFE0C0  }
0x64: {  	[spmem:s2] =	stream.indirect.scatter.add.f32 [tilespmem:s25], [sflag:$0xC], $0x40, s16, s20, $0xb8;
	[tilespmem:$0x1E8C0] =	vst v63  }
0x65: {  	_ =	swait.ge [sflag:s0], $0x1F40  }
0x66: {  	[sflag:s0] =	ssyncset.done $0x0  }
0x67: {  	s10 =	rddreg [dreg:$0xc];
	[sflag:s0] =	ssyncadd.s32 $0xFFFFE0C0  }
0x68: {  	[tilespmem:s21], [sflag:$0x3] =	stream.indirect.gather [hbm4b:s9+s20], $0x40, s10, s20, $0xb8;
	[tilespmem:$0x1E8C0] =	vst v63  }
0x69: {  	_ =	swait.ge [sflag:s4], $0x1F40  }
0x6a: {  	[sflag:s4] =	ssyncset.done $0x0  }
0x6b: {  	s15 =	rddreg [dreg:$0xd];
	[sflag:s4] =	ssyncadd.s32 $0xFFFFE0C0  }
0x6c: {  	[tilespmem:s22], [sflag:$0x4] =	stream.indirect.gather [hbm4b:s9+s20], $0x40, s15, s20, $0xb8;
	[tilespmem:$0x1E8C0] =	vst v63  }
0x6d: {  	_ =	swait.ge [sflag:s1], $0x1F40  }
0x6e: {  	[sflag:s1] =	ssyncset.done $0x0  }
0x6f: {  	s16 =	rddreg [dreg:$0xe];
	[sflag:s1] =	ssyncadd.s32 $0xFFFFE0C0  }
0x70: {  	[tilespmem:s23], [sflag:$0x5] =	stream.indirect.gather [hbm4b:s9+s20], $0x40, s16, s20, $0xb8;
	[tilespmem:$0x1E8C0] =	vst v63  }
0x71: {  	_ =	swait.ge [sflag:s5], $0x1F40  }
0x72: {  	[sflag:s5] =	ssyncset.done $0x0  }
0x73: {  	s10 =	rddreg [dreg:$0xf];
	[sflag:s5] =	ssyncadd.s32 $0xFFFFE0C0  }
0x74: {  	[tilespmem:s24], [sflag:$0x6] =	stream.indirect.gather [hbm4b:s9+s20], $0x40, s10, s20, $0xb8;
	[tilespmem:$0x1E8C0] =	vst v63  }
0x75: {  	_ =	swait.ge [sflag:s6], $0x1F40  }
0x76: {  	[sflag:s6] =	ssyncset.done $0x0  }
0x77: {  	s15 =	rddreg [dreg:$0x10];
	[sflag:s6] =	ssyncadd.s32 $0xFFFFE0C0  }
0x78: {  	[tilespmem:s25], [sflag:$0x7] =	stream.indirect.gather [hbm4b:s9+s20], $0x40, s15, s20, $0xb8;
	[tilespmem:$0x1E8C0] =	vst v63  }
0x79: {  	_ =	swait.ge [sflag:s26], $0x1F40  }
0x7a: {  	[sflag:s26] =	ssyncset.done $0x0  }
0x7b: {  	s16 =	rddreg [dreg:$0x11];
	[sflag:s26] =	ssyncadd.s32 $0xFFFFE0C0  }
0x7c: {  	[spmem:s2] =	stream.indirect.scatter.add.f32 [tilespmem:s21], [sflag:$0x8], $0x40, s16, s20, $0xb8;
	[tilespmem:$0x1E8C0] =	vst v63  }
0x7d: {  	_ =	swait.ge [sflag:s28], $0x1F40  }
0x7e: {  	[sflag:s28] =	ssyncset.done $0x0  }
0x7f: {  	s10 =	rddreg [dreg:$0x12];
	[sflag:s28] =	ssyncadd.s32 $0xFFFFE0C0  }
0x80: {  	[spmem:s2] =	stream.indirect.scatter.add.f32 [tilespmem:s22], [sflag:$0x9], $0x40, s10, s20, $0xb8;
	[tilespmem:$0x1E8C0] =	vst v63  }
0x81: {  	_ =	swait.ge [sflag:s29], $0x1F40  }
0x82: {  	[sflag:s29] =	ssyncset.done $0x0  }
0x83: {  	s15 =	rddreg [dreg:$0x13];
	[sflag:s29] =	ssyncadd.s32 $0xFFFFE0C0  }
0x84: {  	[spmem:s2] =	stream.indirect.scatter.add.f32 [tilespmem:s23], [sflag:$0xA], $0x40, s15, s20, $0xb8;
	[tilespmem:$0x1E8C0] =	vst v63  }
0x85: {  	_ =	swait.ge [sflag:s30], $0x1F40  }
0x86: {  	[sflag:s30] =	ssyncset.done $0x0  }
0x87: {  	s16 =	rddreg [dreg:$0x14];
	[sflag:s30] =	ssyncadd.s32 $0xFFFFE0C0  }
0x88: {  	[spmem:s2] =	stream.indirect.scatter.add.f32 [tilespmem:s24], [sflag:$0xB], $0x40, s16, s20, $0xb8;
	[tilespmem:$0x1E8C0] =	vst v63  }
0x89: {  	_ =	swait.ge [sflag:s31], $0x1F40  }
0x8a: {  	[sflag:s31] =	ssyncset.done $0x0  }
0x8b: {  	s10 =	rddreg [dreg:$0x15];
	[sflag:s31] =	ssyncadd.s32 $0xFFFFE0C0  }
0x8c: {  	[spmem:s2] =	stream.indirect.scatter.add.f32 [tilespmem:s25], [sflag:$0xC], $0x40, s10, s20, $0xb8;
	[tilespmem:$0x1E8C0] =	vst v63  }
0x8d: {  	_ =	swait.ge [sflag:s0], $0x1F40  }
0x8e: {  	[sflag:s0] =	ssyncset.done $0x0  }
0x8f: {  	[sflag:s0] =	ssyncadd.s32 $0xFFFFE0C0  }
0x90: {  	_ =	swait.ge [sflag:s4], $0x1F40  }
0x91: {  	[sflag:s4] =	ssyncset.done $0x0  }
0x92: {  	[sflag:s4] =	ssyncadd.s32 $0xFFFFE0C0  }
0x93: {  	_ =	swait.ge [sflag:s1], $0x1F40  }
0x94: {  	[sflag:s1] =	ssyncset.done $0x0  }
0x95: {  	[sflag:s1] =	ssyncadd.s32 $0xFFFFE0C0  }
0x96: {  	_ =	swait.ge [sflag:s5], $0x1F40  }
0x97: {  	[sflag:s5] =	ssyncset.done $0x0  }
0x98: {  	[sflag:s5] =	ssyncadd.s32 $0xFFFFE0C0  }
0x99: {  	_ =	swait.ge [sflag:s6], $0x1F40  }
0x9a: {  	[sflag:s6] =	ssyncset.done $0x0  }
0x9b: {  	[sflag:s6] =	ssyncadd.s32 $0xFFFFE0C0  }
0x9c: {  	_ =	swait.ge [sflag:s8], $0x500  }
0x9d: {  	[sflag:s8] =	ssyncset.done $0x0  }
0x9e: {  	p0 =	por $0x0, $0x0;
	[sflag:s8] =	ssyncadd.s32 $0xFFFFFB00  }
0x9f: {  	s7 =	sadd.s32 @!p0 $0x0, s13;
	_ =	swait.ge [sflag:s8], $0x500  }
0xa0: {  	s7 =	sadd.s32 @!p0 $0x140, s7;
	[sflag:s8] =	ssyncset.done $0x0  }
0xa1: {  	s16 =	sadd.s32 @!p0 $0x0, s12;
	s10 =	simm.s32 @!p0 $0x0;
	[sflag:s8] =	ssyncadd.s32 $0xFFFFFB00  }
0xa2: {  	[tilespmem:s10], [sflag:$0x1] =	stream.linear.gather @!p0 [hbm4b:s7+s10], $0x500, $0x38;
	[tilespmem:$0x1E8C0] =	vst v63  }
0xa3: {  	s7 =	sadd.s32 @!p0 $0x140, s16;
	s16 =	simm.s32 @!p0 $0xA00  }
0xa4: {  	[tilespmem:s16], [sflag:$0x1] =	stream.linear.gather @!p0 [hbm4b:s7+s10], $0x500, $0x38;
	[tilespmem:$0x1E8C0] =	vst v63  }
0xa5: {  	_ = 	snop  }
0xa6: {  	[tilespmem:s21], [sflag:$0x3] =	stream.indirect.gather [hbm4b:s9+s20], $0x40, s18, s20, $0xb8;
	[tilespmem:$0x1E8C0] =	vst v63  }
0xa7: {  	s15 =	rddreg [dreg:$0x16]  }
0xa8: {  	[tilespmem:s22], [sflag:$0x4] =	stream.indirect.gather [hbm4b:s9+s20], $0x40, s15, s20, $0xb8;
	[tilespmem:$0x1E8C0] =	vst v63  }
0xa9: {  	s16 =	rddreg [dreg:$0x17]  }
0xaa: {  	[tilespmem:s23], [sflag:$0x5] =	stream.indirect.gather [hbm4b:s9+s20], $0x40, s16, s20, $0xb8;
	[tilespmem:$0x1E8C0] =	vst v63  }
0xab: {  	s15 =	rddreg [dreg:$0x18]  }
0xac: {  	[tilespmem:s24], [sflag:$0x6] =	stream.indirect.gather [hbm4b:s9+s20], $0x40, s15, s20, $0xb8;
	[tilespmem:$0x1E8C0] =	vst v63  }
0xad: {  	s16 =	rddreg [dreg:$0x19]  }
0xae: {  	[tilespmem:s25], [sflag:$0x7] =	stream.indirect.gather [hbm4b:s9+s20], $0x40, s16, s20, $0xb8;
	[tilespmem:$0x1E8C0] =	vst v63  }
0xaf: {  	_ =	swait.ge [sflag:s26], $0x1F40  }
0xb0: {  	[sflag:s26] =	ssyncset.done $0x0  }
0xb1: {  	[sflag:s26] =	ssyncadd.s32 $0xFFFFE0C0  }
0xb2: {  	[spmem:s2] =	stream.indirect.scatter.add.f32 [tilespmem:s21], [sflag:$0x8], $0x40, s19, s20, $0xb8;
	[tilespmem:$0x1E8C0] =	vst v63  }
0xb3: {  	_ =	swait.ge [sflag:s28], $0x1F40  }
0xb4: {  	[sflag:s28] =	ssyncset.done $0x0  }
0xb5: {  	s15 =	rddreg [dreg:$0x1a];
	[sflag:s28] =	ssyncadd.s32 $0xFFFFE0C0  }
0xb6: {  	[spmem:s2] =	stream.indirect.scatter.add.f32 [tilespmem:s22], [sflag:$0x9], $0x40, s15, s20, $0xb8;
	[tilespmem:$0x1E8C0] =	vst v63  }
0xb7: {  	_ =	swait.ge [sflag:s29], $0x1F40  }
0xb8: {  	[sflag:s29] =	ssyncset.done $0x0  }
0xb9: {  	s16 =	rddreg [dreg:$0x1b];
	[sflag:s29] =	ssyncadd.s32 $0xFFFFE0C0  }
0xba: {  	[spmem:s2] =	stream.indirect.scatter.add.f32 [tilespmem:s23], [sflag:$0xA], $0x40, s16, s20, $0xb8;
	[tilespmem:$0x1E8C0] =	vst v63  }
0xbb: {  	_ =	swait.ge [sflag:s30], $0x1F40  }
0xbc: {  	[sflag:s30] =	ssyncset.done $0x0  }
0xbd: {  	s10 =	rddreg [dreg:$0x1c];
	[sflag:s30] =	ssyncadd.s32 $0xFFFFE0C0  }
0xbe: {  	[spmem:s2] =	stream.indirect.scatter.add.f32 [tilespmem:s24], [sflag:$0xB], $0x40, s10, s20, $0xb8;
	[tilespmem:$0x1E8C0] =	vst v63  }
0xbf: {  	_ =	swait.ge [sflag:s31], $0x1F40  }
0xc0: {  	[sflag:s31] =	ssyncset.done $0x0  }
0xc1: {  	s15 =	rddreg [dreg:$0x1d];
	[sflag:s31] =	ssyncadd.s32 $0xFFFFE0C0  }
0xc2: {  	[spmem:s2] =	stream.indirect.scatter.add.f32 [tilespmem:s25], [sflag:$0xC], $0x40, s15, s20, $0xb8;
	[tilespmem:$0x1E8C0] =	vst v63  }
0xc3: {  	_ =	swait.ge [sflag:s0], $0x1F40  }
0xc4: {  	[sflag:s0] =	ssyncset.done $0x0  }
0xc5: {  	s16 =	rddreg [dreg:$0x1e];
	[sflag:s0] =	ssyncadd.s32 $0xFFFFE0C0  }
0xc6: {  	[tilespmem:s21], [sflag:$0x3] =	stream.indirect.gather [hbm4b:s9+s20], $0x40, s16, s20, $0xb8;
	[tilespmem:$0x1E8C0] =	vst v63  }
0xc7: {  	_ =	swait.ge [sflag:s4], $0x1F40  }
0xc8: {  	[sflag:s4] =	ssyncset.done $0x0  }
0xc9: {  	s10 =	rddreg [dreg:$0x1f];
	[sflag:s4] =	ssyncadd.s32 $0xFFFFE0C0  }
0xca: {  	[tilespmem:s22], [sflag:$0x4] =	stream.indirect.gather [hbm4b:s9+s20], $0x40, s10, s20, $0xb8;
	[tilespmem:$0x1E8C0] =	vst v63  }
0xcb: {  	_ =	swait.ge [sflag:s1], $0x1F40  }
0xcc: {  	s15 =	sld [smem:$0x7F5]  }
0xcd: {  	[sflag:s1] =	ssyncset.done $0x0  }
0xce: {  	[sflag:s1] =	ssyncadd.s32 $0xFFFFE0C0  }
0xcf: {  	[tilespmem:s23], [sflag:$0x5] =	stream.indirect.gather [hbm4b:s9+s20], $0x40, s15, s20, $0xb8;
	[tilespmem:$0x1E8C0] =	vst v63  }
0xd0: {  	_ =	swait.ge [sflag:s5], $0x1F40  }
0xd1: {  	s16 =	sld [smem:$0x7F6]  }
0xd2: {  	[sflag:s5] =	ssyncset.done $0x0  }
0xd3: {  	[sflag:s5] =	ssyncadd.s32 $0xFFFFE0C0  }
0xd4: {  	[tilespmem:s24], [sflag:$0x6] =	stream.indirect.gather [hbm4b:s9+s20], $0x40, s16, s20, $0xb8;
	[tilespmem:$0x1E8C0] =	vst v63  }
0xd5: {  	_ =	swait.ge [sflag:s6], $0x1F40  }
0xd6: {  	s10 =	sld [smem:$0x7F7]  }
0xd7: {  	[sflag:s6] =	ssyncset.done $0x0  }
0xd8: {  	[sflag:s6] =	ssyncadd.s32 $0xFFFFE0C0  }
0xd9: {  	[tilespmem:s25], [sflag:$0x7] =	stream.indirect.gather [hbm4b:s9+s20], $0x40, s10, s20, $0xb8;
	[tilespmem:$0x1E8C0] =	vst v63  }
0xda: {  	_ =	swait.ge [sflag:s26], $0x1F40  }
0xdb: {  	s15 =	sld [smem:$0x7F8]  }
0xdc: {  	[sflag:s26] =	ssyncset.done $0x0  }
0xdd: {  	[sflag:s26] =	ssyncadd.s32 $0xFFFFE0C0  }
0xde: {  	[spmem:s2] =	stream.indirect.scatter.add.f32 [tilespmem:s21], [sflag:$0x8], $0x40, s15, s20, $0xb8;
	[tilespmem:$0x1E8C0] =	vst v63  }
0xdf: {  	_ =	swait.ge [sflag:s28], $0x1F40  }
0xe0: {  	s16 =	sld [smem:$0x7F9]  }
0xe1: {  	[sflag:s28] =	ssyncset.done $0x0  }
0xe2: {  	[sflag:s28] =	ssyncadd.s32 $0xFFFFE0C0  }
0xe3: {  	[spmem:s2] =	stream.indirect.scatter.add.f32 [tilespmem:s22], [sflag:$0x9], $0x40, s16, s20, $0xb8;
	[tilespmem:$0x1E8C0] =	vst v63  }
0xe4: {  	_ =	swait.ge [sflag:s29], $0x1F40  }
0xe5: {  	s10 =	sld [smem:$0x7FA]  }
0xe6: {  	[sflag:s29] =	ssyncset.done $0x0  }
0xe7: {  	[sflag:s29] =	ssyncadd.s32 $0xFFFFE0C0  }
0xe8: {  	[spmem:s2] =	stream.indirect.scatter.add.f32 [tilespmem:s23], [sflag:$0xA], $0x40, s10, s20, $0xb8;
	[tilespmem:$0x1E8C0] =	vst v63  }
0xe9: {  	_ =	swait.ge [sflag:s30], $0x1F40  }
0xea: {  	s15 =	sld [smem:$0x7FB]  }
0xeb: {  	[sflag:s30] =	ssyncset.done $0x0  }
0xec: {  	[sflag:s30] =	ssyncadd.s32 $0xFFFFE0C0  }
0xed: {  	[spmem:s2] =	stream.indirect.scatter.add.f32 [tilespmem:s24], [sflag:$0xB], $0x40, s15, s20, $0xb8;
	[tilespmem:$0x1E8C0] =	vst v63  }
0xee: {  	_ =	swait.ge [sflag:s31], $0x1F40  }
0xef: {  	s16 =	sld [smem:$0x7FC]  }
0xf0: {  	[sflag:s31] =	ssyncset.done $0x0  }
0xf1: {  	[sflag:s31] =	ssyncadd.s32 $0xFFFFE0C0  }
0xf2: {  	[spmem:s2] =	stream.indirect.scatter.add.f32 [tilespmem:s25], [sflag:$0xC], $0x40, s16, s20, $0xb8;
	[tilespmem:$0x1E8C0] =	vst v63  }
0xf3: {  	_ =	swait.ge [sflag:s0], $0x1F40  }
0xf4: {  	[sflag:s0] =	ssyncset.done $0x0  }
0xf5: {  	[sflag:s0] =	ssyncadd.s32 $0xFFFFE0C0  }
0xf6: {  	_ =	swait.ge [sflag:s4], $0x1F40  }
0xf7: {  	[sflag:s4] =	ssyncset.done $0x0  }
0xf8: {  	[sflag:s4] =	ssyncadd.s32 $0xFFFFE0C0  }
0xf9: {  	_ =	swait.ge [sflag:s1], $0x1F40  }
0xfa: {  	[sflag:s1] =	ssyncset.done $0x0  }
0xfb: {  	[sflag:s1] =	ssyncadd.s32 $0xFFFFE0C0  }
0xfc: {  	_ =	swait.ge [sflag:s5], $0x1F40  }
0xfd: {  	[sflag:s5] =	ssyncset.done $0x0  }
0xfe: {  	[sflag:s5] =	ssyncadd.s32 $0xFFFFE0C0  }
0xff: {  	_ =	swait.ge [sflag:s6], $0x1F40  }
0x100: {  	s7 =	simm.s32 $0x140;
	[sflag:s6] =	ssyncset.done $0x0  }
.LBB2_2:
0x101: {  	[sflag:s6] =	ssyncadd.s32 $0xFFFFE0C0  }
0x102: {  	_ =	swait.ge [sflag:s17], $0x500  }
0x103: {  	[sflag:s17] =	ssyncset.done $0x0  }
0x104: {  	[sflag:s17] =	ssyncadd.s32 $0xFFFFFB00  }
0x105: {  	s16 =	smov.u32 s7;
	_ =	swait.ge [sflag:s17], $0x500  }
0x106: {  	s10 =	sadd.s32 s16, s13;
	[sflag:s17] =	ssyncset.done $0x0  }
0x107: {  	s15 =	sadd.s32 s16, s12;
	s10 =	sadd.s32 $0xA0, s10;
	[sflag:s17] =	ssyncadd.s32 $0xFFFFFB00  }
0x108: {  	[tilespmem:s18], [sflag:$0x2] =	stream.linear.gather [hbm4b:s10+s3], $0x500, $0x38;
	[tilespmem:$0x1E8C0] =	vst v63  }
0x109: {  	s15 =	sadd.s32 $0xA0, s15  }
0x10a: {  	[tilespmem:s19], [sflag:$0x2] =	stream.linear.gather [hbm4b:s15+s3], $0x500, $0x38;
	[tilespmem:$0x1E8C0] =	vst v63  }
0x10b: {  	_ = 	snop  }
0x10c: {  	[tilespmem:s21], [sflag:$0x3] =	stream.indirect.gather [hbm4b:s9+s20], $0x40, s3, s20, $0xb8;
	[tilespmem:$0x1E8C0] =	vst v63  }
0x10d: {  	s10 =	rddreg [dreg:$0x4]  }
0x10e: {  	[tilespmem:s22], [sflag:$0x4] =	stream.indirect.gather [hbm4b:s9+s20], $0x40, s10, s20, $0xb8;
	[tilespmem:$0x1E8C0] =	vst v63  }
0x10f: {  	s15 =	rddreg [dreg:$0x5]  }
0x110: {  	[tilespmem:s23], [sflag:$0x5] =	stream.indirect.gather [hbm4b:s9+s20], $0x40, s15, s20, $0xb8;
	[tilespmem:$0x1E8C0] =	vst v63  }
0x111: {  	s10 =	rddreg [dreg:$0x6]  }
0x112: {  	[tilespmem:s24], [sflag:$0x6] =	stream.indirect.gather [hbm4b:s9+s20], $0x40, s10, s20, $0xb8;
	[tilespmem:$0x1E8C0] =	vst v63  }
0x113: {  	s15 =	rddreg [dreg:$0x7]  }
0x114: {  	[tilespmem:s25], [sflag:$0x7] =	stream.indirect.gather [hbm4b:s9+s20], $0x40, s15, s20, $0xb8;
	[tilespmem:$0x1E8C0] =	vst v63  }
0x115: {  	_ =	swait.ge [sflag:s26], $0x1F40  }
0x116: {  	[sflag:s26] =	ssyncset.done $0x0  }
0x117: {  	[sflag:s26] =	ssyncadd.s32 $0xFFFFE0C0  }
0x118: {  	[spmem:s2] =	stream.indirect.scatter.add.f32 [tilespmem:s21], [sflag:$0x8], $0x40, s14, s20, $0xb8;
	[tilespmem:$0x1E8C0] =	vst v63  }
0x119: {  	_ =	swait.ge [sflag:s28], $0x1F40  }
0x11a: {  	[sflag:s28] =	ssyncset.done $0x0  }
0x11b: {  	s15 =	rddreg [dreg:$0x8];
	[sflag:s28] =	ssyncadd.s32 $0xFFFFE0C0  }
0x11c: {  	[spmem:s2] =	stream.indirect.scatter.add.f32 [tilespmem:s22], [sflag:$0x9], $0x40, s15, s20, $0xb8;
	[tilespmem:$0x1E8C0] =	vst v63  }
0x11d: {  	_ =	swait.ge [sflag:s29], $0x1F40  }
0x11e: {  	[sflag:s29] =	ssyncset.done $0x0  }
0x11f: {  	s15 =	rddreg [dreg:$0x9];
	[sflag:s29] =	ssyncadd.s32 $0xFFFFE0C0  }
0x120: {  	[spmem:s2] =	stream.indirect.scatter.add.f32 [tilespmem:s23], [sflag:$0xA], $0x40, s15, s20, $0xb8;
	[tilespmem:$0x1E8C0] =	vst v63  }
0x121: {  	_ =	swait.ge [sflag:s30], $0x1F40  }
0x122: {  	[sflag:s30] =	ssyncset.done $0x0  }
0x123: {  	s15 =	rddreg [dreg:$0xa];
	[sflag:s30] =	ssyncadd.s32 $0xFFFFE0C0  }
0x124: {  	[spmem:s2] =	stream.indirect.scatter.add.f32 [tilespmem:s24], [sflag:$0xB], $0x40, s15, s20, $0xb8;
	[tilespmem:$0x1E8C0] =	vst v63  }
0x125: {  	_ =	swait.ge [sflag:s31], $0x1F40  }
0x126: {  	[sflag:s31] =	ssyncset.done $0x0  }
0x127: {  	s15 =	rddreg [dreg:$0xb];
	[sflag:s31] =	ssyncadd.s32 $0xFFFFE0C0  }
0x128: {  	[spmem:s2] =	stream.indirect.scatter.add.f32 [tilespmem:s25], [sflag:$0xC], $0x40, s15, s20, $0xb8;
	[tilespmem:$0x1E8C0] =	vst v63  }
0x129: {  	_ =	swait.ge [sflag:s0], $0x1F40  }
0x12a: {  	[sflag:s0] =	ssyncset.done $0x0  }
0x12b: {  	s15 =	rddreg [dreg:$0xc];
	[sflag:s0] =	ssyncadd.s32 $0xFFFFE0C0  }
0x12c: {  	[tilespmem:s21], [sflag:$0x3] =	stream.indirect.gather [hbm4b:s9+s20], $0x40, s15, s20, $0xb8;
	[tilespmem:$0x1E8C0] =	vst v63  }
0x12d: {  	_ =	swait.ge [sflag:s4], $0x1F40  }
0x12e: {  	[sflag:s4] =	ssyncset.done $0x0  }
0x12f: {  	s15 =	rddreg [dreg:$0xd];
	[sflag:s4] =	ssyncadd.s32 $0xFFFFE0C0  }
0x130: {  	[tilespmem:s22], [sflag:$0x4] =	stream.indirect.gather [hbm4b:s9+s20], $0x40, s15, s20, $0xb8;
	[tilespmem:$0x1E8C0] =	vst v63  }
0x131: {  	_ =	swait.ge [sflag:s1], $0x1F40  }
0x132: {  	[sflag:s1] =	ssyncset.done $0x0  }
0x133: {  	s15 =	rddreg [dreg:$0xe];
	[sflag:s1] =	ssyncadd.s32 $0xFFFFE0C0  }
0x134: {  	[tilespmem:s23], [sflag:$0x5] =	stream.indirect.gather [hbm4b:s9+s20], $0x40, s15, s20, $0xb8;
	[tilespmem:$0x1E8C0] =	vst v63  }
0x135: {  	_ =	swait.ge [sflag:s5], $0x1F40  }
0x136: {  	[sflag:s5] =	ssyncset.done $0x0  }
0x137: {  	s15 =	rddreg [dreg:$0xf];
	[sflag:s5] =	ssyncadd.s32 $0xFFFFE0C0  }
0x138: {  	[tilespmem:s24], [sflag:$0x6] =	stream.indirect.gather [hbm4b:s9+s20], $0x40, s15, s20, $0xb8;
	[tilespmem:$0x1E8C0] =	vst v63  }
0x139: {  	_ =	swait.ge [sflag:s6], $0x1F40  }
0x13a: {  	[sflag:s6] =	ssyncset.done $0x0  }
0x13b: {  	s15 =	rddreg [dreg:$0x10];
	[sflag:s6] =	ssyncadd.s32 $0xFFFFE0C0  }
0x13c: {  	[tilespmem:s25], [sflag:$0x7] =	stream.indirect.gather [hbm4b:s9+s20], $0x40, s15, s20, $0xb8;
	[tilespmem:$0x1E8C0] =	vst v63  }
0x13d: {  	_ =	swait.ge [sflag:s26], $0x1F40  }
0x13e: {  	[sflag:s26] =	ssyncset.done $0x0  }
0x13f: {  	s15 =	rddreg [dreg:$0x11];
	[sflag:s26] =	ssyncadd.s32 $0xFFFFE0C0  }
0x140: {  	[spmem:s2] =	stream.indirect.scatter.add.f32 [tilespmem:s21], [sflag:$0x8], $0x40, s15, s20, $0xb8;
	[tilespmem:$0x1E8C0] =	vst v63  }
0x141: {  	_ =	swait.ge [sflag:s28], $0x1F40  }
0x142: {  	[sflag:s28] =	ssyncset.done $0x0  }
0x143: {  	s15 =	rddreg [dreg:$0x12];
	[sflag:s28] =	ssyncadd.s32 $0xFFFFE0C0  }
0x144: {  	[spmem:s2] =	stream.indirect.scatter.add.f32 [tilespmem:s22], [sflag:$0x9], $0x40, s15, s20, $0xb8;
	[tilespmem:$0x1E8C0] =	vst v63  }
0x145: {  	_ =	swait.ge [sflag:s29], $0x1F40  }
0x146: {  	[sflag:s29] =	ssyncset.done $0x0  }
0x147: {  	s15 =	rddreg [dreg:$0x13];
	[sflag:s29] =	ssyncadd.s32 $0xFFFFE0C0  }
0x148: {  	[spmem:s2] =	stream.indirect.scatter.add.f32 [tilespmem:s23], [sflag:$0xA], $0x40, s15, s20, $0xb8;
	[tilespmem:$0x1E8C0] =	vst v63  }
0x149: {  	_ =	swait.ge [sflag:s30], $0x1F40  }
0x14a: {  	[sflag:s30] =	ssyncset.done $0x0  }
0x14b: {  	s15 =	rddreg [dreg:$0x14];
	[sflag:s30] =	ssyncadd.s32 $0xFFFFE0C0  }
0x14c: {  	[spmem:s2] =	stream.indirect.scatter.add.f32 [tilespmem:s24], [sflag:$0xB], $0x40, s15, s20, $0xb8;
	[tilespmem:$0x1E8C0] =	vst v63  }
0x14d: {  	_ =	swait.ge [sflag:s31], $0x1F40  }
0x14e: {  	[sflag:s31] =	ssyncset.done $0x0  }
0x14f: {  	s15 =	rddreg [dreg:$0x15];
	[sflag:s31] =	ssyncadd.s32 $0xFFFFE0C0  }
0x150: {  	[spmem:s2] =	stream.indirect.scatter.add.f32 [tilespmem:s25], [sflag:$0xC], $0x40, s15, s20, $0xb8;
	[tilespmem:$0x1E8C0] =	vst v63  }
0x151: {  	_ =	swait.ge [sflag:s0], $0x1F40  }
0x152: {  	[sflag:s0] =	ssyncset.done $0x0  }
0x153: {  	[sflag:s0] =	ssyncadd.s32 $0xFFFFE0C0  }
0x154: {  	_ =	swait.ge [sflag:s4], $0x1F40  }
0x155: {  	[sflag:s4] =	ssyncset.done $0x0  }
0x156: {  	[sflag:s4] =	ssyncadd.s32 $0xFFFFE0C0  }
0x157: {  	_ =	swait.ge [sflag:s1], $0x1F40  }
0x158: {  	[sflag:s1] =	ssyncset.done $0x0  }
0x159: {  	[sflag:s1] =	ssyncadd.s32 $0xFFFFE0C0  }
0x15a: {  	_ =	swait.ge [sflag:s5], $0x1F40  }
0x15b: {  	[sflag:s5] =	ssyncset.done $0x0  }
0x15c: {  	[sflag:s5] =	ssyncadd.s32 $0xFFFFE0C0  }
0x15d: {  	_ =	swait.ge [sflag:s6], $0x1F40  }
0x15e: {  	[sflag:s6] =	ssyncset.done $0x0  }
0x15f: {  	[sflag:s6] =	ssyncadd.s32 $0xFFFFE0C0  }
0x160: {  	_ =	swait.ge [sflag:s8], $0x500  }
0x161: {  	[sflag:s8] =	ssyncset.done $0x0  }
0x162: {  	p1 =	seq.s32 s16, $0x12C0;
	[sflag:s8] =	ssyncadd.s32 $0xFFFFFB00  }
0x163: {  	s10 =	sadd.s32 @!p1 s16, s13;
	_ =	swait.ge [sflag:s8], $0x500  }
0x164: {  	s10 =	sadd.s32 @!p1 $0x140, s10;
	[sflag:s8] =	ssyncset.done $0x0  }
0x165: {  	s15 =	sadd.s32 @!p1 s16, s12;
	s16 =	simm.s32 @!p1 $0x0;
	[sflag:s8] =	ssyncadd.s32 $0xFFFFFB00  }
0x166: {  	[tilespmem:s16], [sflag:$0x1] =	stream.linear.gather @!p1 [hbm4b:s10+s16], $0x500, $0x38;
	[tilespmem:$0x1E8C0] =	vst v63  }
0x167: {  	s10 =	sadd.s32 @!p1 $0x140, s15;
	s15 =	simm.s32 @!p1 $0xA00  }
0x168: {  	[tilespmem:s15], [sflag:$0x1] =	stream.linear.gather @!p1 [hbm4b:s10+s16], $0x500, $0x38;
	[tilespmem:$0x1E8C0] =	vst v63  }
0x169: {  	_ = 	snop  }
0x16a: {  	[tilespmem:s21], [sflag:$0x3] =	stream.indirect.gather [hbm4b:s9+s20], $0x40, s18, s20, $0xb8;
	[tilespmem:$0x1E8C0] =	vst v63  }
0x16b: {  	s15 =	rddreg [dreg:$0x16]  }
0x16c: {  	[tilespmem:s22], [sflag:$0x4] =	stream.indirect.gather [hbm4b:s9+s20], $0x40, s15, s20, $0xb8;
	[tilespmem:$0x1E8C0] =	vst v63  }
0x16d: {  	s16 =	rddreg [dreg:$0x17]  }
0x16e: {  	[tilespmem:s23], [sflag:$0x5] =	stream.indirect.gather [hbm4b:s9+s20], $0x40, s16, s20, $0xb8;
	[tilespmem:$0x1E8C0] =	vst v63  }
0x16f: {  	s10 =	rddreg [dreg:$0x18]  }
0x170: {  	[tilespmem:s24], [sflag:$0x6] =	stream.indirect.gather [hbm4b:s9+s20], $0x40, s10, s20, $0xb8;
	[tilespmem:$0x1E8C0] =	vst v63  }
0x171: {  	s16 =	rddreg [dreg:$0x19]  }
0x172: {  	[tilespmem:s25], [sflag:$0x7] =	stream.indirect.gather [hbm4b:s9+s20], $0x40, s16, s20, $0xb8;
	[tilespmem:$0x1E8C0] =	vst v63  }
0x173: {  	_ =	swait.ge [sflag:s26], $0x1F40  }
0x174: {  	[sflag:s26] =	ssyncset.done $0x0  }
0x175: {  	[sflag:s26] =	ssyncadd.s32 $0xFFFFE0C0  }
0x176: {  	[spmem:s2] =	stream.indirect.scatter.add.f32 [tilespmem:s21], [sflag:$0x8], $0x40, s19, s20, $0xb8;
	[tilespmem:$0x1E8C0] =	vst v63  }
0x177: {  	_ =	swait.ge [sflag:s28], $0x1F40  }
0x178: {  	[sflag:s28] =	ssyncset.done $0x0  }
0x179: {  	s15 =	rddreg [dreg:$0x1a];
	[sflag:s28] =	ssyncadd.s32 $0xFFFFE0C0  }
0x17a: {  	[spmem:s2] =	stream.indirect.scatter.add.f32 [tilespmem:s22], [sflag:$0x9], $0x40, s15, s20, $0xb8;
	[tilespmem:$0x1E8C0] =	vst v63  }
0x17b: {  	_ =	swait.ge [sflag:s29], $0x1F40  }
0x17c: {  	[sflag:s29] =	ssyncset.done $0x0  }
0x17d: {  	s16 =	rddreg [dreg:$0x1b];
	[sflag:s29] =	ssyncadd.s32 $0xFFFFE0C0  }
0x17e: {  	[spmem:s2] =	stream.indirect.scatter.add.f32 [tilespmem:s23], [sflag:$0xA], $0x40, s16, s20, $0xb8;
	[tilespmem:$0x1E8C0] =	vst v63  }
0x17f: {  	_ =	swait.ge [sflag:s30], $0x1F40  }
0x180: {  	[sflag:s30] =	ssyncset.done $0x0  }
0x181: {  	s15 =	rddreg [dreg:$0x1c];
	[sflag:s30] =	ssyncadd.s32 $0xFFFFE0C0  }
0x182: {  	[spmem:s2] =	stream.indirect.scatter.add.f32 [tilespmem:s24], [sflag:$0xB], $0x40, s15, s20, $0xb8;
	[tilespmem:$0x1E8C0] =	vst v63  }
0x183: {  	_ =	swait.ge [sflag:s31], $0x1F40  }
0x184: {  	[sflag:s31] =	ssyncset.done $0x0  }
0x185: {  	s16 =	rddreg [dreg:$0x1d];
	[sflag:s31] =	ssyncadd.s32 $0xFFFFE0C0  }
0x186: {  	[spmem:s2] =	stream.indirect.scatter.add.f32 [tilespmem:s25], [sflag:$0xC], $0x40, s16, s20, $0xb8;
	[tilespmem:$0x1E8C0] =	vst v63  }
0x187: {  	_ =	swait.ge [sflag:s0], $0x1F40  }
0x188: {  	[sflag:s0] =	ssyncset.done $0x0  }
0x189: {  	s15 =	rddreg [dreg:$0x1e];
	[sflag:s0] =	ssyncadd.s32 $0xFFFFE0C0  }
0x18a: {  	[tilespmem:s21], [sflag:$0x3] =	stream.indirect.gather [hbm4b:s9+s20], $0x40, s15, s20, $0xb8;
	[tilespmem:$0x1E8C0] =	vst v63  }
0x18b: {  	_ =	swait.ge [sflag:s4], $0x1F40  }
0x18c: {  	[sflag:s4] =	ssyncset.done $0x0  }
0x18d: {  	s16 =	rddreg [dreg:$0x1f];
	[sflag:s4] =	ssyncadd.s32 $0xFFFFE0C0  }
0x18e: {  	[tilespmem:s22], [sflag:$0x4] =	stream.indirect.gather [hbm4b:s9+s20], $0x40, s16, s20, $0xb8;
	[tilespmem:$0x1E8C0] =	vst v63  }
0x18f: {  	_ =	swait.ge [sflag:s1], $0x1F40  }
0x190: {  	s15 =	sld [smem:$0x7F5]  }
0x191: {  	[sflag:s1] =	ssyncset.done $0x0  }
0x192: {  	[sflag:s1] =	ssyncadd.s32 $0xFFFFE0C0  }
0x193: {  	[tilespmem:s23], [sflag:$0x5] =	stream.indirect.gather [hbm4b:s9+s20], $0x40, s15, s20, $0xb8;
	[tilespmem:$0x1E8C0] =	vst v63  }
0x194: {  	_ =	swait.ge [sflag:s5], $0x1F40  }
0x195: {  	s16 =	sld [smem:$0x7F6]  }
0x196: {  	[sflag:s5] =	ssyncset.done $0x0  }
0x197: {  	[sflag:s5] =	ssyncadd.s32 $0xFFFFE0C0  }
0x198: {  	[tilespmem:s24], [sflag:$0x6] =	stream.indirect.gather [hbm4b:s9+s20], $0x40, s16, s20, $0xb8;
	[tilespmem:$0x1E8C0] =	vst v63  }
0x199: {  	_ =	swait.ge [sflag:s6], $0x1F40  }
0x19a: {  	s15 =	sld [smem:$0x7F7]  }
0x19b: {  	[sflag:s6] =	ssyncset.done $0x0  }
0x19c: {  	[sflag:s6] =	ssyncadd.s32 $0xFFFFE0C0  }
0x19d: {  	[tilespmem:s25], [sflag:$0x7] =	stream.indirect.gather [hbm4b:s9+s20], $0x40, s15, s20, $0xb8;
	[tilespmem:$0x1E8C0] =	vst v63  }
0x19e: {  	_ =	swait.ge [sflag:s26], $0x1F40  }
0x19f: {  	s16 =	sld [smem:$0x7F8]  }
0x1a0: {  	[sflag:s26] =	ssyncset.done $0x0  }
0x1a1: {  	[sflag:s26] =	ssyncadd.s32 $0xFFFFE0C0  }
0x1a2: {  	[spmem:s2] =	stream.indirect.scatter.add.f32 [tilespmem:s21], [sflag:$0x8], $0x40, s16, s20, $0xb8;
	[tilespmem:$0x1E8C0] =	vst v63  }
0x1a3: {  	_ =	swait.ge [sflag:s28], $0x1F40  }
0x1a4: {  	s15 =	sld [smem:$0x7F9]  }
0x1a5: {  	[sflag:s28] =	ssyncset.done $0x0  }
0x1a6: {  	[sflag:s28] =	ssyncadd.s32 $0xFFFFE0C0  }
0x1a7: {  	[spmem:s2] =	stream.indirect.scatter.add.f32 [tilespmem:s22], [sflag:$0x9], $0x40, s15, s20, $0xb8;
	[tilespmem:$0x1E8C0] =	vst v63  }
0x1a8: {  	_ =	swait.ge [sflag:s29], $0x1F40  }
0x1a9: {  	s16 =	sld [smem:$0x7FA]  }
0x1aa: {  	[sflag:s29] =	ssyncset.done $0x0  }
0x1ab: {  	[sflag:s29] =	ssyncadd.s32 $0xFFFFE0C0  }
0x1ac: {  	[spmem:s2] =	stream.indirect.scatter.add.f32 [tilespmem:s23], [sflag:$0xA], $0x40, s16, s20, $0xb8;
	[tilespmem:$0x1E8C0] =	vst v63  }
0x1ad: {  	_ =	swait.ge [sflag:s30], $0x1F40  }
0x1ae: {  	s15 =	sld [smem:$0x7FB]  }
0x1af: {  	[sflag:s30] =	ssyncset.done $0x0  }
0x1b0: {  	[sflag:s30] =	ssyncadd.s32 $0xFFFFE0C0  }
0x1b1: {  	[spmem:s2] =	stream.indirect.scatter.add.f32 [tilespmem:s24], [sflag:$0xB], $0x40, s15, s20, $0xb8;
	[tilespmem:$0x1E8C0] =	vst v63  }
0x1b2: {  	_ =	swait.ge [sflag:s31], $0x1F40  }
0x1b3: {  	s16 =	sld [smem:$0x7FC]  }
0x1b4: {  	[sflag:s31] =	ssyncset.done $0x0  }
0x1b5: {  	[sflag:s31] =	ssyncadd.s32 $0xFFFFE0C0  }
0x1b6: {  	[spmem:s2] =	stream.indirect.scatter.add.f32 [tilespmem:s25], [sflag:$0xC], $0x40, s16, s20, $0xb8;
	[tilespmem:$0x1E8C0] =	vst v63  }
0x1b7: {  	_ =	swait.ge [sflag:s0], $0x1F40  }
0x1b8: {  	[sflag:s0] =	ssyncset.done $0x0  }
0x1b9: {  	[sflag:s0] =	ssyncadd.s32 $0xFFFFE0C0  }
0x1ba: {  	_ =	swait.ge [sflag:s4], $0x1F40  }
0x1bb: {  	[sflag:s4] =	ssyncset.done $0x0  }
0x1bc: {  	[sflag:s4] =	ssyncadd.s32 $0xFFFFE0C0  }
0x1bd: {  	_ =	swait.ge [sflag:s1], $0x1F40  }
0x1be: {  	s7 =	sadd.s32 $0x140, s7;
	[sflag:s1] =	ssyncset.done $0x0  }
0x1bf: {  	p0 =	sne.s32 s7, $0x1400;
	[sflag:s1] =	ssyncadd.s32 $0xFFFFE0C0  }
.Ltmp0:
0x1c0: {  	_ =	swait.ge [sflag:s5], $0x1F40;
	(pc) =	sbr.rel @p0 .LBB2_2-.Ltmp0, $4  }
0x1c1: {  	[sflag:s5] =	ssyncset.done $0x0  }
0x1c2: {  	[sflag:s5] =	ssyncadd.s32 $0xFFFFE0C0  }
0x1c3: {  	_ =	swait.ge [sflag:s6], $0x1F40  }
0x1c4: {  	[sflag:s6] =	ssyncset.done $0x0  }
0x1c5: {  	[sflag:s6] =	ssyncadd.s32 $0xFFFFE0C0  }
0x1c6: {  	[bflag:$0x0] =	sbarrier.arrive $0xFFFF  }
0x1c7: {  	s7 =	sld [smem:$0x7F1]  }
0x1c8: {  	s10 =	sld [smem:$0x7F3]  }
0x1c9: {  	s15 =	sld [smem:$0x7FD];
	_ =	sdelay $0x1  }
0x1ca: {  	s16 =	simm.s32 $0x10;
	s7 =	sor.u32 $0x1C0E, s7  }
0x1cb: {  	[hbm:s10@s16], [sflag:s7] =	dma.strided [spmem:s15@s0], $0x2710, s17, $0x8   }
0x1cc: {  	s10 =	simm.s32 $0xE  }
0x1cd: {  	_ =	swait.ge [sflag:s10], $0x2710  }
0x1ce: {  	s16 =	sld [smem:$0x7F4];
	_ =	sdelay $0x1  }
0x1cf: {  	s11 =	sadd.s32 $0x1, s11  }
0x1d0: {  	p0 =	sne.s32 s11, s16  }
.Ltmp1:
0x1d1: {  	_ = 	snop;
	(pc) =	sbr.rel @p0 .LBB2_1-.Ltmp1, $3  }
0x1d2: {  	_ =	sdelay $0x1  }
0x1d3: {  	[sflag:s10] =	ssyncset.done $0x0  }
0x1d4: {  	[sflag:s10] =	ssyncadd.s32 $0xFFFFD8F0  }
0x1d5: {  	_ =	sfence.sel $0x180000  }
0x1d6: {  	[bflag:$0x0] =	sbarrier.arrive $0xFFFF  }
0x1d7: {  	_ =	strace $0x9000004A  }
0x1d8: {  	s0 =	stileid.u32;
	[bflag:$0x2] =	sbarrier.arrive $0xFFFF  }
0x1d9: {  	p0 =	sne.s32 s0, $0x0;
	s0 =	rddreg [dreg:$0x3]  }
0x1da: {  	s0 =	sadd.s32 @!p0 $0x100000, s0  }
0x1db: {  	[sflag:s0] =	ssyncadd.tile.s32 @!p0 $0x1;
	_ =	shalt  }
.Lfunc_end2:
_tile_overlayer_lowered:
.L_overlay_start_2:
0x1dc: {  	(tag) =	ssettag $0x2  }
0x1dd: {  	s0 =	rddreg [dreg:$0x0];
	s2 =	stileid.u32  }
0x1de: {  	s1 =	rddreg [dreg:$0x1];
	p0 =	sne.s32 s2, $0x0  }
0x1df: {  	s3 =	rddreg [dreg:$0x2];
	[bflag:$0x3] =	sbarrier.arrive $0xFFFF;
	s2 =	simm.s32 @!p0 $0x1C0E  }
0x1e0: {  	[timem:s3], [sflag:s2] =	dma.local @!p0 [hbm:s0], s1  }
0x1e1: {  	s0 =	simm.s32 @!p0 $0xE  }
0x1e2: {  	_ =	swait.ge @!p0 [sflag:s0], s1  }
0x1e3: {  	s1 =	ssub.s32 @!p0 $0x0, s1;
	[sflag:s0] =	ssyncset.done @!p0 $0x0  }
0x1e4: {  	[sflag:s0] =	ssyncadd.s32 @!p0 s1  }
0x1e5: {  	[bflag:$0x3] =	sbarrier.arrive $0xFFFF  }
0x1e6: {  	_ =	shalt  }

</sc_bundles>
